<compile_context>
chip_gen: v7x
topology: tpu7x:2x2x1
jax: 0.10.2.dev20260603
libtpu: 0.0.44.dev20260713+nightly
codegen_flags: <defaults>
</compile_context>

<pallas_src>
import functools

import jax
import jax.numpy as jnp
from jax import lax
from jax.experimental import pallas as pl
from jax.experimental.pallas import tpu as pltpu
from jax.experimental.pallas import tpu_sc as plsc

_NUM_CLASSES = 3
_IMG = 800.0
_SCORE_THRESH = 0.05
_NMS_THRESH = 0.5
_DETS = 100
_CLIP = 4.135166556742356

_N = 20000
_NPAD = 20480
_ROWS = _NPAD // 128
_TROWS = 2 * _ROWS

_NEG_INF = float("-inf")


def _nms_body(i, carry, x1a, y1a, x2a, y2a, areas, idx2d, cls_band, col_iota, row_iota):
    sw, acc = carry
    m = jnp.max(sw)
    picked = m > _NEG_INF
    eq = sw == m
    j = jnp.min(jnp.where(eq, idx2d, jnp.int32(2**30)))
    eqj = idx2d == j
    zero = jnp.zeros_like(x1a)
    bx1 = jnp.sum(jnp.where(eqj, x1a, zero))
    by1 = jnp.sum(jnp.where(eqj, y1a, zero))
    bx2 = jnp.sum(jnp.where(eqj, x2a, zero))
    by2 = jnp.sum(jnp.where(eqj, y2a, zero))
    barea = (bx2 - bx1) * (by2 - by1)
    ltx = jnp.maximum(bx1, x1a)
    lty = jnp.maximum(by1, y1a)
    rbx = jnp.minimum(bx2, x2a)
    rby = jnp.minimum(by2, y2a)
    iw = jnp.maximum(rbx - ltx, 0.0)
    ih = jnp.maximum(rby - lty, 0.0)
    inter = iw * ih
    iou = inter / (barea + areas - inter + 1e-9)
    same_cls = cls_band == (j < _ROWS * 128)
    suppress = ((iou > _NMS_THRESH) & same_cls) | eqj
    sw = jnp.where(suppress, _NEG_INF, sw)
    lab = jnp.where(j < _ROWS * 128, 1.0, 2.0)
    val = jnp.where(row_iota == 0, bx1,
          jnp.where(row_iota == 1, by1,
          jnp.where(row_iota == 2, bx2,
          jnp.where(row_iota == 3, by2,
          jnp.where(row_iota == 4, m, lab)))))
    val = jnp.where(picked, val, 0.0)
    acc = jnp.where(col_iota == i, val, acc)
    return sw, acc


def _fused_kernel(logits_ref, reg_ref, prop_ref, out_ref):
    l0 = logits_ref[0]
    l1 = logits_ref[1]
    l2 = logits_ref[2]
    m = jnp.maximum(jnp.maximum(l0, l1), l2)
    e0 = jnp.exp(l0 - m)
    e1 = jnp.exp(l1 - m)
    e2 = jnp.exp(l2 - m)
    denom = e0 + e1 + e2
    scores = [e1 / denom, e2 / denom]

    px1 = prop_ref[0]
    py1 = prop_ref[1]
    px2 = prop_ref[2]
    py2 = prop_ref[3]
    widths = px2 - px1
    heights = py2 - py1
    ctr_x = px1 + 0.5 * widths
    ctr_y = py1 + 0.5 * heights

    x1s, y1s, x2s, y2s, sws = [], [], [], [], []
    for ci, c in enumerate((1, 2)):
        dx = reg_ref[4 * c + 0] * 0.1
        dy = reg_ref[4 * c + 1] * 0.1
        dw = jnp.minimum(reg_ref[4 * c + 2] * 0.2, _CLIP)
        dh = jnp.minimum(reg_ref[4 * c + 3] * 0.2, _CLIP)
        pcx = dx * widths + ctr_x
        pcy = dy * heights + ctr_y
        pw = jnp.exp(dw) * widths
        ph = jnp.exp(dh) * heights
        x1 = jnp.clip(pcx - 0.5 * pw, 0.0, _IMG)
        y1 = jnp.clip(pcy - 0.5 * ph, 0.0, _IMG)
        x2 = jnp.clip(pcx + 0.5 * pw, 0.0, _IMG)
        y2 = jnp.clip(pcy + 0.5 * ph, 0.0, _IMG)
        s = scores[ci]
        valid = (s > _SCORE_THRESH) & ((x2 - x1) >= 0.01) & ((y2 - y1) >= 0.01)
        sws.append(jnp.where(valid, s, _NEG_INF))
        x1s.append(x1)
        y1s.append(y1)
        x2s.append(x2)
        y2s.append(y2)

    x1a = jnp.concatenate(x1s, axis=0)
    y1a = jnp.concatenate(y1s, axis=0)
    x2a = jnp.concatenate(x2s, axis=0)
    y2a = jnp.concatenate(y2s, axis=0)
    sw = jnp.concatenate(sws, axis=0)
    areas = (x2a - x1a) * (y2a - y1a)

    rid = lax.broadcasted_iota(jnp.int32, (_TROWS, 128), 0)
    cid = lax.broadcasted_iota(jnp.int32, (_TROWS, 128), 1)
    idx2d = rid * 128 + cid
    cls_band = rid < _ROWS

    row8 = lax.broadcasted_iota(jnp.int32, (8, 128), 0)
    col8 = lax.broadcasted_iota(jnp.int32, (8, 128), 1)
    acc0 = jnp.zeros((8, 128), jnp.float32)

    body = functools.partial(
        _nms_body, x1a=x1a, y1a=y1a, x2a=x2a, y2a=y2a, areas=areas,
        idx2d=idx2d, cls_band=cls_band, col_iota=col8, row_iota=row8)
    _, acc = lax.fori_loop(0, _DETS, body, (sw, acc0))
    out_ref[...] = acc


def _run(logits_t, reg_t, prop_t, interpret=False):
    return pl.pallas_call(
        _fused_kernel,
        out_shape=jax.ShapeDtypeStruct((8, 128), jnp.float32),
        interpret=interpret,
    )(logits_t, reg_t, prop_t)


def kernel(class_logits, box_regression, proposals):
    return kernel_sc(class_logits, box_regression, proposals)


def kernel_tc(class_logits, box_regression, proposals):
    pad = _NPAD - _N
    lt = jnp.pad(class_logits, ((0, pad), (0, 0))).T.reshape(_NUM_CLASSES, _ROWS, 128)
    rt = jnp.pad(box_regression, ((0, pad), (0, 0))).T.reshape(4 * _NUM_CLASSES, _ROWS, 128)
    pt = jnp.pad(proposals, ((0, pad), (0, 0))).T.reshape(4, _ROWS, 128)
    out = _run(lt, rt, pt)
    boxes = out[0:4, :_DETS].T
    nm_scores = out[4, :_DETS]
    labels = out[5, :_DETS].astype(jnp.int32)
    return boxes, nm_scores, labels



_CAND = 40960
_CHUNK = 2560
_TAIL = _N - 7 * _CHUNK
_L2N = 160
_L3N = 10
_RG0 = 0
_PP0 = 12 * _CHUNK


def _iota16():
    return lax.broadcasted_iota(jnp.int32, (16,), 0)


def _sc_kernel(lg_hbm, rg_hbm, pp_hbm, boxes_hbm, scores_hbm, labels_hbm,
               bufA, bufB, swb, browb, t1, t2, t3,
               accall, boxrow, obox, osc, olb, swp, browp):
    t = lax.axis_index("s")
    iota = _iota16()
    neg = jnp.full((16,), _NEG_INF, jnp.float32)
    zv = jnp.zeros((16,), jnp.float32)
    lane0 = iota == 0

    c = 1 + t // 8
    n0 = (t % 8) * _CHUNK
    tail = (t % 8) == 7

    @pl.when(tail)
    def _dma_tail():
        pltpu.sync_copy(rg_hbm.at[pl.ds(n0 * 12, _TAIL * 12)],
                        bufA.at[pl.ds(_RG0, _TAIL * 12)])
        pltpu.sync_copy(pp_hbm.at[pl.ds(n0 * 4, _TAIL * 4)],
                        bufA.at[pl.ds(_PP0, _TAIL * 4)])
        pltpu.sync_copy(lg_hbm.at[pl.ds(n0 * 3, _TAIL * 3)],
                        bufB.at[pl.ds(0, _TAIL * 3)])

    @pl.when(jnp.logical_not(tail))
    def _dma_full():
        pltpu.sync_copy(rg_hbm.at[pl.ds(n0 * 12, _CHUNK * 12)],
                        bufA.at[pl.ds(_RG0, _CHUNK * 12)])
        pltpu.sync_copy(pp_hbm.at[pl.ds(n0 * 4, _CHUNK * 4)],
                        bufA.at[pl.ds(_PP0, _CHUNK * 4)])
        pltpu.sync_copy(lg_hbm.at[pl.ds(n0 * 3, _CHUNK * 3)],
                        bufB.at[pl.ds(0, _CHUNK * 3)])

    rbase = 4 * c

    def decode_body(i, _):
        col = i * 16 + iota
        l0 = plsc.load_gather(bufB, [col * 3])
        l1 = plsc.load_gather(bufB, [col * 3 + 1])
        l2 = plsc.load_gather(bufB, [col * 3 + 2])
        r12 = col * 12 + rbase
        dx = plsc.load_gather(bufA, [r12]) * 0.1
        dy = plsc.load_gather(bufA, [r12 + 1]) * 0.1
        dw = jnp.minimum(plsc.load_gather(bufA, [r12 + 2]) * 0.2, _CLIP)
        dh = jnp.minimum(plsc.load_gather(bufA, [r12 + 3]) * 0.2, _CLIP)
        p4 = _PP0 + col * 4
        px1 = plsc.load_gather(bufA, [p4])
        py1 = plsc.load_gather(bufA, [p4 + 1])
        px2 = plsc.load_gather(bufA, [p4 + 2])
        py2 = plsc.load_gather(bufA, [p4 + 3])
        w = px2 - px1
        h = py2 - py1
        cx = px1 + 0.5 * w
        cy = py1 + 0.5 * h
        pcx = dx * w + cx
        pcy = dy * h + cy
        pw = jnp.exp(dw) * w
        ph = jnp.exp(dh) * h
        x1 = jnp.clip(pcx - 0.5 * pw, 0.0, _IMG)
        y1 = jnp.clip(pcy - 0.5 * ph, 0.0, _IMG)
        x2 = jnp.clip(pcx + 0.5 * pw, 0.0, _IMG)
        y2 = jnp.clip(pcy + 0.5 * ph, 0.0, _IMG)
        mx = jnp.maximum(jnp.maximum(l0, l1), l2)
        e0 = jnp.exp(l0 - mx)
        e1 = jnp.exp(l1 - mx)
        e2 = jnp.exp(l2 - mx)
        den = e0 + e1 + e2
        s = jnp.where(c == 1, e1, e2) / den
        valid = ((s > _SCORE_THRESH) & ((x2 - x1) >= 0.01)
                 & ((y2 - y1) >= 0.01) & (n0 + col < _N))
        sw = jnp.where(valid, s, neg)
        plsc.store_scatter(swb, [col], sw)
        r8 = col * 8
        plsc.store_scatter(browb, [r8 + 0], x1)
        plsc.store_scatter(browb, [r8 + 1], y1)
        plsc.store_scatter(browb, [r8 + 2], x2)
        plsc.store_scatter(browb, [r8 + 3], y2)
        return 0

    lax.fori_loop(0, _CHUNK // 16, decode_body, 0)

    base = t * _CHUNK
    pltpu.sync_copy(swb, swp.at[pl.ds(base, _CHUNK)])
    pltpu.sync_copy(browb, browp.at[pl.ds(base * 8, _CHUNK * 8)])
    plsc.subcore_barrier()

    @pl.when(t == 0)
    def _nms():
        pltpu.sync_copy(swp, bufA)

        for k in range(672 // 16):
            accall[pl.ds(k * 16, 16)] = zv
        for k in range(112 // 16):
            osc[pl.ds(k * 16, 16)] = zv
            olb[pl.ds(k * 16, 16)] = jnp.zeros((16,), jnp.int32)
        for k in range(400 // 16):
            fl = k * 16 + iota
            plsc.store_scatter(obox, [fl >> 2, fl & 3], zv)

        def l1_body(i, _):
            a = bufA[pl.ds(i * 16, 16)]
            for mi in range(1, 16):
                a = jnp.maximum(a, bufA[pl.ds(i * 16 + mi * _CHUNK, 16)])
            t1[pl.ds(i * 16, 16)] = a
            return 0

        lax.fori_loop(0, _CHUNK // 16, l1_body, 0)

        for i in range(_L2N // 16):
            a = t1[pl.ds(i * 16, 16)]
            for mi in range(1, 16):
                a = jnp.maximum(a, t1[pl.ds(i * 16 + mi * _L2N, 16)])
            t2[pl.ds(i * 16, 16)] = a

        t3v = neg
        for p in range(_L3N):
            t3v = jnp.where(iota == p, jnp.max(t2[pl.ds(p * 16, 16)]), t3v)
        t3[...] = t3v

        m0 = jnp.max(t3[...])

        def pop_cond(carry):
            m, nacc = carry
            return (m > _NEG_INF) & (nacc < _DETS)

        def pop_body(carry):
            m, nacc = carry
            t3c = t3[...]
            e3 = jnp.max(plsc.all_reduce_ffs(t3c == m))
            v2 = plsc.load_gather(t2, [e3 * 16 + iota])
            e2 = jnp.max(plsc.all_reduce_ffs(v2 == m))
            w = e3 * 16 + e2
            v1 = plsc.load_gather(t1, [w + _L2N * iota])
            e1 = jnp.max(plsc.all_reduce_ffs(v1 == m))
            v = w + _L2N * e1
            v0 = plsc.load_gather(bufA, [v + _CHUNK * iota])
            e0 = jnp.max(plsc.all_reduce_ffs(v0 == m))
            j = v + _CHUNK * e0
            pltpu.sync_copy(browp.at[pl.ds(j * 8, 16)], boxrow)
            z16 = iota * 0
            bx1 = plsc.load_gather(boxrow, [z16])
            by1 = plsc.load_gather(boxrow, [z16 + 1])
            bx2 = plsc.load_gather(boxrow, [z16 + 2])
            by2 = plsc.load_gather(boxrow, [z16 + 3])
            barea = (bx2 - bx1) * (by2 - by1)
            clsj = jnp.where(j < _NPAD, 1.0, 2.0)
            def iou_chunk(k, bad):
                a1v = accall[pl.ds(k * 16, 16)]
                b1v = accall[pl.ds(112 + k * 16, 16)]
                a2v = accall[pl.ds(224 + k * 16, 16)]
                b2v = accall[pl.ds(336 + k * 16, 16)]
                aav = accall[pl.ds(448 + k * 16, 16)]
                aclv = accall[pl.ds(560 + k * 16, 16)]
                ltx = jnp.maximum(a1v, bx1)
                lty = jnp.maximum(b1v, by1)
                rbx = jnp.minimum(a2v, bx2)
                rby = jnp.minimum(b2v, by2)
                iw = jnp.maximum(rbx - ltx, 0.0)
                ih = jnp.maximum(rby - lty, 0.0)
                inter = iw * ih
                iou = inter / (aav + barea - inter + 1e-9)
                b = (iou > _NMS_THRESH) & (aclv == clsj)
                return bad | b

            nchunks = (nacc + 15) // 16
            bad = lax.fori_loop(0, nchunks, iou_chunk,
                                jnp.zeros((16,), jnp.bool_))
            accept = jnp.logical_not(jnp.any(bad))

            @pl.when(accept)
            def _store():
                vals = jnp.where(iota == 0, bx1,
                       jnp.where(iota == 1, by1,
                       jnp.where(iota == 2, bx2,
                       jnp.where(iota == 3, by2,
                       jnp.where(iota == 4, barea, clsj)))))
                plsc.store_scatter(accall, [nacc + 112 * iota], vals,
                                   mask=iota < 6)
                plsc.store_scatter(obox, [jnp.broadcast_to(nacc, (16,)), iota],
                                   vals, mask=iota < 4)
                plsc.store_scatter(osc, [jnp.broadcast_to(nacc, (16,))],
                                   jnp.broadcast_to(m, (16,)), mask=lane0)
                plsc.store_scatter(olb, [jnp.broadcast_to(nacc, (16,))],
                                   jnp.broadcast_to(clsj.astype(jnp.int32),
                                                    (16,)), mask=lane0)

            v0n = jnp.where(iota == e0, neg, v0)
            l1v = jnp.max(v0n)
            v1n = jnp.where(iota == e1, l1v, v1)
            l2v = jnp.max(v1n)
            v2n = jnp.where(iota == e2, l2v, v2)
            l3v = jnp.max(v2n)
            t3n = jnp.where(iota == e3, l3v, t3c)
            t3[...] = t3n
            plsc.store_scatter(bufA, [jnp.broadcast_to(j, (16,))], neg,
                               mask=lane0)
            plsc.store_scatter(t1, [jnp.broadcast_to(v, (16,))],
                               jnp.broadcast_to(l1v, (16,)), mask=lane0)
            plsc.store_scatter(t2, [jnp.broadcast_to(w, (16,))],
                               jnp.broadcast_to(l2v, (16,)), mask=lane0)
            m2 = jnp.max(t3n)
            return m2, nacc + jnp.where(accept, 1, 0)

        lax.while_loop(pop_cond, pop_body, (m0, jnp.int32(0)))
        pltpu.sync_copy(obox, boxes_hbm)
        pltpu.sync_copy(osc.at[pl.ds(0, _DETS)], scores_hbm)
        pltpu.sync_copy(olb.at[pl.ds(0, _DETS)], labels_hbm)


def _make_sc_call():
    mesh = plsc.VectorSubcoreMesh(core_axis_name="c", subcore_axis_name="s",
                                  num_cores=1)
    f32 = jnp.float32
    return pl.kernel(
        _sc_kernel,
        out_type=(
            jax.ShapeDtypeStruct((_DETS, 4), f32),
            jax.ShapeDtypeStruct((_DETS,), f32),
            jax.ShapeDtypeStruct((_DETS,), jnp.int32),
        ),
        mesh=mesh,
        compiler_params=pltpu.CompilerParams(needs_layout_passes=False),
        scratch_types=[
            pltpu.VMEM((16 * _CHUNK,), f32),
            pltpu.VMEM((3 * _CHUNK,), f32),
            pltpu.VMEM((_CHUNK,), f32),
            pltpu.VMEM((_CHUNK * 8,), f32),
            pltpu.VMEM((_CHUNK,), f32),
            pltpu.VMEM((_L2N,), f32),
            pltpu.VMEM((16,), f32),
            pltpu.VMEM((672,), f32),
            pltpu.VMEM((16,), f32),
            pltpu.VMEM((_DETS, 4), f32),
            pltpu.VMEM((112,), f32),
            pltpu.VMEM((112,), jnp.int32),
            pltpu.VMEM_SHARED((_CAND,), f32),
            pltpu.VMEM_SHARED((_CAND * 8 + 8,), f32),
        ],
    )


def kernel_sc(class_logits, box_regression, proposals):
    boxes, nm_scores, labels = _make_sc_call()(
        class_logits.reshape(-1), box_regression.reshape(-1),
        proposals.reshape(-1))
    return boxes, nm_scores, labels

# --- scband reference (transcript-rebuilt; emitter-appended) ---
"""Pipeline reference for scband-faster-rcnnsoft-labels-43198781063709 (READ-ONLY COPY).

The authoritative reference and input builder live on the scoring server;
editing this copy changes nothing except your own understanding.
"""

import jax, jax.numpy as jnp
import numpy as np

NUM_CLASSES = 3
IMG_H, IMG_W = 800.0, 800.0
SCORE_THRESH = 0.05
NMS_THRESH = 0.5
DETS_PER_IMG = 100
BBOX_XFORM_CLIP = float(np.log(1000.0 / 16.0))


def setup_inputs(seed: int = 0):
    key = jax.random.key(seed)
    k1, k2, k3, k4 = jax.random.split(key, 4)
    N = 20000
    class_logits = jax.random.normal(k1, (N, NUM_CLASSES), dtype=jnp.float32)
    box_regression = jax.random.normal(k2, (N, NUM_CLASSES * 4), dtype=jnp.float32) * 0.5
    xy = jax.random.uniform(k3, (N, 2), minval=0.0, maxval=700.0)
    wh = jax.random.uniform(k4, (N, 2), minval=8.0, maxval=96.0)
    proposals = jnp.concatenate([xy, xy + wh], axis=1).astype(jnp.float32)
    return {"class_logits": class_logits, "box_regression": box_regression, "proposals": proposals}


def _decode(rel_codes, boxes):
    # BoxCoder weights (10, 10, 5, 5), matching postprocess_detections
    wx, wy, ww, wh_w = 10.0, 10.0, 5.0, 5.0
    widths = boxes[:, 2] - boxes[:, 0]
    heights = boxes[:, 3] - boxes[:, 1]
    ctr_x = boxes[:, 0] + 0.5 * widths
    ctr_y = boxes[:, 1] + 0.5 * heights
    dx = rel_codes[:, :, 0] / wx
    dy = rel_codes[:, :, 1] / wy
    dw = rel_codes[:, :, 2] / ww
    dh = rel_codes[:, :, 3] / wh_w
    dw = jnp.minimum(dw, BBOX_XFORM_CLIP)
    dh = jnp.minimum(dh, BBOX_XFORM_CLIP)
    pred_ctr_x = dx * widths[:, None] + ctr_x[:, None]
    pred_ctr_y = dy * heights[:, None] + ctr_y[:, None]
    pred_w = jnp.exp(dw) * widths[:, None]
    pred_h = jnp.exp(dh) * heights[:, None]
    x1 = pred_ctr_x - 0.5 * pred_w
    y1 = pred_ctr_y - 0.5 * pred_h
    x2 = pred_ctr_x + 0.5 * pred_w
    y2 = pred_ctr_y + 0.5 * pred_h
    return jnp.stack([x1, y1, x2, y2], axis=-1)  # [N, C, 4]


def _iou_one_to_many(box, boxes):
    lt = jnp.maximum(box[:2], boxes[:, :2])
    rb = jnp.minimum(box[2:], boxes[:, 2:])
    whd = jnp.maximum(rb - lt, 0.0)
    inter = whd[:, 0] * whd[:, 1]
    area1 = (box[2] - box[0]) * (box[3] - box[1])
    area2 = (boxes[:, 2] - boxes[:, 0]) * (boxes[:, 3] - boxes[:, 1])
    return inter / (area1 + area2 - inter + 1e-9)


def _postprocess(class_logits, box_regression, proposals):
    N = class_logits.shape[0]
    rel = box_regression.reshape(N, NUM_CLASSES, 4)
    boxes = _decode(rel, proposals)  # [N, C, 4]
    scores = jax.nn.softmax(class_logits, axis=-1)  # [N, C]
    # clip boxes to image
    x1 = jnp.clip(boxes[..., 0], 0.0, IMG_W)
    y1 = jnp.clip(boxes[..., 1], 0.0, IMG_H)
    x2 = jnp.clip(boxes[..., 2], 0.0, IMG_W)
    y2 = jnp.clip(boxes[..., 3], 0.0, IMG_H)
    boxes = jnp.stack([x1, y1, x2, y2], axis=-1)
    labels = jnp.broadcast_to(jnp.arange(NUM_CLASSES, dtype=jnp.int32)[None, :], (N, NUM_CLASSES))
    # drop background class 0
    boxes = boxes[:, 1:, :].reshape(-1, 4)
    scores = scores[:, 1:].reshape(-1)
    labels = labels[:, 1:].reshape(-1)
    ws = boxes[:, 2] - boxes[:, 0]
    hs = boxes[:, 3] - boxes[:, 1]
    # score threshold + remove_small_boxes(min_size=0.01), as masking
    valid = (scores > SCORE_THRESH) & (ws >= 0.01) & (hs >= 0.01)
    scores_work = jnp.where(valid, scores, -jnp.inf)
    # batched_nms via per-class coordinate offset
    offset = labels.astype(jnp.float32)[:, None] * (jnp.maximum(IMG_H, IMG_W) + 1.0)
    boxes_off = boxes + offset

    def body(i, carry):
        sw, kb, ks, kl = carry
        j = jnp.argmax(sw)
        best_score = sw[j]
        ious = _iou_one_to_many(boxes_off[j], boxes_off)
        suppress = ious > NMS_THRESH
        sw = jnp.where(suppress, -jnp.inf, sw)
        sw = sw.at[j].set(-jnp.inf)
        picked = best_score > -jnp.inf
        kb = kb.at[i].set(jnp.where(picked, boxes[j], jnp.zeros((4,), boxes.dtype)))
        ks = ks.at[i].set(jnp.where(picked, scores[j], jnp.array(0.0, scores.dtype)))
        kl = kl.at[i].set(jnp.where(picked, labels[j], jnp.array(0, labels.dtype)))
        return (sw, kb, ks, kl)

    kb0 = jnp.zeros((DETS_PER_IMG, 4), dtype=boxes.dtype)
    ks0 = jnp.zeros((DETS_PER_IMG,), dtype=scores.dtype)
    kl0 = jnp.zeros((DETS_PER_IMG,), dtype=labels.dtype)
    _, kb, ks, kl = jax.lax.fori_loop(0, DETS_PER_IMG, body, (scores_work, kb0, ks0, kl0))
    return kb, ks, kl


def reference(class_logits, box_regression, proposals):
    boxes, scores, labels = _postprocess(class_logits, box_regression, proposals)
    return boxes, scores, labels

if __name__ == "__main__":
    import jax
    _d = setup_inputs()
    print(jax.jit(kernel)(*tuple(_d.values())))

</pallas_src>

<mosaic_0001>
#map = affine_map<(d0, d1) -> (0)>
#map1 = affine_map<(d0, d1) -> (0, 0)>
module attributes {stable_mosaic.version = 14 : i64} {
  func.func @_sc_kernel(%arg0: i32, %arg1: i32, %arg2: memref<60000xf32, #tpu.memory_space<hbm>>, %arg3: memref<240000xf32, #tpu.memory_space<hbm>>, %arg4: memref<80000xf32, #tpu.memory_space<hbm>>, %arg5: memref<100x4xf32, #tpu.memory_space<hbm>>, %arg6: memref<100xf32, #tpu.memory_space<hbm>>, %arg7: memref<100xi32, #tpu.memory_space<hbm>>, %arg8: memref<40960xf32, #tpu.memory_space<vmem>>, %arg9: memref<7680xf32, #tpu.memory_space<vmem>>, %arg10: memref<2560xf32, #tpu.memory_space<vmem>>, %arg11: memref<20480xf32, #tpu.memory_space<vmem>>, %arg12: memref<2560xf32, #tpu.memory_space<vmem>>, %arg13: memref<160xf32, #tpu.memory_space<vmem>>, %arg14: memref<16xf32, #tpu.memory_space<vmem>>, %arg15: memref<672xf32, #tpu.memory_space<vmem>>, %arg16: memref<16xf32, #tpu.memory_space<vmem>>, %arg17: memref<100x4xf32, #tpu.memory_space<vmem>>, %arg18: memref<112xf32, #tpu.memory_space<vmem>>, %arg19: memref<112xi32, #tpu.memory_space<vmem>>, %arg20: memref<40960xf32, #tpu.memory_space<vmem_shared>>, %arg21: memref<327688xf32, #tpu.memory_space<vmem_shared>>) attributes {dimension_semantics = [#tpu.dimension_semantics<core_parallel>, #tpu.dimension_semantics<subcore_parallel>], iteration_bounds = array<i64: 1, 16>, scalar_prefetch = 0 : i64, scratch_operands = 14 : i64, tpu.core_type = #tpu.core_type<sc_vector_subcore>, window_params = [{transform_indices = #map}, {transform_indices = #map}, {transform_indices = #map}, {transform_indices = #map1}, {transform_indices = #map}, {transform_indices = #map}]} {
    %iota3A = tpu.iota {dimensions = array<i32: 0>} : vector<16xi32>
    %broadcast_in_dim3A = arith.constant 0xFF800000 : f32
    %broadcast_in_dim3A_0 = vector.broadcast %broadcast_in_dim3A : f32 to vector<16xf32>
    %broadcast_in_dim3A_1 = arith.constant 0.000000e+00 : f32
    %broadcast_in_dim3A_2 = vector.broadcast %broadcast_in_dim3A_1 : f32 to vector<16xf32>
    %eq3A = arith.constant 0 : i32
    %eq3A_3 = vector.broadcast %eq3A : i32 to vector<16xi32>
    %eq3A_4 = arith.cmpi eq, %iota3A, %eq3A_3 : vector<16xi32>
    %jit3A = arith.constant 8 : i32
    %div3A = arith.divsi %arg1, %jit3A : i32
    %sign3A = arith.constant 0 : i32
    %sign3A_5 = arith.cmpi sgt, %arg1, %sign3A : i32
    %sign3A_6 = arith.extui %sign3A_5 : i1 to i32
    %sign3A_7 = arith.constant 0 : i32
    %sign3A_8 = arith.cmpi slt, %arg1, %sign3A_7 : i32
    %sign3A_9 = arith.extui %sign3A_8 : i1 to i32
    %sign3A_10 = arith.subi %sign3A_6, %sign3A_9 : i32
    %sign3A_11 = arith.constant 0 : i32
    %sign3A_12 = arith.cmpi sgt, %jit3A, %sign3A_11 : i32
    %sign3A_13 = arith.extui %sign3A_12 : i1 to i32
    %sign3A_14 = arith.constant 0 : i32
    %sign3A_15 = arith.cmpi slt, %jit3A, %sign3A_14 : i32
    %sign3A_16 = arith.extui %sign3A_15 : i1 to i32
    %sign3A_17 = arith.subi %sign3A_13, %sign3A_16 : i32
    %ne3A = arith.cmpi ne, %sign3A_10, %sign3A_17 : i32
    %rem3A = arith.remsi %arg1, %jit3A : i32
    %ne3A_18 = arith.constant 0 : i32
    %ne3A_19 = arith.cmpi ne, %rem3A, %ne3A_18 : i32
    %and3A = arith.andi %ne3A, %ne3A_19 : i1
    %sub3A = arith.constant 1 : i32
    %sub3A_20 = arith.subi %div3A, %sub3A : i32
    %select_n3A = arith.select %and3A, %sub3A_20, %div3A : i32
    %add3A = arith.constant 1 : i32
    %add3A_21 = arith.addi %add3A, %select_n3A : i32
    %jit3A_22 = arith.constant 8 : i32
    %eq3A_23 = arith.constant 0 : i32
    %eq3A_24 = arith.cmpi eq, %jit3A_22, %eq3A_23 : i32
    %jit3A_25 = arith.constant 1 : i32
    %select_n3A_26 = arith.select %eq3A_24, %jit3A_25, %jit3A_22 : i32
    %rem3A_27 = arith.remsi %arg1, %select_n3A_26 : i32
    %ne3A_28 = arith.constant 0 : i32
    %ne3A_29 = arith.cmpi ne, %rem3A_27, %ne3A_28 : i32
    %lt3A = arith.constant 0 : i32
    %lt3A_30 = arith.cmpi slt, %rem3A_27, %lt3A : i32
    %lt3A_31 = arith.constant 0 : i32
    %lt3A_32 = arith.cmpi slt, %select_n3A_26, %lt3A_31 : i32
    %ne3A_33 = arith.xori %lt3A_30, %lt3A_32 : i1
    %and3A_34 = arith.andi %ne3A_33, %ne3A_29 : i1
    %add3A_35 = arith.addi %rem3A_27, %select_n3A_26 : i32
    %select_n3A_36 = arith.select %and3A_34, %add3A_35, %rem3A_27 : i32
    %mul3A = arith.constant 2560 : i32
    %mul3A_37 = arith.muli %select_n3A_36, %mul3A : i32
    %jit3A_38 = arith.constant 8 : i32
    %eq3A_39 = arith.constant 0 : i32
    %eq3A_40 = arith.cmpi eq, %jit3A_38, %eq3A_39 : i32
    %jit3A_41 = arith.constant 1 : i32
    %select_n3A_42 = arith.select %eq3A_40, %jit3A_41, %jit3A_38 : i32
    %rem3A_43 = arith.remsi %arg1, %select_n3A_42 : i32
    %ne3A_44 = arith.constant 0 : i32
    %ne3A_45 = arith.cmpi ne, %rem3A_43, %ne3A_44 : i32
    %lt3A_46 = arith.constant 0 : i32
    %lt3A_47 = arith.cmpi slt, %rem3A_43, %lt3A_46 : i32
    %lt3A_48 = arith.constant 0 : i32
    %lt3A_49 = arith.cmpi slt, %select_n3A_42, %lt3A_48 : i32
    %ne3A_50 = arith.xori %lt3A_47, %lt3A_49 : i1
    %and3A_51 = arith.andi %ne3A_50, %ne3A_45 : i1
    %add3A_52 = arith.addi %rem3A_43, %select_n3A_42 : i32
    %select_n3A_53 = arith.select %and3A_51, %add3A_52, %rem3A_43 : i32
    %eq3A_54 = arith.constant 7 : i32
    %eq3A_55 = arith.cmpi eq, %select_n3A_53, %eq3A_54 : i32
    %convert_element_type3A = arith.extui %eq3A_55 : i1 to i32
    %cond3A = arith.constant 0 : i32
    %cond3A_56 = arith.cmpi ne, %convert_element_type3A, %cond3A : i32
    scf.if %cond3A_56 {
      %mul3A_78 = arith.constant 12 : i32
      %mul3A_79 = arith.muli %mul3A_37, %mul3A_78 : i32
      "tpu.region"() ({
        %run_scoped3A = tpu.sem_alloc : memref<!tpu.dma_semaphore, #tpu.memory_space<semaphore_mem>>
        %dma_start3A = arith.constant 0 : i32
        %dma_start3A_84 = tpu.memref_slice %arg8[%dma_start3A] : memref<40960xf32, #tpu.memory_space<vmem>> -> memref<24960xf32, #tpu.memory_space<vmem>>
        %dma_start3A_85 = tpu.memref_slice %arg3[%mul3A_79] : memref<240000xf32, #tpu.memory_space<hbm>> -> memref<24960xf32, #tpu.memory_space<hbm>>
        %dma_start3A_86 = arith.constant 0 : i32
        %dma_start3A_87 = tpu.memref_slice %arg8[%dma_start3A_86] : memref<40960xf32, #tpu.memory_space<vmem>> -> memref<24960xf32, #tpu.memory_space<vmem>>
        %dma_start3A_88 = tpu.memref_slice %arg3[%mul3A_79] : memref<240000xf32, #tpu.memory_space<hbm>> -> memref<24960xf32, #tpu.memory_space<hbm>>
        tpu.enqueue_dma source(%dma_start3A_88 : memref<24960xf32, #tpu.memory_space<hbm>>) target(%dma_start3A_87 : memref<24960xf32, #tpu.memory_space<vmem>>) target_semaphore(%run_scoped3A : memref<!tpu.dma_semaphore, #tpu.memory_space<semaphore_mem>>)
        %dma_wait3A = arith.constant 0 : i32
        %dma_wait3A_89 = tpu.memref_slice %arg8[%dma_wait3A] : memref<40960xf32, #tpu.memory_space<vmem>> -> memref<24960xf32, #tpu.memory_space<vmem>>
        %dma_wait3A_90 = tpu.memref_slice %arg3[%mul3A_79] : memref<240000xf32, #tpu.memory_space<hbm>> -> memref<24960xf32, #tpu.memory_space<hbm>>
        %dma_wait3A_91 = arith.constant 0 : i32
        %dma_wait3A_92 = tpu.memref_slice %arg8[%dma_wait3A_91] : memref<40960xf32, #tpu.memory_space<vmem>> -> memref<24960xf32, #tpu.memory_space<vmem>>
        %dma_wait3A_93 = tpu.memref_slice %arg3[%mul3A_79] : memref<240000xf32, #tpu.memory_space<hbm>> -> memref<24960xf32, #tpu.memory_space<hbm>>
        tpu.wait_dma2 semaphore(%run_scoped3A : memref<!tpu.dma_semaphore, #tpu.memory_space<semaphore_mem>>) src(%dma_wait3A_93 : memref<24960xf32, #tpu.memory_space<hbm>>) dst(%dma_wait3A_92 : memref<24960xf32, #tpu.memory_space<vmem>>)
        tpu.yield
      }) : () -> ()
      %mul3A_80 = arith.constant 4 : i32
      %mul3A_81 = arith.muli %mul3A_37, %mul3A_80 : i32
      "tpu.region"() ({
        %run_scoped3A = tpu.sem_alloc : memref<!tpu.dma_semaphore, #tpu.memory_space<semaphore_mem>>
        %dma_start3A = arith.constant 30720 : i32
        %dma_start3A_84 = tpu.memref_slice %arg8[%dma_start3A] : memref<40960xf32, #tpu.memory_space<vmem>> -> memref<8320xf32, #tpu.memory_space<vmem>>
        %dma_start3A_85 = tpu.memref_slice %arg4[%mul3A_81] : memref<80000xf32, #tpu.memory_space<hbm>> -> memref<8320xf32, #tpu.memory_space<hbm>>
        %dma_start3A_86 = arith.constant 30720 : i32
        %dma_start3A_87 = tpu.memref_slice %arg8[%dma_start3A_86] : memref<40960xf32, #tpu.memory_space<vmem>> -> memref<8320xf32, #tpu.memory_space<vmem>>
        %dma_start3A_88 = tpu.memref_slice %arg4[%mul3A_81] : memref<80000xf32, #tpu.memory_space<hbm>> -> memref<8320xf32, #tpu.memory_space<hbm>>
        tpu.enqueue_dma source(%dma_start3A_88 : memref<8320xf32, #tpu.memory_space<hbm>>) target(%dma_start3A_87 : memref<8320xf32, #tpu.memory_space<vmem>>) target_semaphore(%run_scoped3A : memref<!tpu.dma_semaphore, #tpu.memory_space<semaphore_mem>>)
        %dma_wait3A = arith.constant 30720 : i32
        %dma_wait3A_89 = tpu.memref_slice %arg8[%dma_wait3A] : memref<40960xf32, #tpu.memory_space<vmem>> -> memref<8320xf32, #tpu.memory_space<vmem>>
        %dma_wait3A_90 = tpu.memref_slice %arg4[%mul3A_81] : memref<80000xf32, #tpu.memory_space<hbm>> -> memref<8320xf32, #tpu.memory_space<hbm>>
        %dma_wait3A_91 = arith.constant 30720 : i32
        %dma_wait3A_92 = tpu.memref_slice %arg8[%dma_wait3A_91] : memref<40960xf32, #tpu.memory_space<vmem>> -> memref<8320xf32, #tpu.memory_space<vmem>>
        %dma_wait3A_93 = tpu.memref_slice %arg4[%mul3A_81] : memref<80000xf32, #tpu.memory_space<hbm>> -> memref<8320xf32, #tpu.memory_space<hbm>>
        tpu.wait_dma2 semaphore(%run_scoped3A : memref<!tpu.dma_semaphore, #tpu.memory_space<semaphore_mem>>) src(%dma_wait3A_93 : memref<8320xf32, #tpu.memory_space<hbm>>) dst(%dma_wait3A_92 : memref<8320xf32, #tpu.memory_space<vmem>>)
        tpu.yield
      }) : () -> ()
      %mul3A_82 = arith.constant 3 : i32
      %mul3A_83 = arith.muli %mul3A_37, %mul3A_82 : i32
      "tpu.region"() ({
        %run_scoped3A = tpu.sem_alloc : memref<!tpu.dma_semaphore, #tpu.memory_space<semaphore_mem>>
        %dma_start3A = arith.constant 0 : i32
        %dma_start3A_84 = tpu.memref_slice %arg9[%dma_start3A] : memref<7680xf32, #tpu.memory_space<vmem>> -> memref<6240xf32, #tpu.memory_space<vmem>>
        %dma_start3A_85 = tpu.memref_slice %arg2[%mul3A_83] : memref<60000xf32, #tpu.memory_space<hbm>> -> memref<6240xf32, #tpu.memory_space<hbm>>
        %dma_start3A_86 = arith.constant 0 : i32
        %dma_start3A_87 = tpu.memref_slice %arg9[%dma_start3A_86] : memref<7680xf32, #tpu.memory_space<vmem>> -> memref<6240xf32, #tpu.memory_space<vmem>>
        %dma_start3A_88 = tpu.memref_slice %arg2[%mul3A_83] : memref<60000xf32, #tpu.memory_space<hbm>> -> memref<6240xf32, #tpu.memory_space<hbm>>
        tpu.enqueue_dma source(%dma_start3A_88 : memref<6240xf32, #tpu.memory_space<hbm>>) target(%dma_start3A_87 : memref<6240xf32, #tpu.memory_space<vmem>>) target_semaphore(%run_scoped3A : memref<!tpu.dma_semaphore, #tpu.memory_space<semaphore_mem>>)
        %dma_wait3A = arith.constant 0 : i32
        %dma_wait3A_89 = tpu.memref_slice %arg9[%dma_wait3A] : memref<7680xf32, #tpu.memory_space<vmem>> -> memref<6240xf32, #tpu.memory_space<vmem>>
        %dma_wait3A_90 = tpu.memref_slice %arg2[%mul3A_83] : memref<60000xf32, #tpu.memory_space<hbm>> -> memref<6240xf32, #tpu.memory_space<hbm>>
        %dma_wait3A_91 = arith.constant 0 : i32
        %dma_wait3A_92 = tpu.memref_slice %arg9[%dma_wait3A_91] : memref<7680xf32, #tpu.memory_space<vmem>> -> memref<6240xf32, #tpu.memory_space<vmem>>
        %dma_wait3A_93 = tpu.memref_slice %arg2[%mul3A_83] : memref<60000xf32, #tpu.memory_space<hbm>> -> memref<6240xf32, #tpu.memory_space<hbm>>
        tpu.wait_dma2 semaphore(%run_scoped3A : memref<!tpu.dma_semaphore, #tpu.memory_space<semaphore_mem>>) src(%dma_wait3A_93 : memref<6240xf32, #tpu.memory_space<hbm>>) dst(%dma_wait3A_92 : memref<6240xf32, #tpu.memory_space<vmem>>)
        tpu.yield
      }) : () -> ()
    } else {
    }
    %not3A = arith.constant true
    %not3A_57 = arith.xori %eq3A_55, %not3A : i1
    %convert_element_type3A_58 = arith.extui %not3A_57 : i1 to i32
    %cond3A_59 = arith.constant 0 : i32
    %cond3A_60 = arith.cmpi ne, %convert_element_type3A_58, %cond3A_59 : i32
    scf.if %cond3A_60 {
      %mul3A_78 = arith.constant 12 : i32
      %mul3A_79 = arith.muli %mul3A_37, %mul3A_78 : i32
      "tpu.region"() ({
        %run_scoped3A = tpu.sem_alloc : memref<!tpu.dma_semaphore, #tpu.memory_space<semaphore_mem>>
        %dma_start3A = arith.constant 0 : i32
        %dma_start3A_84 = tpu.memref_slice %arg8[%dma_start3A] : memref<40960xf32, #tpu.memory_space<vmem>> -> memref<30720xf32, #tpu.memory_space<vmem>>
        %dma_start3A_85 = tpu.memref_slice %arg3[%mul3A_79] : memref<240000xf32, #tpu.memory_space<hbm>> -> memref<30720xf32, #tpu.memory_space<hbm>>
        %dma_start3A_86 = arith.constant 0 : i32
        %dma_start3A_87 = tpu.memref_slice %arg8[%dma_start3A_86] : memref<40960xf32, #tpu.memory_space<vmem>> -> memref<30720xf32, #tpu.memory_space<vmem>>
        %dma_start3A_88 = tpu.memref_slice %arg3[%mul3A_79] : memref<240000xf32, #tpu.memory_space<hbm>> -> memref<30720xf32, #tpu.memory_space<hbm>>
        tpu.enqueue_dma source(%dma_start3A_88 : memref<30720xf32, #tpu.memory_space<hbm>>) target(%dma_start3A_87 : memref<30720xf32, #tpu.memory_space<vmem>>) target_semaphore(%run_scoped3A : memref<!tpu.dma_semaphore, #tpu.memory_space<semaphore_mem>>)
        %dma_wait3A = arith.constant 0 : i32
        %dma_wait3A_89 = tpu.memref_slice %arg8[%dma_wait3A] : memref<40960xf32, #tpu.memory_space<vmem>> -> memref<30720xf32, #tpu.memory_space<vmem>>
        %dma_wait3A_90 = tpu.memref_slice %arg3[%mul3A_79] : memref<240000xf32, #tpu.memory_space<hbm>> -> memref<30720xf32, #tpu.memory_space<hbm>>
        %dma_wait3A_91 = arith.constant 0 : i32
        %dma_wait3A_92 = tpu.memref_slice %arg8[%dma_wait3A_91] : memref<40960xf32, #tpu.memory_space<vmem>> -> memref<30720xf32, #tpu.memory_space<vmem>>
        %dma_wait3A_93 = tpu.memref_slice %arg3[%mul3A_79] : memref<240000xf32, #tpu.memory_space<hbm>> -> memref<30720xf32, #tpu.memory_space<hbm>>
        tpu.wait_dma2 semaphore(%run_scoped3A : memref<!tpu.dma_semaphore, #tpu.memory_space<semaphore_mem>>) src(%dma_wait3A_93 : memref<30720xf32, #tpu.memory_space<hbm>>) dst(%dma_wait3A_92 : memref<30720xf32, #tpu.memory_space<vmem>>)
        tpu.yield
      }) : () -> ()
      %mul3A_80 = arith.constant 4 : i32
      %mul3A_81 = arith.muli %mul3A_37, %mul3A_80 : i32
      "tpu.region"() ({
        %run_scoped3A = tpu.sem_alloc : memref<!tpu.dma_semaphore, #tpu.memory_space<semaphore_mem>>
        %dma_start3A = arith.constant 30720 : i32
        %dma_start3A_84 = tpu.memref_slice %arg8[%dma_start3A] : memref<40960xf32, #tpu.memory_space<vmem>> -> memref<10240xf32, #tpu.memory_space<vmem>>
        %dma_start3A_85 = tpu.memref_slice %arg4[%mul3A_81] : memref<80000xf32, #tpu.memory_space<hbm>> -> memref<10240xf32, #tpu.memory_space<hbm>>
        %dma_start3A_86 = arith.constant 30720 : i32
        %dma_start3A_87 = tpu.memref_slice %arg8[%dma_start3A_86] : memref<40960xf32, #tpu.memory_space<vmem>> -> memref<10240xf32, #tpu.memory_space<vmem>>
        %dma_start3A_88 = tpu.memref_slice %arg4[%mul3A_81] : memref<80000xf32, #tpu.memory_space<hbm>> -> memref<10240xf32, #tpu.memory_space<hbm>>
        tpu.enqueue_dma source(%dma_start3A_88 : memref<10240xf32, #tpu.memory_space<hbm>>) target(%dma_start3A_87 : memref<10240xf32, #tpu.memory_space<vmem>>) target_semaphore(%run_scoped3A : memref<!tpu.dma_semaphore, #tpu.memory_space<semaphore_mem>>)
        %dma_wait3A = arith.constant 30720 : i32
        %dma_wait3A_89 = tpu.memref_slice %arg8[%dma_wait3A] : memref<40960xf32, #tpu.memory_space<vmem>> -> memref<10240xf32, #tpu.memory_space<vmem>>
        %dma_wait3A_90 = tpu.memref_slice %arg4[%mul3A_81] : memref<80000xf32, #tpu.memory_space<hbm>> -> memref<10240xf32, #tpu.memory_space<hbm>>
        %dma_wait3A_91 = arith.constant 30720 : i32
        %dma_wait3A_92 = tpu.memref_slice %arg8[%dma_wait3A_91] : memref<40960xf32, #tpu.memory_space<vmem>> -> memref<10240xf32, #tpu.memory_space<vmem>>
        %dma_wait3A_93 = tpu.memref_slice %arg4[%mul3A_81] : memref<80000xf32, #tpu.memory_space<hbm>> -> memref<10240xf32, #tpu.memory_space<hbm>>
        tpu.wait_dma2 semaphore(%run_scoped3A : memref<!tpu.dma_semaphore, #tpu.memory_space<semaphore_mem>>) src(%dma_wait3A_93 : memref<10240xf32, #tpu.memory_space<hbm>>) dst(%dma_wait3A_92 : memref<10240xf32, #tpu.memory_space<vmem>>)
        tpu.yield
      }) : () -> ()
      %mul3A_82 = arith.constant 3 : i32
      %mul3A_83 = arith.muli %mul3A_37, %mul3A_82 : i32
      "tpu.region"() ({
        %run_scoped3A = tpu.sem_alloc : memref<!tpu.dma_semaphore, #tpu.memory_space<semaphore_mem>>
        %dma_start3A = arith.constant 0 : i32
        %dma_start3A_84 = tpu.memref_slice %arg9[%dma_start3A] : memref<7680xf32, #tpu.memory_space<vmem>> -> memref<7680xf32, #tpu.memory_space<vmem>>
        %dma_start3A_85 = tpu.memref_slice %arg2[%mul3A_83] : memref<60000xf32, #tpu.memory_space<hbm>> -> memref<7680xf32, #tpu.memory_space<hbm>>
        %dma_start3A_86 = arith.constant 0 : i32
        %dma_start3A_87 = tpu.memref_slice %arg9[%dma_start3A_86] : memref<7680xf32, #tpu.memory_space<vmem>> -> memref<7680xf32, #tpu.memory_space<vmem>>
        %dma_start3A_88 = tpu.memref_slice %arg2[%mul3A_83] : memref<60000xf32, #tpu.memory_space<hbm>> -> memref<7680xf32, #tpu.memory_space<hbm>>
        tpu.enqueue_dma source(%dma_start3A_88 : memref<7680xf32, #tpu.memory_space<hbm>>) target(%dma_start3A_87 : memref<7680xf32, #tpu.memory_space<vmem>>) target_semaphore(%run_scoped3A : memref<!tpu.dma_semaphore, #tpu.memory_space<semaphore_mem>>)
        %dma_wait3A = arith.constant 0 : i32
        %dma_wait3A_89 = tpu.memref_slice %arg9[%dma_wait3A] : memref<7680xf32, #tpu.memory_space<vmem>> -> memref<7680xf32, #tpu.memory_space<vmem>>
        %dma_wait3A_90 = tpu.memref_slice %arg2[%mul3A_83] : memref<60000xf32, #tpu.memory_space<hbm>> -> memref<7680xf32, #tpu.memory_space<hbm>>
        %dma_wait3A_91 = arith.constant 0 : i32
        %dma_wait3A_92 = tpu.memref_slice %arg9[%dma_wait3A_91] : memref<7680xf32, #tpu.memory_space<vmem>> -> memref<7680xf32, #tpu.memory_space<vmem>>
        %dma_wait3A_93 = tpu.memref_slice %arg2[%mul3A_83] : memref<60000xf32, #tpu.memory_space<hbm>> -> memref<7680xf32, #tpu.memory_space<hbm>>
        tpu.wait_dma2 semaphore(%run_scoped3A : memref<!tpu.dma_semaphore, #tpu.memory_space<semaphore_mem>>) src(%dma_wait3A_93 : memref<7680xf32, #tpu.memory_space<hbm>>) dst(%dma_wait3A_92 : memref<7680xf32, #tpu.memory_space<vmem>>)
        tpu.yield
      }) : () -> ()
    } else {
    }
    %mul3A_61 = arith.constant 4 : i32
    %mul3A_62 = arith.muli %mul3A_61, %add3A_21 : i32
    %scan3A = arith.constant 0 : i32
    %scan3A_63 = arith.constant 0 : i32
    %scan3A_64 = arith.constant 160 : i32
    %scan3A_65 = arith.addi %scan3A_63, %scan3A_64 : i32
    %scan3A_66 = arith.constant 1 : i32
    %scan3A_67 = scf.for %scan3A_78 = %scan3A_63 to %scan3A_65 step %scan3A_66 iter_args(%scan3A_79 = %scan3A) -> (i32)  : i32 {
      %mul3A_80 = arith.constant 16 : i32
      %mul3A_81 = arith.muli %scan3A_78, %mul3A_80 : i32
      %add3A_82 = vector.broadcast %mul3A_81 : i32 to vector<16xi32>
      %add3A_83 = arith.addi %add3A_82, %iota3A : vector<16xi32>
      %mul3A_84 = arith.constant 3 : i32
      %mul3A_85 = vector.broadcast %mul3A_84 : i32 to vector<16xi32>
      %mul3A_86 = arith.muli %add3A_83, %mul3A_85 : vector<16xi32>
      %gather3A = tpu.vector_load_idx %arg9[%mul3A_86] : memref<7680xf32, #tpu.memory_space<vmem>>[vector<16xi32>], vector<16xf32>,
      %mul3A_87 = arith.constant 3 : i32
      %mul3A_88 = vector.broadcast %mul3A_87 : i32 to vector<16xi32>
      %mul3A_89 = arith.muli %add3A_83, %mul3A_88 : vector<16xi32>
      %add3A_90 = arith.constant 1 : i32
      %add3A_91 = vector.broadcast %add3A_90 : i32 to vector<16xi32>
      %add3A_92 = arith.addi %mul3A_89, %add3A_91 : vector<16xi32>
      %gather3A_93 = tpu.vector_load_idx %arg9[%add3A_92] : memref<7680xf32, #tpu.memory_space<vmem>>[vector<16xi32>], vector<16xf32>,
      %mul3A_94 = arith.constant 3 : i32
      %mul3A_95 = vector.broadcast %mul3A_94 : i32 to vector<16xi32>
      %mul3A_96 = arith.muli %add3A_83, %mul3A_95 : vector<16xi32>
      %add3A_97 = arith.constant 2 : i32
      %add3A_98 = vector.broadcast %add3A_97 : i32 to vector<16xi32>
      %add3A_99 = arith.addi %mul3A_96, %add3A_98 : vector<16xi32>
      %gather3A_100 = tpu.vector_load_idx %arg9[%add3A_99] : memref<7680xf32, #tpu.memory_space<vmem>>[vector<16xi32>], vector<16xf32>,
      %mul3A_101 = arith.constant 12 : i32
      %mul3A_102 = vector.broadcast %mul3A_101 : i32 to vector<16xi32>
      %mul3A_103 = arith.muli %add3A_83, %mul3A_102 : vector<16xi32>
      %add3A_104 = vector.broadcast %mul3A_62 : i32 to vector<16xi32>
      %add3A_105 = arith.addi %mul3A_103, %add3A_104 : vector<16xi32>
      %gather3A_106 = tpu.vector_load_idx %arg8[%add3A_105] : memref<40960xf32, #tpu.memory_space<vmem>>[vector<16xi32>], vector<16xf32>,
      %mul3A_107 = arith.constant 1.000000e-01 : f32
      %mul3A_108 = vector.broadcast %mul3A_107 : f32 to vector<16xf32>
      %mul3A_109 = arith.mulf %gather3A_106, %mul3A_108 : vector<16xf32>
      %add3A_110 = arith.constant 1 : i32
      %add3A_111 = vector.broadcast %add3A_110 : i32 to vector<16xi32>
      %add3A_112 = arith.addi %add3A_105, %add3A_111 : vector<16xi32>
      %gather3A_113 = tpu.vector_load_idx %arg8[%add3A_112] : memref<40960xf32, #tpu.memory_space<vmem>>[vector<16xi32>], vector<16xf32>,
      %mul3A_114 = arith.constant 1.000000e-01 : f32
      %mul3A_115 = vector.broadcast %mul3A_114 : f32 to vector<16xf32>
      %mul3A_116 = arith.mulf %gather3A_113, %mul3A_115 : vector<16xf32>
      %add3A_117 = arith.constant 2 : i32
      %add3A_118 = vector.broadcast %add3A_117 : i32 to vector<16xi32>
      %add3A_119 = arith.addi %add3A_105, %add3A_118 : vector<16xi32>
      %gather3A_120 = tpu.vector_load_idx %arg8[%add3A_119] : memref<40960xf32, #tpu.memory_space<vmem>>[vector<16xi32>], vector<16xf32>,
      %mul3A_121 = arith.constant 2.000000e-01 : f32
      %mul3A_122 = vector.broadcast %mul3A_121 : f32 to vector<16xf32>
      %mul3A_123 = arith.mulf %gather3A_120, %mul3A_122 : vector<16xf32>
      %min3A = arith.constant 4.13516665 : f32
      %min3A_124 = vector.broadcast %min3A : f32 to vector<16xf32>
      %min3A_125 = arith.minimumf %mul3A_123, %min3A_124 : vector<16xf32>
      %add3A_126 = arith.constant 3 : i32
      %add3A_127 = vector.broadcast %add3A_126 : i32 to vector<16xi32>
      %add3A_128 = arith.addi %add3A_105, %add3A_127 : vector<16xi32>
      %gather3A_129 = tpu.vector_load_idx %arg8[%add3A_128] : memref<40960xf32, #tpu.memory_space<vmem>>[vector<16xi32>], vector<16xf32>,
      %mul3A_130 = arith.constant 2.000000e-01 : f32
      %mul3A_131 = vector.broadcast %mul3A_130 : f32 to vector<16xf32>
      %mul3A_132 = arith.mulf %gather3A_129, %mul3A_131 : vector<16xf32>
      %min3A_133 = arith.constant 4.13516665 : f32
      %min3A_134 = vector.broadcast %min3A_133 : f32 to vector<16xf32>
      %min3A_135 = arith.minimumf %mul3A_132, %min3A_134 : vector<16xf32>
      %mul3A_136 = arith.constant 4 : i32
      %mul3A_137 = vector.broadcast %mul3A_136 : i32 to vector<16xi32>
      %mul3A_138 = arith.muli %add3A_83, %mul3A_137 : vector<16xi32>
      %add3A_139 = arith.constant 30720 : i32
      %add3A_140 = vector.broadcast %add3A_139 : i32 to vector<16xi32>
      %add3A_141 = arith.addi %add3A_140, %mul3A_138 : vector<16xi32>
      %gather3A_142 = tpu.vector_load_idx %arg8[%add3A_141] : memref<40960xf32, #tpu.memory_space<vmem>>[vector<16xi32>], vector<16xf32>,
      %add3A_143 = arith.constant 1 : i32
      %add3A_144 = vector.broadcast %add3A_143 : i32 to vector<16xi32>
      %add3A_145 = arith.addi %add3A_141, %add3A_144 : vector<16xi32>
      %gather3A_146 = tpu.vector_load_idx %arg8[%add3A_145] : memref<40960xf32, #tpu.memory_space<vmem>>[vector<16xi32>], vector<16xf32>,
      %add3A_147 = arith.constant 2 : i32
      %add3A_148 = vector.broadcast %add3A_147 : i32 to vector<16xi32>
      %add3A_149 = arith.addi %add3A_141, %add3A_148 : vector<16xi32>
      %gather3A_150 = tpu.vector_load_idx %arg8[%add3A_149] : memref<40960xf32, #tpu.memory_space<vmem>>[vector<16xi32>], vector<16xf32>,
      %add3A_151 = arith.constant 3 : i32
      %add3A_152 = vector.broadcast %add3A_151 : i32 to vector<16xi32>
      %add3A_153 = arith.addi %add3A_141, %add3A_152 : vector<16xi32>
      %gather3A_154 = tpu.vector_load_idx %arg8[%add3A_153] : memref<40960xf32, #tpu.memory_space<vmem>>[vector<16xi32>], vector<16xf32>,
      %sub3A_155 = arith.subf %gather3A_150, %gather3A_142 : vector<16xf32>
      %sub3A_156 = arith.subf %gather3A_154, %gather3A_146 : vector<16xf32>
      %mul3A_157 = arith.constant 5.000000e-01 : f32
      %mul3A_158 = vector.broadcast %mul3A_157 : f32 to vector<16xf32>
      %mul3A_159 = arith.mulf %mul3A_158, %sub3A_155 : vector<16xf32>
      %add3A_160 = arith.addf %gather3A_142, %mul3A_159 : vector<16xf32>
      %mul3A_161 = arith.constant 5.000000e-01 : f32
      %mul3A_162 = vector.broadcast %mul3A_161 : f32 to vector<16xf32>
      %mul3A_163 = arith.mulf %mul3A_162, %sub3A_156 : vector<16xf32>
      %add3A_164 = arith.addf %gather3A_146, %mul3A_163 : vector<16xf32>
      %mul3A_165 = arith.mulf %mul3A_109, %sub3A_155 : vector<16xf32>
      %add3A_166 = arith.addf %mul3A_165, %add3A_160 : vector<16xf32>
      %mul3A_167 = arith.mulf %mul3A_116, %sub3A_156 : vector<16xf32>
      %add3A_168 = arith.addf %mul3A_167, %add3A_164 : vector<16xf32>
      %exp3A = math.exp %min3A_125 : vector<16xf32>
      %mul3A_169 = arith.mulf %exp3A, %sub3A_155 : vector<16xf32>
      %exp3A_170 = math.exp %min3A_135 : vector<16xf32>
      %mul3A_171 = arith.mulf %exp3A_170, %sub3A_156 : vector<16xf32>
      %mul3A_172 = arith.constant 5.000000e-01 : f32
      %mul3A_173 = vector.broadcast %mul3A_172 : f32 to vector<16xf32>
      %mul3A_174 = arith.mulf %mul3A_173, %mul3A_169 : vector<16xf32>
      %sub3A_175 = arith.subf %add3A_166, %mul3A_174 : vector<16xf32>
      %jit3A_176 = arith.constant 0.000000e+00 : f32
      %jit3A_177 = arith.constant 8.000000e+02 : f32
      %max3A = vector.broadcast %jit3A_176 : f32 to vector<16xf32>
      %max3A_178 = arith.maximumf %max3A, %sub3A_175 : vector<16xf32>
      %min3A_179 = vector.broadcast %jit3A_177 : f32 to vector<16xf32>
      %min3A_180 = arith.minimumf %min3A_179, %max3A_178 : vector<16xf32>
      %mul3A_181 = arith.constant 5.000000e-01 : f32
      %mul3A_182 = vector.broadcast %mul3A_181 : f32 to vector<16xf32>
      %mul3A_183 = arith.mulf %mul3A_182, %mul3A_171 : vector<16xf32>
      %sub3A_184 = arith.subf %add3A_168, %mul3A_183 : vector<16xf32>
      %jit3A_185 = arith.constant 0.000000e+00 : f32
      %jit3A_186 = arith.constant 8.000000e+02 : f32
      %max3A_187 = vector.broadcast %jit3A_185 : f32 to vector<16xf32>
      %max3A_188 = arith.maximumf %max3A_187, %sub3A_184 : vector<16xf32>
      %min3A_189 = vector.broadcast %jit3A_186 : f32 to vector<16xf32>
      %min3A_190 = arith.minimumf %min3A_189, %max3A_188 : vector<16xf32>
      %mul3A_191 = arith.constant 5.000000e-01 : f32
      %mul3A_192 = vector.broadcast %mul3A_191 : f32 to vector<16xf32>
      %mul3A_193 = arith.mulf %mul3A_192, %mul3A_169 : vector<16xf32>
      %add3A_194 = arith.addf %add3A_166, %mul3A_193 : vector<16xf32>
      %jit3A_195 = arith.constant 0.000000e+00 : f32
      %jit3A_196 = arith.constant 8.000000e+02 : f32
      %max3A_197 = vector.broadcast %jit3A_195 : f32 to vector<16xf32>
      %max3A_198 = arith.maximumf %max3A_197, %add3A_194 : vector<16xf32>
      %min3A_199 = vector.broadcast %jit3A_196 : f32 to vector<16xf32>
      %min3A_200 = arith.minimumf %min3A_199, %max3A_198 : vector<16xf32>
      %mul3A_201 = arith.constant 5.000000e-01 : f32
      %mul3A_202 = vector.broadcast %mul3A_201 : f32 to vector<16xf32>
      %mul3A_203 = arith.mulf %mul3A_202, %mul3A_171 : vector<16xf32>
      %add3A_204 = arith.addf %add3A_168, %mul3A_203 : vector<16xf32>
      %jit3A_205 = arith.constant 0.000000e+00 : f32
      %jit3A_206 = arith.constant 8.000000e+02 : f32
      %max3A_207 = vector.broadcast %jit3A_205 : f32 to vector<16xf32>
      %max3A_208 = arith.maximumf %max3A_207, %add3A_204 : vector<16xf32>
      %min3A_209 = vector.broadcast %jit3A_206 : f32 to vector<16xf32>
      %min3A_210 = arith.minimumf %min3A_209, %max3A_208 : vector<16xf32>
      %max3A_211 = arith.maximumf %gather3A, %gather3A_93 : vector<16xf32>
      %max3A_212 = arith.maximumf %max3A_211, %gather3A_100 : vector<16xf32>
      %sub3A_213 = arith.subf %gather3A, %max3A_212 : vector<16xf32>
      %exp3A_214 = math.exp %sub3A_213 : vector<16xf32>
      %sub3A_215 = arith.subf %gather3A_93, %max3A_212 : vector<16xf32>
      %exp3A_216 = math.exp %sub3A_215 : vector<16xf32>
      %sub3A_217 = arith.subf %gather3A_100, %max3A_212 : vector<16xf32>
      %exp3A_218 = math.exp %sub3A_217 : vector<16xf32>
      %add3A_219 = arith.addf %exp3A_214, %exp3A_216 : vector<16xf32>
      %add3A_220 = arith.addf %add3A_219, %exp3A_218 : vector<16xf32>
      %eq3A_221 = arith.constant 1 : i32
      %eq3A_222 = arith.cmpi eq, %add3A_21, %eq3A_221 : i32
      %select_n3A_223 = arith.select %eq3A_222, %exp3A_216, %exp3A_218 : vector<16xf32>
      %div3A_224 = arith.divf %select_n3A_223, %add3A_220 : vector<16xf32>
      %gt3A = arith.constant 5.000000e-02 : f32
      %gt3A_225 = vector.broadcast %gt3A : f32 to vector<16xf32>
      %gt3A_226 = arith.cmpf ogt, %div3A_224, %gt3A_225 : vector<16xf32>
      %sub3A_227 = arith.subf %min3A_200, %min3A_180 : vector<16xf32>
      %ge3A = arith.constant 0.00999999977 : f32
      %ge3A_228 = vector.broadcast %ge3A : f32 to vector<16xf32>
      %ge3A_229 = arith.cmpf oge, %sub3A_227, %ge3A_228 : vector<16xf32>
      %and3A_230 = arith.andi %gt3A_226, %ge3A_229 : vector<16xi1>
      %sub3A_231 = arith.subf %min3A_210, %min3A_190 : vector<16xf32>
      %ge3A_232 = arith.constant 0.00999999977 : f32
      %ge3A_233 = vector.broadcast %ge3A_232 : f32 to vector<16xf32>
      %ge3A_234 = arith.cmpf oge, %sub3A_231, %ge3A_233 : vector<16xf32>
      %and3A_235 = arith.andi %and3A_230, %ge3A_234 : vector<16xi1>
      %add3A_236 = vector.broadcast %mul3A_37 : i32 to vector<16xi32>
      %add3A_237 = arith.addi %add3A_236, %add3A_83 : vector<16xi32>
      %lt3A_238 = arith.constant 20000 : i32
      %lt3A_239 = vector.broadcast %lt3A_238 : i32 to vector<16xi32>
      %lt3A_240 = arith.cmpi slt, %add3A_237, %lt3A_239 : vector<16xi32>
      %and3A_241 = arith.andi %and3A_235, %lt3A_240 : vector<16xi1>
      %select_n3A_242 = arith.select %and3A_241, %div3A_224, %broadcast_in_dim3A_0 : vector<16xi1>, vector<16xf32>
      tpu.vector_store_idx %arg10[%add3A_83], %select_n3A_242 : memref<2560xf32, #tpu.memory_space<vmem>>[vector<16xi32>], vector<16xf32>,
      %mul3A_243 = arith.constant 8 : i32
      %mul3A_244 = vector.broadcast %mul3A_243 : i32 to vector<16xi32>
      %mul3A_245 = arith.muli %add3A_83, %mul3A_244 : vector<16xi32>
      %add3A_246 = arith.constant 0 : i32
      %add3A_247 = vector.broadcast %add3A_246 : i32 to vector<16xi32>
      %add3A_248 = arith.addi %mul3A_245, %add3A_247 : vector<16xi32>
      tpu.vector_store_idx %arg11[%add3A_248], %min3A_180 : memref<20480xf32, #tpu.memory_space<vmem>>[vector<16xi32>], vector<16xf32>,
      %add3A_249 = arith.constant 1 : i32
      %add3A_250 = vector.broadcast %add3A_249 : i32 to vector<16xi32>
      %add3A_251 = arith.addi %mul3A_245, %add3A_250 : vector<16xi32>
      tpu.vector_store_idx %arg11[%add3A_251], %min3A_190 : memref<20480xf32, #tpu.memory_space<vmem>>[vector<16xi32>], vector<16xf32>,
      %add3A_252 = arith.constant 2 : i32
      %add3A_253 = vector.broadcast %add3A_252 : i32 to vector<16xi32>
      %add3A_254 = arith.addi %mul3A_245, %add3A_253 : vector<16xi32>
      tpu.vector_store_idx %arg11[%add3A_254], %min3A_200 : memref<20480xf32, #tpu.memory_space<vmem>>[vector<16xi32>], vector<16xf32>,
      %add3A_255 = arith.constant 3 : i32
      %add3A_256 = vector.broadcast %add3A_255 : i32 to vector<16xi32>
      %add3A_257 = arith.addi %mul3A_245, %add3A_256 : vector<16xi32>
      tpu.vector_store_idx %arg11[%add3A_257], %min3A_210 : memref<20480xf32, #tpu.memory_space<vmem>>[vector<16xi32>], vector<16xf32>,
      %scan3A_258 = arith.constant 0 : i32
      scf.yield %scan3A_258 : i32
    }
    %scan3A_68 = arith.constant 160 : i32
    %mul3A_69 = arith.constant 2560 : i32
    %mul3A_70 = arith.muli %arg1, %mul3A_69 : i32
    "tpu.region"() ({
      %run_scoped3A = tpu.sem_alloc : memref<!tpu.dma_semaphore, #tpu.memory_space<semaphore_mem>>
      %dma_start3A = tpu.memref_slice %arg20[%mul3A_70] : memref<40960xf32, #tpu.memory_space<vmem_shared>> -> memref<2560xf32, #tpu.memory_space<vmem_shared>>
      %dma_start3A_78 = tpu.memref_slice %arg20[%mul3A_70] : memref<40960xf32, #tpu.memory_space<vmem_shared>> -> memref<2560xf32, #tpu.memory_space<vmem_shared>>
      tpu.enqueue_dma source(%arg10 : memref<2560xf32, #tpu.memory_space<vmem>>) target(%dma_start3A_78 : memref<2560xf32, #tpu.memory_space<vmem_shared>>) target_semaphore(%run_scoped3A : memref<!tpu.dma_semaphore, #tpu.memory_space<semaphore_mem>>)
      %dma_wait3A = tpu.memref_slice %arg20[%mul3A_70] : memref<40960xf32, #tpu.memory_space<vmem_shared>> -> memref<2560xf32, #tpu.memory_space<vmem_shared>>
      %dma_wait3A_79 = tpu.memref_slice %arg20[%mul3A_70] : memref<40960xf32, #tpu.memory_space<vmem_shared>> -> memref<2560xf32, #tpu.memory_space<vmem_shared>>
      tpu.wait_dma2 semaphore(%run_scoped3A : memref<!tpu.dma_semaphore, #tpu.memory_space<semaphore_mem>>) src(%arg10 : memref<2560xf32, #tpu.memory_space<vmem>>) dst(%dma_wait3A_79 : memref<2560xf32, #tpu.memory_space<vmem_shared>>)
      tpu.yield
    }) : () -> ()
    %mul3A_71 = arith.constant 8 : i32
    %mul3A_72 = arith.muli %mul3A_70, %mul3A_71 : i32
    "tpu.region"() ({
      %run_scoped3A = tpu.sem_alloc : memref<!tpu.dma_semaphore, #tpu.memory_space<semaphore_mem>>
      %dma_start3A = tpu.memref_slice %arg21[%mul3A_72] : memref<327688xf32, #tpu.memory_space<vmem_shared>> -> memref<20480xf32, #tpu.memory_space<vmem_shared>>
      %dma_start3A_78 = tpu.memref_slice %arg21[%mul3A_72] : memref<327688xf32, #tpu.memory_space<vmem_shared>> -> memref<20480xf32, #tpu.memory_space<vmem_shared>>
      tpu.enqueue_dma source(%arg11 : memref<20480xf32, #tpu.memory_space<vmem>>) target(%dma_start3A_78 : memref<20480xf32, #tpu.memory_space<vmem_shared>>) target_semaphore(%run_scoped3A : memref<!tpu.dma_semaphore, #tpu.memory_space<semaphore_mem>>)
      %dma_wait3A = tpu.memref_slice %arg21[%mul3A_72] : memref<327688xf32, #tpu.memory_space<vmem_shared>> -> memref<20480xf32, #tpu.memory_space<vmem_shared>>
      %dma_wait3A_79 = tpu.memref_slice %arg21[%mul3A_72] : memref<327688xf32, #tpu.memory_space<vmem_shared>> -> memref<20480xf32, #tpu.memory_space<vmem_shared>>
      tpu.wait_dma2 semaphore(%run_scoped3A : memref<!tpu.dma_semaphore, #tpu.memory_space<semaphore_mem>>) src(%arg11 : memref<20480xf32, #tpu.memory_space<vmem>>) dst(%dma_wait3A_79 : memref<20480xf32, #tpu.memory_space<vmem_shared>>)
      tpu.yield
    }) : () -> ()
    %barrier3A = arith.constant 0 : index
    tpu.barrier barrier_id(%barrier3A)
    %eq3A_73 = arith.constant 0 : i32
    %eq3A_74 = arith.cmpi eq, %arg1, %eq3A_73 : i32
    %convert_element_type3A_75 = arith.extui %eq3A_74 : i1 to i32
    %cond3A_76 = arith.constant 0 : i32
    %cond3A_77 = arith.cmpi ne, %convert_element_type3A_75, %cond3A_76 : i32
    scf.if %cond3A_77 {
      "tpu.region"() ({
        %run_scoped3A = tpu.sem_alloc : memref<!tpu.dma_semaphore, #tpu.memory_space<semaphore_mem>>
        tpu.enqueue_dma source(%arg20 : memref<40960xf32, #tpu.memory_space<vmem_shared>>) target(%arg8 : memref<40960xf32, #tpu.memory_space<vmem>>) target_semaphore(%run_scoped3A : memref<!tpu.dma_semaphore, #tpu.memory_space<semaphore_mem>>)
        tpu.wait_dma2 semaphore(%run_scoped3A : memref<!tpu.dma_semaphore, #tpu.memory_space<semaphore_mem>>) src(%arg20 : memref<40960xf32, #tpu.memory_space<vmem_shared>>) dst(%arg8 : memref<40960xf32, #tpu.memory_space<vmem>>)
        tpu.yield
      }) : () -> ()
      %swap3A = arith.constant 0 : index
      %swap3A_78 = tpu.vector_load %arg15[%swap3A] {strides = array<i32>} : memref<672xf32, #tpu.memory_space<vmem>>, vector<16xf32>,
      tpu.vector_store %arg15[%swap3A], %broadcast_in_dim3A_2 {strides = array<i32>} : memref<672xf32, #tpu.memory_space<vmem>>, vector<16xf32>,
      %swap3A_79 = arith.constant 16 : index
      %swap3A_80 = tpu.vector_load %arg15[%swap3A_79] {strides = array<i32>} : memref<672xf32, #tpu.memory_space<vmem>>, vector<16xf32>,
      tpu.vector_store %arg15[%swap3A_79], %broadcast_in_dim3A_2 {strides = array<i32>} : memref<672xf32, #tpu.memory_space<vmem>>, vector<16xf32>,
      %swap3A_81 = arith.constant 32 : index
      %swap3A_82 = tpu.vector_load %arg15[%swap3A_81] {strides = array<i32>} : memref<672xf32, #tpu.memory_space<vmem>>, vector<16xf32>,
      tpu.vector_store %arg15[%swap3A_81], %broadcast_in_dim3A_2 {strides = array<i32>} : memref<672xf32, #tpu.memory_space<vmem>>, vector<16xf32>,
      %swap3A_83 = arith.constant 48 : index
      %swap3A_84 = tpu.vector_load %arg15[%swap3A_83] {strides = array<i32>} : memref<672xf32, #tpu.memory_space<vmem>>, vector<16xf32>,
      tpu.vector_store %arg15[%swap3A_83], %broadcast_in_dim3A_2 {strides = array<i32>} : memref<672xf32, #tpu.memory_space<vmem>>, vector<16xf32>,
      %swap3A_85 = arith.constant 64 : index
      %swap3A_86 = tpu.vector_load %arg15[%swap3A_85] {strides = array<i32>} : memref<672xf32, #tpu.memory_space<vmem>>, vector<16xf32>,
      tpu.vector_store %arg15[%swap3A_85], %broadcast_in_dim3A_2 {strides = array<i32>} : memref<672xf32, #tpu.memory_space<vmem>>, vector<16xf32>,
      %swap3A_87 = arith.constant 80 : index
      %swap3A_88 = tpu.vector_load %arg15[%swap3A_87] {strides = array<i32>} : memref<672xf32, #tpu.memory_space<vmem>>, vector<16xf32>,
      tpu.vector_store %arg15[%swap3A_87], %broadcast_in_dim3A_2 {strides = array<i32>} : memref<672xf32, #tpu.memory_space<vmem>>, vector<16xf32>,
      %swap3A_89 = arith.constant 96 : index
      %swap3A_90 = tpu.vector_load %arg15[%swap3A_89] {strides = array<i32>} : memref<672xf32, #tpu.memory_space<vmem>>, vector<16xf32>,
      tpu.vector_store %arg15[%swap3A_89], %broadcast_in_dim3A_2 {strides = array<i32>} : memref<672xf32, #tpu.memory_space<vmem>>, vector<16xf32>,
      %swap3A_91 = arith.constant 112 : index
      %swap3A_92 = tpu.vector_load %arg15[%swap3A_91] {strides = array<i32>} : memref<672xf32, #tpu.memory_space<vmem>>, vector<16xf32>,
      tpu.vector_store %arg15[%swap3A_91], %broadcast_in_dim3A_2 {strides = array<i32>} : memref<672xf32, #tpu.memory_space<vmem>>, vector<16xf32>,
      %swap3A_93 = arith.constant 128 : index
      %swap3A_94 = tpu.vector_load %arg15[%swap3A_93] {strides = array<i32>} : memref<672xf32, #tpu.memory_space<vmem>>, vector<16xf32>,
      tpu.vector_store %arg15[%swap3A_93], %broadcast_in_dim3A_2 {strides = array<i32>} : memref<672xf32, #tpu.memory_space<vmem>>, vector<16xf32>,
      %swap3A_95 = arith.constant 144 : index
      %swap3A_96 = tpu.vector_load %arg15[%swap3A_95] {strides = array<i32>} : memref<672xf32, #tpu.memory_space<vmem>>, vector<16xf32>,
      tpu.vector_store %arg15[%swap3A_95], %broadcast_in_dim3A_2 {strides = array<i32>} : memref<672xf32, #tpu.memory_space<vmem>>, vector<16xf32>,
      %swap3A_97 = arith.constant 160 : index
      %swap3A_98 = tpu.vector_load %arg15[%swap3A_97] {strides = array<i32>} : memref<672xf32, #tpu.memory_space<vmem>>, vector<16xf32>,
      tpu.vector_store %arg15[%swap3A_97], %broadcast_in_dim3A_2 {strides = array<i32>} : memref<672xf32, #tpu.memory_space<vmem>>, vector<16xf32>,
      %swap3A_99 = arith.constant 176 : index
      %swap3A_100 = tpu.vector_load %arg15[%swap3A_99] {strides = array<i32>} : memref<672xf32, #tpu.memory_space<vmem>>, vector<16xf32>,
      tpu.vector_store %arg15[%swap3A_99], %broadcast_in_dim3A_2 {strides = array<i32>} : memref<672xf32, #tpu.memory_space<vmem>>, vector<16xf32>,
      %swap3A_101 = arith.constant 192 : index
      %swap3A_102 = tpu.vector_load %arg15[%swap3A_101] {strides = array<i32>} : memref<672xf32, #tpu.memory_space<vmem>>, vector<16xf32>,
      tpu.vector_store %arg15[%swap3A_101], %broadcast_in_dim3A_2 {strides = array<i32>} : memref<672xf32, #tpu.memory_space<vmem>>, vector<16xf32>,
      %swap3A_103 = arith.constant 208 : index
      %swap3A_104 = tpu.vector_load %arg15[%swap3A_103] {strides = array<i32>} : memref<672xf32, #tpu.memory_space<vmem>>, vector<16xf32>,
      tpu.vector_store %arg15[%swap3A_103], %broadcast_in_dim3A_2 {strides = array<i32>} : memref<672xf32, #tpu.memory_space<vmem>>, vector<16xf32>,
      %swap3A_105 = arith.constant 224 : index
      %swap3A_106 = tpu.vector_load %arg15[%swap3A_105] {strides = array<i32>} : memref<672xf32, #tpu.memory_space<vmem>>, vector<16xf32>,
      tpu.vector_store %arg15[%swap3A_105], %broadcast_in_dim3A_2 {strides = array<i32>} : memref<672xf32, #tpu.memory_space<vmem>>, vector<16xf32>,
      %swap3A_107 = arith.constant 240 : index
      %swap3A_108 = tpu.vector_load %arg15[%swap3A_107] {strides = array<i32>} : memref<672xf32, #tpu.memory_space<vmem>>, vector<16xf32>,
      tpu.vector_store %arg15[%swap3A_107], %broadcast_in_dim3A_2 {strides = array<i32>} : memref<672xf32, #tpu.memory_space<vmem>>, vector<16xf32>,
      %swap3A_109 = arith.constant 256 : index
      %swap3A_110 = tpu.vector_load %arg15[%swap3A_109] {strides = array<i32>} : memref<672xf32, #tpu.memory_space<vmem>>, vector<16xf32>,
      tpu.vector_store %arg15[%swap3A_109], %broadcast_in_dim3A_2 {strides = array<i32>} : memref<672xf32, #tpu.memory_space<vmem>>, vector<16xf32>,
      %swap3A_111 = arith.constant 272 : index
      %swap3A_112 = tpu.vector_load %arg15[%swap3A_111] {strides = array<i32>} : memref<672xf32, #tpu.memory_space<vmem>>, vector<16xf32>,
      tpu.vector_store %arg15[%swap3A_111], %broadcast_in_dim3A_2 {strides = array<i32>} : memref<672xf32, #tpu.memory_space<vmem>>, vector<16xf32>,
      %swap3A_113 = arith.constant 288 : index
      %swap3A_114 = tpu.vector_load %arg15[%swap3A_113] {strides = array<i32>} : memref<672xf32, #tpu.memory_space<vmem>>, vector<16xf32>,
      tpu.vector_store %arg15[%swap3A_113], %broadcast_in_dim3A_2 {strides = array<i32>} : memref<672xf32, #tpu.memory_space<vmem>>, vector<16xf32>,
      %swap3A_115 = arith.constant 304 : index
      %swap3A_116 = tpu.vector_load %arg15[%swap3A_115] {strides = array<i32>} : memref<672xf32, #tpu.memory_space<vmem>>, vector<16xf32>,
      tpu.vector_store %arg15[%swap3A_115], %broadcast_in_dim3A_2 {strides = array<i32>} : memref<672xf32, #tpu.memory_space<vmem>>, vector<16xf32>,
      %swap3A_117 = arith.constant 320 : index
      %swap3A_118 = tpu.vector_load %arg15[%swap3A_117] {strides = array<i32>} : memref<672xf32, #tpu.memory_space<vmem>>, vector<16xf32>,
      tpu.vector_store %arg15[%swap3A_117], %broadcast_in_dim3A_2 {strides = array<i32>} : memref<672xf32, #tpu.memory_space<vmem>>, vector<16xf32>,
      %swap3A_119 = arith.constant 336 : index
      %swap3A_120 = tpu.vector_load %arg15[%swap3A_119] {strides = array<i32>} : memref<672xf32, #tpu.memory_space<vmem>>, vector<16xf32>,
      tpu.vector_store %arg15[%swap3A_119], %broadcast_in_dim3A_2 {strides = array<i32>} : memref<672xf32, #tpu.memory_space<vmem>>, vector<16xf32>,
      %swap3A_121 = arith.constant 352 : index
      %swap3A_122 = tpu.vector_load %arg15[%swap3A_121] {strides = array<i32>} : memref<672xf32, #tpu.memory_space<vmem>>, vector<16xf32>,
      tpu.vector_store %arg15[%swap3A_121], %broadcast_in_dim3A_2 {strides = array<i32>} : memref<672xf32, #tpu.memory_space<vmem>>, vector<16xf32>,
      %swap3A_123 = arith.constant 368 : index
      %swap3A_124 = tpu.vector_load %arg15[%swap3A_123] {strides = array<i32>} : memref<672xf32, #tpu.memory_space<vmem>>, vector<16xf32>,
      tpu.vector_store %arg15[%swap3A_123], %broadcast_in_dim3A_2 {strides = array<i32>} : memref<672xf32, #tpu.memory_space<vmem>>, vector<16xf32>,
      %swap3A_125 = arith.constant 384 : index
      %swap3A_126 = tpu.vector_load %arg15[%swap3A_125] {strides = array<i32>} : memref<672xf32, #tpu.memory_space<vmem>>, vector<16xf32>,
      tpu.vector_store %arg15[%swap3A_125], %broadcast_in_dim3A_2 {strides = array<i32>} : memref<672xf32, #tpu.memory_space<vmem>>, vector<16xf32>,
      %swap3A_127 = arith.constant 400 : index
      %swap3A_128 = tpu.vector_load %arg15[%swap3A_127] {strides = array<i32>} : memref<672xf32, #tpu.memory_space<vmem>>, vector<16xf32>,
      tpu.vector_store %arg15[%swap3A_127], %broadcast_in_dim3A_2 {strides = array<i32>} : memref<672xf32, #tpu.memory_space<vmem>>, vector<16xf32>,
      %swap3A_129 = arith.constant 416 : index
      %swap3A_130 = tpu.vector_load %arg15[%swap3A_129] {strides = array<i32>} : memref<672xf32, #tpu.memory_space<vmem>>, vector<16xf32>,
      tpu.vector_store %arg15[%swap3A_129], %broadcast_in_dim3A_2 {strides = array<i32>} : memref<672xf32, #tpu.memory_space<vmem>>, vector<16xf32>,
      %swap3A_131 = arith.constant 432 : index
      %swap3A_132 = tpu.vector_load %arg15[%swap3A_131] {strides = array<i32>} : memref<672xf32, #tpu.memory_space<vmem>>, vector<16xf32>,
      tpu.vector_store %arg15[%swap3A_131], %broadcast_in_dim3A_2 {strides = array<i32>} : memref<672xf32, #tpu.memory_space<vmem>>, vector<16xf32>,
      %swap3A_133 = arith.constant 448 : index
      %swap3A_134 = tpu.vector_load %arg15[%swap3A_133] {strides = array<i32>} : memref<672xf32, #tpu.memory_space<vmem>>, vector<16xf32>,
      tpu.vector_store %arg15[%swap3A_133], %broadcast_in_dim3A_2 {strides = array<i32>} : memref<672xf32, #tpu.memory_space<vmem>>, vector<16xf32>,
      %swap3A_135 = arith.constant 464 : index
      %swap3A_136 = tpu.vector_load %arg15[%swap3A_135] {strides = array<i32>} : memref<672xf32, #tpu.memory_space<vmem>>, vector<16xf32>,
      tpu.vector_store %arg15[%swap3A_135], %broadcast_in_dim3A_2 {strides = array<i32>} : memref<672xf32, #tpu.memory_space<vmem>>, vector<16xf32>,
      %swap3A_137 = arith.constant 480 : index
      %swap3A_138 = tpu.vector_load %arg15[%swap3A_137] {strides = array<i32>} : memref<672xf32, #tpu.memory_space<vmem>>, vector<16xf32>,
      tpu.vector_store %arg15[%swap3A_137], %broadcast_in_dim3A_2 {strides = array<i32>} : memref<672xf32, #tpu.memory_space<vmem>>, vector<16xf32>,
      %swap3A_139 = arith.constant 496 : index
      %swap3A_140 = tpu.vector_load %arg15[%swap3A_139] {strides = array<i32>} : memref<672xf32, #tpu.memory_space<vmem>>, vector<16xf32>,
      tpu.vector_store %arg15[%swap3A_139], %broadcast_in_dim3A_2 {strides = array<i32>} : memref<672xf32, #tpu.memory_space<vmem>>, vector<16xf32>,
      %swap3A_141 = arith.constant 512 : index
      %swap3A_142 = tpu.vector_load %arg15[%swap3A_141] {strides = array<i32>} : memref<672xf32, #tpu.memory_space<vmem>>, vector<16xf32>,
      tpu.vector_store %arg15[%swap3A_141], %broadcast_in_dim3A_2 {strides = array<i32>} : memref<672xf32, #tpu.memory_space<vmem>>, vector<16xf32>,
      %swap3A_143 = arith.constant 528 : index
      %swap3A_144 = tpu.vector_load %arg15[%swap3A_143] {strides = array<i32>} : memref<672xf32, #tpu.memory_space<vmem>>, vector<16xf32>,
      tpu.vector_store %arg15[%swap3A_143], %broadcast_in_dim3A_2 {strides = array<i32>} : memref<672xf32, #tpu.memory_space<vmem>>, vector<16xf32>,
      %swap3A_145 = arith.constant 544 : index
      %swap3A_146 = tpu.vector_load %arg15[%swap3A_145] {strides = array<i32>} : memref<672xf32, #tpu.memory_space<vmem>>, vector<16xf32>,
      tpu.vector_store %arg15[%swap3A_145], %broadcast_in_dim3A_2 {strides = array<i32>} : memref<672xf32, #tpu.memory_space<vmem>>, vector<16xf32>,
      %swap3A_147 = arith.constant 560 : index
      %swap3A_148 = tpu.vector_load %arg15[%swap3A_147] {strides = array<i32>} : memref<672xf32, #tpu.memory_space<vmem>>, vector<16xf32>,
      tpu.vector_store %arg15[%swap3A_147], %broadcast_in_dim3A_2 {strides = array<i32>} : memref<672xf32, #tpu.memory_space<vmem>>, vector<16xf32>,
      %swap3A_149 = arith.constant 576 : index
      %swap3A_150 = tpu.vector_load %arg15[%swap3A_149] {strides = array<i32>} : memref<672xf32, #tpu.memory_space<vmem>>, vector<16xf32>,
      tpu.vector_store %arg15[%swap3A_149], %broadcast_in_dim3A_2 {strides = array<i32>} : memref<672xf32, #tpu.memory_space<vmem>>, vector<16xf32>,
      %swap3A_151 = arith.constant 592 : index
      %swap3A_152 = tpu.vector_load %arg15[%swap3A_151] {strides = array<i32>} : memref<672xf32, #tpu.memory_space<vmem>>, vector<16xf32>,
      tpu.vector_store %arg15[%swap3A_151], %broadcast_in_dim3A_2 {strides = array<i32>} : memref<672xf32, #tpu.memory_space<vmem>>, vector<16xf32>,
      %swap3A_153 = arith.constant 608 : index
      %swap3A_154 = tpu.vector_load %arg15[%swap3A_153] {strides = array<i32>} : memref<672xf32, #tpu.memory_space<vmem>>, vector<16xf32>,
      tpu.vector_store %arg15[%swap3A_153], %broadcast_in_dim3A_2 {strides = array<i32>} : memref<672xf32, #tpu.memory_space<vmem>>, vector<16xf32>,
      %swap3A_155 = arith.constant 624 : index
      %swap3A_156 = tpu.vector_load %arg15[%swap3A_155] {strides = array<i32>} : memref<672xf32, #tpu.memory_space<vmem>>, vector<16xf32>,
      tpu.vector_store %arg15[%swap3A_155], %broadcast_in_dim3A_2 {strides = array<i32>} : memref<672xf32, #tpu.memory_space<vmem>>, vector<16xf32>,
      %swap3A_157 = arith.constant 640 : index
      %swap3A_158 = tpu.vector_load %arg15[%swap3A_157] {strides = array<i32>} : memref<672xf32, #tpu.memory_space<vmem>>, vector<16xf32>,
      tpu.vector_store %arg15[%swap3A_157], %broadcast_in_dim3A_2 {strides = array<i32>} : memref<672xf32, #tpu.memory_space<vmem>>, vector<16xf32>,
      %swap3A_159 = arith.constant 656 : index
      %swap3A_160 = tpu.vector_load %arg15[%swap3A_159] {strides = array<i32>} : memref<672xf32, #tpu.memory_space<vmem>>, vector<16xf32>,
      tpu.vector_store %arg15[%swap3A_159], %broadcast_in_dim3A_2 {strides = array<i32>} : memref<672xf32, #tpu.memory_space<vmem>>, vector<16xf32>,
      %swap3A_161 = arith.constant 0 : index
      %swap3A_162 = tpu.vector_load %arg18[%swap3A_161] {strides = array<i32>} : memref<112xf32, #tpu.memory_space<vmem>>, vector<16xf32>,
      tpu.vector_store %arg18[%swap3A_161], %broadcast_in_dim3A_2 {strides = array<i32>} : memref<112xf32, #tpu.memory_space<vmem>>, vector<16xf32>,
      %broadcast_in_dim3A_163 = arith.constant 0 : i32
      %broadcast_in_dim3A_164 = vector.broadcast %broadcast_in_dim3A_163 : i32 to vector<16xi32>
      %swap3A_165 = arith.constant 0 : index
      %swap3A_166 = tpu.vector_load %arg19[%swap3A_165] {strides = array<i32>} : memref<112xi32, #tpu.memory_space<vmem>>, vector<16xi32>,
      tpu.vector_store %arg19[%swap3A_165], %broadcast_in_dim3A_164 {strides = array<i32>} : memref<112xi32, #tpu.memory_space<vmem>>, vector<16xi32>,
      %swap3A_167 = arith.constant 16 : index
      %swap3A_168 = tpu.vector_load %arg18[%swap3A_167] {strides = array<i32>} : memref<112xf32, #tpu.memory_space<vmem>>, vector<16xf32>,
      tpu.vector_store %arg18[%swap3A_167], %broadcast_in_dim3A_2 {strides = array<i32>} : memref<112xf32, #tpu.memory_space<vmem>>, vector<16xf32>,
      %broadcast_in_dim3A_169 = arith.constant 0 : i32
      %broadcast_in_dim3A_170 = vector.broadcast %broadcast_in_dim3A_169 : i32 to vector<16xi32>
      %swap3A_171 = arith.constant 16 : index
      %swap3A_172 = tpu.vector_load %arg19[%swap3A_171] {strides = array<i32>} : memref<112xi32, #tpu.memory_space<vmem>>, vector<16xi32>,
      tpu.vector_store %arg19[%swap3A_171], %broadcast_in_dim3A_170 {strides = array<i32>} : memref<112xi32, #tpu.memory_space<vmem>>, vector<16xi32>,
      %swap3A_173 = arith.constant 32 : index
      %swap3A_174 = tpu.vector_load %arg18[%swap3A_173] {strides = array<i32>} : memref<112xf32, #tpu.memory_space<vmem>>, vector<16xf32>,
      tpu.vector_store %arg18[%swap3A_173], %broadcast_in_dim3A_2 {strides = array<i32>} : memref<112xf32, #tpu.memory_space<vmem>>, vector<16xf32>,
      %broadcast_in_dim3A_175 = arith.constant 0 : i32
      %broadcast_in_dim3A_176 = vector.broadcast %broadcast_in_dim3A_175 : i32 to vector<16xi32>
      %swap3A_177 = arith.constant 32 : index
      %swap3A_178 = tpu.vector_load %arg19[%swap3A_177] {strides = array<i32>} : memref<112xi32, #tpu.memory_space<vmem>>, vector<16xi32>,
      tpu.vector_store %arg19[%swap3A_177], %broadcast_in_dim3A_176 {strides = array<i32>} : memref<112xi32, #tpu.memory_space<vmem>>, vector<16xi32>,
      %swap3A_179 = arith.constant 48 : index
      %swap3A_180 = tpu.vector_load %arg18[%swap3A_179] {strides = array<i32>} : memref<112xf32, #tpu.memory_space<vmem>>, vector<16xf32>,
      tpu.vector_store %arg18[%swap3A_179], %broadcast_in_dim3A_2 {strides = array<i32>} : memref<112xf32, #tpu.memory_space<vmem>>, vector<16xf32>,
      %broadcast_in_dim3A_181 = arith.constant 0 : i32
      %broadcast_in_dim3A_182 = vector.broadcast %broadcast_in_dim3A_181 : i32 to vector<16xi32>
      %swap3A_183 = arith.constant 48 : index
      %swap3A_184 = tpu.vector_load %arg19[%swap3A_183] {strides = array<i32>} : memref<112xi32, #tpu.memory_space<vmem>>, vector<16xi32>,
      tpu.vector_store %arg19[%swap3A_183], %broadcast_in_dim3A_182 {strides = array<i32>} : memref<112xi32, #tpu.memory_space<vmem>>, vector<16xi32>,
      %swap3A_185 = arith.constant 64 : index
      %swap3A_186 = tpu.vector_load %arg18[%swap3A_185] {strides = array<i32>} : memref<112xf32, #tpu.memory_space<vmem>>, vector<16xf32>,
      tpu.vector_store %arg18[%swap3A_185], %broadcast_in_dim3A_2 {strides = array<i32>} : memref<112xf32, #tpu.memory_space<vmem>>, vector<16xf32>,
      %broadcast_in_dim3A_187 = arith.constant 0 : i32
      %broadcast_in_dim3A_188 = vector.broadcast %broadcast_in_dim3A_187 : i32 to vector<16xi32>
      %swap3A_189 = arith.constant 64 : index
      %swap3A_190 = tpu.vector_load %arg19[%swap3A_189] {strides = array<i32>} : memref<112xi32, #tpu.memory_space<vmem>>, vector<16xi32>,
      tpu.vector_store %arg19[%swap3A_189], %broadcast_in_dim3A_188 {strides = array<i32>} : memref<112xi32, #tpu.memory_space<vmem>>, vector<16xi32>,
      %swap3A_191 = arith.constant 80 : index
      %swap3A_192 = tpu.vector_load %arg18[%swap3A_191] {strides = array<i32>} : memref<112xf32, #tpu.memory_space<vmem>>, vector<16xf32>,
      tpu.vector_store %arg18[%swap3A_191], %broadcast_in_dim3A_2 {strides = array<i32>} : memref<112xf32, #tpu.memory_space<vmem>>, vector<16xf32>,
      %broadcast_in_dim3A_193 = arith.constant 0 : i32
      %broadcast_in_dim3A_194 = vector.broadcast %broadcast_in_dim3A_193 : i32 to vector<16xi32>
      %swap3A_195 = arith.constant 80 : index
      %swap3A_196 = tpu.vector_load %arg19[%swap3A_195] {strides = array<i32>} : memref<112xi32, #tpu.memory_space<vmem>>, vector<16xi32>,
      tpu.vector_store %arg19[%swap3A_195], %broadcast_in_dim3A_194 {strides = array<i32>} : memref<112xi32, #tpu.memory_space<vmem>>, vector<16xi32>,
      %swap3A_197 = arith.constant 96 : index
      %swap3A_198 = tpu.vector_load %arg18[%swap3A_197] {strides = array<i32>} : memref<112xf32, #tpu.memory_space<vmem>>, vector<16xf32>,
      tpu.vector_store %arg18[%swap3A_197], %broadcast_in_dim3A_2 {strides = array<i32>} : memref<112xf32, #tpu.memory_space<vmem>>, vector<16xf32>,
      %broadcast_in_dim3A_199 = arith.constant 0 : i32
      %broadcast_in_dim3A_200 = vector.broadcast %broadcast_in_dim3A_199 : i32 to vector<16xi32>
      %swap3A_201 = arith.constant 96 : index
      %swap3A_202 = tpu.vector_load %arg19[%swap3A_201] {strides = array<i32>} : memref<112xi32, #tpu.memory_space<vmem>>, vector<16xi32>,
      tpu.vector_store %arg19[%swap3A_201], %broadcast_in_dim3A_200 {strides = array<i32>} : memref<112xi32, #tpu.memory_space<vmem>>, vector<16xi32>,
      %add3A_203 = arith.constant 0 : i32
      %add3A_204 = vector.broadcast %add3A_203 : i32 to vector<16xi32>
      %add3A_205 = arith.addi %add3A_204, %iota3A : vector<16xi32>
      %shift_right_arithmetic3A = arith.constant 2 : i32
      %shift_right_arithmetic3A_206 = vector.broadcast %shift_right_arithmetic3A : i32 to vector<16xi32>
      %shift_right_arithmetic3A_207 = arith.shrsi %add3A_205, %shift_right_arithmetic3A_206 : vector<16xi32>
      %and3A_208 = arith.constant 3 : i32
      %and3A_209 = vector.broadcast %and3A_208 : i32 to vector<16xi32>
      %and3A_210 = arith.andi %add3A_205, %and3A_209 : vector<16xi32>
      tpu.vector_store_idx %arg17[%shift_right_arithmetic3A_207, %and3A_210], %broadcast_in_dim3A_2 : memref<100x4xf32, #tpu.memory_space<vmem>>[vector<16xi32>, vector<16xi32>], vector<16xf32>,
      %add3A_211 = arith.constant 16 : i32
      %add3A_212 = vector.broadcast %add3A_211 : i32 to vector<16xi32>
      %add3A_213 = arith.addi %add3A_212, %iota3A : vector<16xi32>
      %shift_right_arithmetic3A_214 = arith.constant 2 : i32
      %shift_right_arithmetic3A_215 = vector.broadcast %shift_right_arithmetic3A_214 : i32 to vector<16xi32>
      %shift_right_arithmetic3A_216 = arith.shrsi %add3A_213, %shift_right_arithmetic3A_215 : vector<16xi32>
      %and3A_217 = arith.constant 3 : i32
      %and3A_218 = vector.broadcast %and3A_217 : i32 to vector<16xi32>
      %and3A_219 = arith.andi %add3A_213, %and3A_218 : vector<16xi32>
      tpu.vector_store_idx %arg17[%shift_right_arithmetic3A_216, %and3A_219], %broadcast_in_dim3A_2 : memref<100x4xf32, #tpu.memory_space<vmem>>[vector<16xi32>, vector<16xi32>], vector<16xf32>,
      %add3A_220 = arith.constant 32 : i32
      %add3A_221 = vector.broadcast %add3A_220 : i32 to vector<16xi32>
      %add3A_222 = arith.addi %add3A_221, %iota3A : vector<16xi32>
      %shift_right_arithmetic3A_223 = arith.constant 2 : i32
      %shift_right_arithmetic3A_224 = vector.broadcast %shift_right_arithmetic3A_223 : i32 to vector<16xi32>
      %shift_right_arithmetic3A_225 = arith.shrsi %add3A_222, %shift_right_arithmetic3A_224 : vector<16xi32>
      %and3A_226 = arith.constant 3 : i32
      %and3A_227 = vector.broadcast %and3A_226 : i32 to vector<16xi32>
      %and3A_228 = arith.andi %add3A_222, %and3A_227 : vector<16xi32>
      tpu.vector_store_idx %arg17[%shift_right_arithmetic3A_225, %and3A_228], %broadcast_in_dim3A_2 : memref<100x4xf32, #tpu.memory_space<vmem>>[vector<16xi32>, vector<16xi32>], vector<16xf32>,
      %add3A_229 = arith.constant 48 : i32
      %add3A_230 = vector.broadcast %add3A_229 : i32 to vector<16xi32>
      %add3A_231 = arith.addi %add3A_230, %iota3A : vector<16xi32>
      %shift_right_arithmetic3A_232 = arith.constant 2 : i32
      %shift_right_arithmetic3A_233 = vector.broadcast %shift_right_arithmetic3A_232 : i32 to vector<16xi32>
      %shift_right_arithmetic3A_234 = arith.shrsi %add3A_231, %shift_right_arithmetic3A_233 : vector<16xi32>
      %and3A_235 = arith.constant 3 : i32
      %and3A_236 = vector.broadcast %and3A_235 : i32 to vector<16xi32>
      %and3A_237 = arith.andi %add3A_231, %and3A_236 : vector<16xi32>
      tpu.vector_store_idx %arg17[%shift_right_arithmetic3A_234, %and3A_237], %broadcast_in_dim3A_2 : memref<100x4xf32, #tpu.memory_space<vmem>>[vector<16xi32>, vector<16xi32>], vector<16xf32>,
      %add3A_238 = arith.constant 64 : i32
      %add3A_239 = vector.broadcast %add3A_238 : i32 to vector<16xi32>
      %add3A_240 = arith.addi %add3A_239, %iota3A : vector<16xi32>
      %shift_right_arithmetic3A_241 = arith.constant 2 : i32
      %shift_right_arithmetic3A_242 = vector.broadcast %shift_right_arithmetic3A_241 : i32 to vector<16xi32>
      %shift_right_arithmetic3A_243 = arith.shrsi %add3A_240, %shift_right_arithmetic3A_242 : vector<16xi32>
      %and3A_244 = arith.constant 3 : i32
      %and3A_245 = vector.broadcast %and3A_244 : i32 to vector<16xi32>
      %and3A_246 = arith.andi %add3A_240, %and3A_245 : vector<16xi32>
      tpu.vector_store_idx %arg17[%shift_right_arithmetic3A_243, %and3A_246], %broadcast_in_dim3A_2 : memref<100x4xf32, #tpu.memory_space<vmem>>[vector<16xi32>, vector<16xi32>], vector<16xf32>,
      %add3A_247 = arith.constant 80 : i32
      %add3A_248 = vector.broadcast %add3A_247 : i32 to vector<16xi32>
      %add3A_249 = arith.addi %add3A_248, %iota3A : vector<16xi32>
      %shift_right_arithmetic3A_250 = arith.constant 2 : i32
      %shift_right_arithmetic3A_251 = vector.broadcast %shift_right_arithmetic3A_250 : i32 to vector<16xi32>
      %shift_right_arithmetic3A_252 = arith.shrsi %add3A_249, %shift_right_arithmetic3A_251 : vector<16xi32>
      %and3A_253 = arith.constant 3 : i32
      %and3A_254 = vector.broadcast %and3A_253 : i32 to vector<16xi32>
      %and3A_255 = arith.andi %add3A_249, %and3A_254 : vector<16xi32>
      tpu.vector_store_idx %arg17[%shift_right_arithmetic3A_252, %and3A_255], %broadcast_in_dim3A_2 : memref<100x4xf32, #tpu.memory_space<vmem>>[vector<16xi32>, vector<16xi32>], vector<16xf32>,
      %add3A_256 = arith.constant 96 : i32
      %add3A_257 = vector.broadcast %add3A_256 : i32 to vector<16xi32>
      %add3A_258 = arith.addi %add3A_257, %iota3A : vector<16xi32>
      %shift_right_arithmetic3A_259 = arith.constant 2 : i32
      %shift_right_arithmetic3A_260 = vector.broadcast %shift_right_arithmetic3A_259 : i32 to vector<16xi32>
      %shift_right_arithmetic3A_261 = arith.shrsi %add3A_258, %shift_right_arithmetic3A_260 : vector<16xi32>
      %and3A_262 = arith.constant 3 : i32
      %and3A_263 = vector.broadcast %and3A_262 : i32 to vector<16xi32>
      %and3A_264 = arith.andi %add3A_258, %and3A_263 : vector<16xi32>
      tpu.vector_store_idx %arg17[%shift_right_arithmetic3A_261, %and3A_264], %broadcast_in_dim3A_2 : memref<100x4xf32, #tpu.memory_space<vmem>>[vector<16xi32>, vector<16xi32>], vector<16xf32>,
      %add3A_265 = arith.constant 112 : i32
      %add3A_266 = vector.broadcast %add3A_265 : i32 to vector<16xi32>
      %add3A_267 = arith.addi %add3A_266, %iota3A : vector<16xi32>
      %shift_right_arithmetic3A_268 = arith.constant 2 : i32
      %shift_right_arithmetic3A_269 = vector.broadcast %shift_right_arithmetic3A_268 : i32 to vector<16xi32>
      %shift_right_arithmetic3A_270 = arith.shrsi %add3A_267, %shift_right_arithmetic3A_269 : vector<16xi32>
      %and3A_271 = arith.constant 3 : i32
      %and3A_272 = vector.broadcast %and3A_271 : i32 to vector<16xi32>
      %and3A_273 = arith.andi %add3A_267, %and3A_272 : vector<16xi32>
      tpu.vector_store_idx %arg17[%shift_right_arithmetic3A_270, %and3A_273], %broadcast_in_dim3A_2 : memref<100x4xf32, #tpu.memory_space<vmem>>[vector<16xi32>, vector<16xi32>], vector<16xf32>,
      %add3A_274 = arith.constant 128 : i32
      %add3A_275 = vector.broadcast %add3A_274 : i32 to vector<16xi32>
      %add3A_276 = arith.addi %add3A_275, %iota3A : vector<16xi32>
      %shift_right_arithmetic3A_277 = arith.constant 2 : i32
      %shift_right_arithmetic3A_278 = vector.broadcast %shift_right_arithmetic3A_277 : i32 to vector<16xi32>
      %shift_right_arithmetic3A_279 = arith.shrsi %add3A_276, %shift_right_arithmetic3A_278 : vector<16xi32>
      %and3A_280 = arith.constant 3 : i32
      %and3A_281 = vector.broadcast %and3A_280 : i32 to vector<16xi32>
      %and3A_282 = arith.andi %add3A_276, %and3A_281 : vector<16xi32>
      tpu.vector_store_idx %arg17[%shift_right_arithmetic3A_279, %and3A_282], %broadcast_in_dim3A_2 : memref<100x4xf32, #tpu.memory_space<vmem>>[vector<16xi32>, vector<16xi32>], vector<16xf32>,
      %add3A_283 = arith.constant 144 : i32
      %add3A_284 = vector.broadcast %add3A_283 : i32 to vector<16xi32>
      %add3A_285 = arith.addi %add3A_284, %iota3A : vector<16xi32>
      %shift_right_arithmetic3A_286 = arith.constant 2 : i32
      %shift_right_arithmetic3A_287 = vector.broadcast %shift_right_arithmetic3A_286 : i32 to vector<16xi32>
      %shift_right_arithmetic3A_288 = arith.shrsi %add3A_285, %shift_right_arithmetic3A_287 : vector<16xi32>
      %and3A_289 = arith.constant 3 : i32
      %and3A_290 = vector.broadcast %and3A_289 : i32 to vector<16xi32>
      %and3A_291 = arith.andi %add3A_285, %and3A_290 : vector<16xi32>
      tpu.vector_store_idx %arg17[%shift_right_arithmetic3A_288, %and3A_291], %broadcast_in_dim3A_2 : memref<100x4xf32, #tpu.memory_space<vmem>>[vector<16xi32>, vector<16xi32>], vector<16xf32>,
      %add3A_292 = arith.constant 160 : i32
      %add3A_293 = vector.broadcast %add3A_292 : i32 to vector<16xi32>
      %add3A_294 = arith.addi %add3A_293, %iota3A : vector<16xi32>
      %shift_right_arithmetic3A_295 = arith.constant 2 : i32
      %shift_right_arithmetic3A_296 = vector.broadcast %shift_right_arithmetic3A_295 : i32 to vector<16xi32>
      %shift_right_arithmetic3A_297 = arith.shrsi %add3A_294, %shift_right_arithmetic3A_296 : vector<16xi32>
      %and3A_298 = arith.constant 3 : i32
      %and3A_299 = vector.broadcast %and3A_298 : i32 to vector<16xi32>
      %and3A_300 = arith.andi %add3A_294, %and3A_299 : vector<16xi32>
      tpu.vector_store_idx %arg17[%shift_right_arithmetic3A_297, %and3A_300], %broadcast_in_dim3A_2 : memref<100x4xf32, #tpu.memory_space<vmem>>[vector<16xi32>, vector<16xi32>], vector<16xf32>,
      %add3A_301 = arith.constant 176 : i32
      %add3A_302 = vector.broadcast %add3A_301 : i32 to vector<16xi32>
      %add3A_303 = arith.addi %add3A_302, %iota3A : vector<16xi32>
      %shift_right_arithmetic3A_304 = arith.constant 2 : i32
      %shift_right_arithmetic3A_305 = vector.broadcast %shift_right_arithmetic3A_304 : i32 to vector<16xi32>
      %shift_right_arithmetic3A_306 = arith.shrsi %add3A_303, %shift_right_arithmetic3A_305 : vector<16xi32>
      %and3A_307 = arith.constant 3 : i32
      %and3A_308 = vector.broadcast %and3A_307 : i32 to vector<16xi32>
      %and3A_309 = arith.andi %add3A_303, %and3A_308 : vector<16xi32>
      tpu.vector_store_idx %arg17[%shift_right_arithmetic3A_306, %and3A_309], %broadcast_in_dim3A_2 : memref<100x4xf32, #tpu.memory_space<vmem>>[vector<16xi32>, vector<16xi32>], vector<16xf32>,
      %add3A_310 = arith.constant 192 : i32
      %add3A_311 = vector.broadcast %add3A_310 : i32 to vector<16xi32>
      %add3A_312 = arith.addi %add3A_311, %iota3A : vector<16xi32>
      %shift_right_arithmetic3A_313 = arith.constant 2 : i32
      %shift_right_arithmetic3A_314 = vector.broadcast %shift_right_arithmetic3A_313 : i32 to vector<16xi32>
      %shift_right_arithmetic3A_315 = arith.shrsi %add3A_312, %shift_right_arithmetic3A_314 : vector<16xi32>
      %and3A_316 = arith.constant 3 : i32
      %and3A_317 = vector.broadcast %and3A_316 : i32 to vector<16xi32>
      %and3A_318 = arith.andi %add3A_312, %and3A_317 : vector<16xi32>
      tpu.vector_store_idx %arg17[%shift_right_arithmetic3A_315, %and3A_318], %broadcast_in_dim3A_2 : memref<100x4xf32, #tpu.memory_space<vmem>>[vector<16xi32>, vector<16xi32>], vector<16xf32>,
      %add3A_319 = arith.constant 208 : i32
      %add3A_320 = vector.broadcast %add3A_319 : i32 to vector<16xi32>
      %add3A_321 = arith.addi %add3A_320, %iota3A : vector<16xi32>
      %shift_right_arithmetic3A_322 = arith.constant 2 : i32
      %shift_right_arithmetic3A_323 = vector.broadcast %shift_right_arithmetic3A_322 : i32 to vector<16xi32>
      %shift_right_arithmetic3A_324 = arith.shrsi %add3A_321, %shift_right_arithmetic3A_323 : vector<16xi32>
      %and3A_325 = arith.constant 3 : i32
      %and3A_326 = vector.broadcast %and3A_325 : i32 to vector<16xi32>
      %and3A_327 = arith.andi %add3A_321, %and3A_326 : vector<16xi32>
      tpu.vector_store_idx %arg17[%shift_right_arithmetic3A_324, %and3A_327], %broadcast_in_dim3A_2 : memref<100x4xf32, #tpu.memory_space<vmem>>[vector<16xi32>, vector<16xi32>], vector<16xf32>,
      %add3A_328 = arith.constant 224 : i32
      %add3A_329 = vector.broadcast %add3A_328 : i32 to vector<16xi32>
      %add3A_330 = arith.addi %add3A_329, %iota3A : vector<16xi32>
      %shift_right_arithmetic3A_331 = arith.constant 2 : i32
      %shift_right_arithmetic3A_332 = vector.broadcast %shift_right_arithmetic3A_331 : i32 to vector<16xi32>
      %shift_right_arithmetic3A_333 = arith.shrsi %add3A_330, %shift_right_arithmetic3A_332 : vector<16xi32>
      %and3A_334 = arith.constant 3 : i32
      %and3A_335 = vector.broadcast %and3A_334 : i32 to vector<16xi32>
      %and3A_336 = arith.andi %add3A_330, %and3A_335 : vector<16xi32>
      tpu.vector_store_idx %arg17[%shift_right_arithmetic3A_333, %and3A_336], %broadcast_in_dim3A_2 : memref<100x4xf32, #tpu.memory_space<vmem>>[vector<16xi32>, vector<16xi32>], vector<16xf32>,
      %add3A_337 = arith.constant 240 : i32
      %add3A_338 = vector.broadcast %add3A_337 : i32 to vector<16xi32>
      %add3A_339 = arith.addi %add3A_338, %iota3A : vector<16xi32>
      %shift_right_arithmetic3A_340 = arith.constant 2 : i32
      %shift_right_arithmetic3A_341 = vector.broadcast %shift_right_arithmetic3A_340 : i32 to vector<16xi32>
      %shift_right_arithmetic3A_342 = arith.shrsi %add3A_339, %shift_right_arithmetic3A_341 : vector<16xi32>
      %and3A_343 = arith.constant 3 : i32
      %and3A_344 = vector.broadcast %and3A_343 : i32 to vector<16xi32>
      %and3A_345 = arith.andi %add3A_339, %and3A_344 : vector<16xi32>
      tpu.vector_store_idx %arg17[%shift_right_arithmetic3A_342, %and3A_345], %broadcast_in_dim3A_2 : memref<100x4xf32, #tpu.memory_space<vmem>>[vector<16xi32>, vector<16xi32>], vector<16xf32>,
      %add3A_346 = arith.constant 256 : i32
      %add3A_347 = vector.broadcast %add3A_346 : i32 to vector<16xi32>
      %add3A_348 = arith.addi %add3A_347, %iota3A : vector<16xi32>
      %shift_right_arithmetic3A_349 = arith.constant 2 : i32
      %shift_right_arithmetic3A_350 = vector.broadcast %shift_right_arithmetic3A_349 : i32 to vector<16xi32>
      %shift_right_arithmetic3A_351 = arith.shrsi %add3A_348, %shift_right_arithmetic3A_350 : vector<16xi32>
      %and3A_352 = arith.constant 3 : i32
      %and3A_353 = vector.broadcast %and3A_352 : i32 to vector<16xi32>
      %and3A_354 = arith.andi %add3A_348, %and3A_353 : vector<16xi32>
      tpu.vector_store_idx %arg17[%shift_right_arithmetic3A_351, %and3A_354], %broadcast_in_dim3A_2 : memref<100x4xf32, #tpu.memory_space<vmem>>[vector<16xi32>, vector<16xi32>], vector<16xf32>,
      %add3A_355 = arith.constant 272 : i32
      %add3A_356 = vector.broadcast %add3A_355 : i32 to vector<16xi32>
      %add3A_357 = arith.addi %add3A_356, %iota3A : vector<16xi32>
      %shift_right_arithmetic3A_358 = arith.constant 2 : i32
      %shift_right_arithmetic3A_359 = vector.broadcast %shift_right_arithmetic3A_358 : i32 to vector<16xi32>
      %shift_right_arithmetic3A_360 = arith.shrsi %add3A_357, %shift_right_arithmetic3A_359 : vector<16xi32>
      %and3A_361 = arith.constant 3 : i32
      %and3A_362 = vector.broadcast %and3A_361 : i32 to vector<16xi32>
      %and3A_363 = arith.andi %add3A_357, %and3A_362 : vector<16xi32>
      tpu.vector_store_idx %arg17[%shift_right_arithmetic3A_360, %and3A_363], %broadcast_in_dim3A_2 : memref<100x4xf32, #tpu.memory_space<vmem>>[vector<16xi32>, vector<16xi32>], vector<16xf32>,
      %add3A_364 = arith.constant 288 : i32
      %add3A_365 = vector.broadcast %add3A_364 : i32 to vector<16xi32>
      %add3A_366 = arith.addi %add3A_365, %iota3A : vector<16xi32>
      %shift_right_arithmetic3A_367 = arith.constant 2 : i32
      %shift_right_arithmetic3A_368 = vector.broadcast %shift_right_arithmetic3A_367 : i32 to vector<16xi32>
      %shift_right_arithmetic3A_369 = arith.shrsi %add3A_366, %shift_right_arithmetic3A_368 : vector<16xi32>
      %and3A_370 = arith.constant 3 : i32
      %and3A_371 = vector.broadcast %and3A_370 : i32 to vector<16xi32>
      %and3A_372 = arith.andi %add3A_366, %and3A_371 : vector<16xi32>
      tpu.vector_store_idx %arg17[%shift_right_arithmetic3A_369, %and3A_372], %broadcast_in_dim3A_2 : memref<100x4xf32, #tpu.memory_space<vmem>>[vector<16xi32>, vector<16xi32>], vector<16xf32>,
      %add3A_373 = arith.constant 304 : i32
      %add3A_374 = vector.broadcast %add3A_373 : i32 to vector<16xi32>
      %add3A_375 = arith.addi %add3A_374, %iota3A : vector<16xi32>
      %shift_right_arithmetic3A_376 = arith.constant 2 : i32
      %shift_right_arithmetic3A_377 = vector.broadcast %shift_right_arithmetic3A_376 : i32 to vector<16xi32>
      %shift_right_arithmetic3A_378 = arith.shrsi %add3A_375, %shift_right_arithmetic3A_377 : vector<16xi32>
      %and3A_379 = arith.constant 3 : i32
      %and3A_380 = vector.broadcast %and3A_379 : i32 to vector<16xi32>
      %and3A_381 = arith.andi %add3A_375, %and3A_380 : vector<16xi32>
      tpu.vector_store_idx %arg17[%shift_right_arithmetic3A_378, %and3A_381], %broadcast_in_dim3A_2 : memref<100x4xf32, #tpu.memory_space<vmem>>[vector<16xi32>, vector<16xi32>], vector<16xf32>,
      %add3A_382 = arith.constant 320 : i32
      %add3A_383 = vector.broadcast %add3A_382 : i32 to vector<16xi32>
      %add3A_384 = arith.addi %add3A_383, %iota3A : vector<16xi32>
      %shift_right_arithmetic3A_385 = arith.constant 2 : i32
      %shift_right_arithmetic3A_386 = vector.broadcast %shift_right_arithmetic3A_385 : i32 to vector<16xi32>
      %shift_right_arithmetic3A_387 = arith.shrsi %add3A_384, %shift_right_arithmetic3A_386 : vector<16xi32>
      %and3A_388 = arith.constant 3 : i32
      %and3A_389 = vector.broadcast %and3A_388 : i32 to vector<16xi32>
      %and3A_390 = arith.andi %add3A_384, %and3A_389 : vector<16xi32>
      tpu.vector_store_idx %arg17[%shift_right_arithmetic3A_387, %and3A_390], %broadcast_in_dim3A_2 : memref<100x4xf32, #tpu.memory_space<vmem>>[vector<16xi32>, vector<16xi32>], vector<16xf32>,
      %add3A_391 = arith.constant 336 : i32
      %add3A_392 = vector.broadcast %add3A_391 : i32 to vector<16xi32>
      %add3A_393 = arith.addi %add3A_392, %iota3A : vector<16xi32>
      %shift_right_arithmetic3A_394 = arith.constant 2 : i32
      %shift_right_arithmetic3A_395 = vector.broadcast %shift_right_arithmetic3A_394 : i32 to vector<16xi32>
      %shift_right_arithmetic3A_396 = arith.shrsi %add3A_393, %shift_right_arithmetic3A_395 : vector<16xi32>
      %and3A_397 = arith.constant 3 : i32
      %and3A_398 = vector.broadcast %and3A_397 : i32 to vector<16xi32>
      %and3A_399 = arith.andi %add3A_393, %and3A_398 : vector<16xi32>
      tpu.vector_store_idx %arg17[%shift_right_arithmetic3A_396, %and3A_399], %broadcast_in_dim3A_2 : memref<100x4xf32, #tpu.memory_space<vmem>>[vector<16xi32>, vector<16xi32>], vector<16xf32>,
      %add3A_400 = arith.constant 352 : i32
      %add3A_401 = vector.broadcast %add3A_400 : i32 to vector<16xi32>
      %add3A_402 = arith.addi %add3A_401, %iota3A : vector<16xi32>
      %shift_right_arithmetic3A_403 = arith.constant 2 : i32
      %shift_right_arithmetic3A_404 = vector.broadcast %shift_right_arithmetic3A_403 : i32 to vector<16xi32>
      %shift_right_arithmetic3A_405 = arith.shrsi %add3A_402, %shift_right_arithmetic3A_404 : vector<16xi32>
      %and3A_406 = arith.constant 3 : i32
      %and3A_407 = vector.broadcast %and3A_406 : i32 to vector<16xi32>
      %and3A_408 = arith.andi %add3A_402, %and3A_407 : vector<16xi32>
      tpu.vector_store_idx %arg17[%shift_right_arithmetic3A_405, %and3A_408], %broadcast_in_dim3A_2 : memref<100x4xf32, #tpu.memory_space<vmem>>[vector<16xi32>, vector<16xi32>], vector<16xf32>,
      %add3A_409 = arith.constant 368 : i32
      %add3A_410 = vector.broadcast %add3A_409 : i32 to vector<16xi32>
      %add3A_411 = arith.addi %add3A_410, %iota3A : vector<16xi32>
      %shift_right_arithmetic3A_412 = arith.constant 2 : i32
      %shift_right_arithmetic3A_413 = vector.broadcast %shift_right_arithmetic3A_412 : i32 to vector<16xi32>
      %shift_right_arithmetic3A_414 = arith.shrsi %add3A_411, %shift_right_arithmetic3A_413 : vector<16xi32>
      %and3A_415 = arith.constant 3 : i32
      %and3A_416 = vector.broadcast %and3A_415 : i32 to vector<16xi32>
      %and3A_417 = arith.andi %add3A_411, %and3A_416 : vector<16xi32>
      tpu.vector_store_idx %arg17[%shift_right_arithmetic3A_414, %and3A_417], %broadcast_in_dim3A_2 : memref<100x4xf32, #tpu.memory_space<vmem>>[vector<16xi32>, vector<16xi32>], vector<16xf32>,
      %add3A_418 = arith.constant 384 : i32
      %add3A_419 = vector.broadcast %add3A_418 : i32 to vector<16xi32>
      %add3A_420 = arith.addi %add3A_419, %iota3A : vector<16xi32>
      %shift_right_arithmetic3A_421 = arith.constant 2 : i32
      %shift_right_arithmetic3A_422 = vector.broadcast %shift_right_arithmetic3A_421 : i32 to vector<16xi32>
      %shift_right_arithmetic3A_423 = arith.shrsi %add3A_420, %shift_right_arithmetic3A_422 : vector<16xi32>
      %and3A_424 = arith.constant 3 : i32
      %and3A_425 = vector.broadcast %and3A_424 : i32 to vector<16xi32>
      %and3A_426 = arith.andi %add3A_420, %and3A_425 : vector<16xi32>
      tpu.vector_store_idx %arg17[%shift_right_arithmetic3A_423, %and3A_426], %broadcast_in_dim3A_2 : memref<100x4xf32, #tpu.memory_space<vmem>>[vector<16xi32>, vector<16xi32>], vector<16xf32>,
      %scan3A_427 = arith.constant 0 : i32
      %scan3A_428 = arith.constant 0 : i32
      %scan3A_429 = arith.constant 160 : i32
      %scan3A_430 = arith.addi %scan3A_428, %scan3A_429 : i32
      %scan3A_431 = arith.constant 1 : i32
      %scan3A_432 = scf.for %scan3A_1040 = %scan3A_428 to %scan3A_430 step %scan3A_431 iter_args(%scan3A_1041 = %scan3A_427) -> (i32)  : i32 {
        %mul3A_1042 = arith.constant 16 : i32
        %mul3A_1043 = arith.muli %scan3A_1040, %mul3A_1042 : i32
        %get3A_1044 = arith.index_cast %mul3A_1043 : i32 to index
        %get3A_1045 = tpu.vector_load %arg8[%get3A_1044] {strides = array<i32>} : memref<40960xf32, #tpu.memory_space<vmem>>, vector<16xf32>,
        %mul3A_1046 = arith.constant 16 : i32
        %mul3A_1047 = arith.muli %scan3A_1040, %mul3A_1046 : i32
        %add3A_1048 = arith.constant 2560 : i32
        %add3A_1049 = arith.addi %mul3A_1047, %add3A_1048 : i32
        %get3A_1050 = arith.index_cast %add3A_1049 : i32 to index
        %get3A_1051 = tpu.vector_load %arg8[%get3A_1050] {strides = array<i32>} : memref<40960xf32, #tpu.memory_space<vmem>>, vector<16xf32>,
        %max3A_1052 = arith.maximumf %get3A_1045, %get3A_1051 : vector<16xf32>
        %mul3A_1053 = arith.constant 16 : i32
        %mul3A_1054 = arith.muli %scan3A_1040, %mul3A_1053 : i32
        %add3A_1055 = arith.constant 5120 : i32
        %add3A_1056 = arith.addi %mul3A_1054, %add3A_1055 : i32
        %get3A_1057 = arith.index_cast %add3A_1056 : i32 to index
        %get3A_1058 = tpu.vector_load %arg8[%get3A_1057] {strides = array<i32>} : memref<40960xf32, #tpu.memory_space<vmem>>, vector<16xf32>,
        %max3A_1059 = arith.maximumf %max3A_1052, %get3A_1058 : vector<16xf32>
        %mul3A_1060 = arith.constant 16 : i32
        %mul3A_1061 = arith.muli %scan3A_1040, %mul3A_1060 : i32
        %add3A_1062 = arith.constant 7680 : i32
        %add3A_1063 = arith.addi %mul3A_1061, %add3A_1062 : i32
        %get3A_1064 = arith.index_cast %add3A_1063 : i32 to index
        %get3A_1065 = tpu.vector_load %arg8[%get3A_1064] {strides = array<i32>} : memref<40960xf32, #tpu.memory_space<vmem>>, vector<16xf32>,
        %max3A_1066 = arith.maximumf %max3A_1059, %get3A_1065 : vector<16xf32>
        %mul3A_1067 = arith.constant 16 : i32
        %mul3A_1068 = arith.muli %scan3A_1040, %mul3A_1067 : i32
        %add3A_1069 = arith.constant 10240 : i32
        %add3A_1070 = arith.addi %mul3A_1068, %add3A_1069 : i32
        %get3A_1071 = arith.index_cast %add3A_1070 : i32 to index
        %get3A_1072 = tpu.vector_load %arg8[%get3A_1071] {strides = array<i32>} : memref<40960xf32, #tpu.memory_space<vmem>>, vector<16xf32>,
        %max3A_1073 = arith.maximumf %max3A_1066, %get3A_1072 : vector<16xf32>
        %mul3A_1074 = arith.constant 16 : i32
        %mul3A_1075 = arith.muli %scan3A_1040, %mul3A_1074 : i32
        %add3A_1076 = arith.constant 12800 : i32
        %add3A_1077 = arith.addi %mul3A_1075, %add3A_1076 : i32
        %get3A_1078 = arith.index_cast %add3A_1077 : i32 to index
        %get3A_1079 = tpu.vector_load %arg8[%get3A_1078] {strides = array<i32>} : memref<40960xf32, #tpu.memory_space<vmem>>, vector<16xf32>,
        %max3A_1080 = arith.maximumf %max3A_1073, %get3A_1079 : vector<16xf32>
        %mul3A_1081 = arith.constant 16 : i32
        %mul3A_1082 = arith.muli %scan3A_1040, %mul3A_1081 : i32
        %add3A_1083 = arith.constant 15360 : i32
        %add3A_1084 = arith.addi %mul3A_1082, %add3A_1083 : i32
        %get3A_1085 = arith.index_cast %add3A_1084 : i32 to index
        %get3A_1086 = tpu.vector_load %arg8[%get3A_1085] {strides = array<i32>} : memref<40960xf32, #tpu.memory_space<vmem>>, vector<16xf32>,
        %max3A_1087 = arith.maximumf %max3A_1080, %get3A_1086 : vector<16xf32>
        %mul3A_1088 = arith.constant 16 : i32
        %mul3A_1089 = arith.muli %scan3A_1040, %mul3A_1088 : i32
        %add3A_1090 = arith.constant 17920 : i32
        %add3A_1091 = arith.addi %mul3A_1089, %add3A_1090 : i32
        %get3A_1092 = arith.index_cast %add3A_1091 : i32 to index
        %get3A_1093 = tpu.vector_load %arg8[%get3A_1092] {strides = array<i32>} : memref<40960xf32, #tpu.memory_space<vmem>>, vector<16xf32>,
        %max3A_1094 = arith.maximumf %max3A_1087, %get3A_1093 : vector<16xf32>
        %mul3A_1095 = arith.constant 16 : i32
        %mul3A_1096 = arith.muli %scan3A_1040, %mul3A_1095 : i32
        %add3A_1097 = arith.constant 20480 : i32
        %add3A_1098 = arith.addi %mul3A_1096, %add3A_1097 : i32
        %get3A_1099 = arith.index_cast %add3A_1098 : i32 to index
        %get3A_1100 = tpu.vector_load %arg8[%get3A_1099] {strides = array<i32>} : memref<40960xf32, #tpu.memory_space<vmem>>, vector<16xf32>,
        %max3A_1101 = arith.maximumf %max3A_1094, %get3A_1100 : vector<16xf32>
        %mul3A_1102 = arith.constant 16 : i32
        %mul3A_1103 = arith.muli %scan3A_1040, %mul3A_1102 : i32
        %add3A_1104 = arith.constant 23040 : i32
        %add3A_1105 = arith.addi %mul3A_1103, %add3A_1104 : i32
        %get3A_1106 = arith.index_cast %add3A_1105 : i32 to index
        %get3A_1107 = tpu.vector_load %arg8[%get3A_1106] {strides = array<i32>} : memref<40960xf32, #tpu.memory_space<vmem>>, vector<16xf32>,
        %max3A_1108 = arith.maximumf %max3A_1101, %get3A_1107 : vector<16xf32>
        %mul3A_1109 = arith.constant 16 : i32
        %mul3A_1110 = arith.muli %scan3A_1040, %mul3A_1109 : i32
        %add3A_1111 = arith.constant 25600 : i32
        %add3A_1112 = arith.addi %mul3A_1110, %add3A_1111 : i32
        %get3A_1113 = arith.index_cast %add3A_1112 : i32 to index
        %get3A_1114 = tpu.vector_load %arg8[%get3A_1113] {strides = array<i32>} : memref<40960xf32, #tpu.memory_space<vmem>>, vector<16xf32>,
        %max3A_1115 = arith.maximumf %max3A_1108, %get3A_1114 : vector<16xf32>
        %mul3A_1116 = arith.constant 16 : i32
        %mul3A_1117 = arith.muli %scan3A_1040, %mul3A_1116 : i32
        %add3A_1118 = arith.constant 28160 : i32
        %add3A_1119 = arith.addi %mul3A_1117, %add3A_1118 : i32
        %get3A_1120 = arith.index_cast %add3A_1119 : i32 to index
        %get3A_1121 = tpu.vector_load %arg8[%get3A_1120] {strides = array<i32>} : memref<40960xf32, #tpu.memory_space<vmem>>, vector<16xf32>,
        %max3A_1122 = arith.maximumf %max3A_1115, %get3A_1121 : vector<16xf32>
        %mul3A_1123 = arith.constant 16 : i32
        %mul3A_1124 = arith.muli %scan3A_1040, %mul3A_1123 : i32
        %add3A_1125 = arith.constant 30720 : i32
        %add3A_1126 = arith.addi %mul3A_1124, %add3A_1125 : i32
        %get3A_1127 = arith.index_cast %add3A_1126 : i32 to index
        %get3A_1128 = tpu.vector_load %arg8[%get3A_1127] {strides = array<i32>} : memref<40960xf32, #tpu.memory_space<vmem>>, vector<16xf32>,
        %max3A_1129 = arith.maximumf %max3A_1122, %get3A_1128 : vector<16xf32>
        %mul3A_1130 = arith.constant 16 : i32
        %mul3A_1131 = arith.muli %scan3A_1040, %mul3A_1130 : i32
        %add3A_1132 = arith.constant 33280 : i32
        %add3A_1133 = arith.addi %mul3A_1131, %add3A_1132 : i32
        %get3A_1134 = arith.index_cast %add3A_1133 : i32 to index
        %get3A_1135 = tpu.vector_load %arg8[%get3A_1134] {strides = array<i32>} : memref<40960xf32, #tpu.memory_space<vmem>>, vector<16xf32>,
        %max3A_1136 = arith.maximumf %max3A_1129, %get3A_1135 : vector<16xf32>
        %mul3A_1137 = arith.constant 16 : i32
        %mul3A_1138 = arith.muli %scan3A_1040, %mul3A_1137 : i32
        %add3A_1139 = arith.constant 35840 : i32
        %add3A_1140 = arith.addi %mul3A_1138, %add3A_1139 : i32
        %get3A_1141 = arith.index_cast %add3A_1140 : i32 to index
        %get3A_1142 = tpu.vector_load %arg8[%get3A_1141] {strides = array<i32>} : memref<40960xf32, #tpu.memory_space<vmem>>, vector<16xf32>,
        %max3A_1143 = arith.maximumf %max3A_1136, %get3A_1142 : vector<16xf32>
        %mul3A_1144 = arith.constant 16 : i32
        %mul3A_1145 = arith.muli %scan3A_1040, %mul3A_1144 : i32
        %add3A_1146 = arith.constant 38400 : i32
        %add3A_1147 = arith.addi %mul3A_1145, %add3A_1146 : i32
        %get3A_1148 = arith.index_cast %add3A_1147 : i32 to index
        %get3A_1149 = tpu.vector_load %arg8[%get3A_1148] {strides = array<i32>} : memref<40960xf32, #tpu.memory_space<vmem>>, vector<16xf32>,
        %max3A_1150 = arith.maximumf %max3A_1143, %get3A_1149 : vector<16xf32>
        %mul3A_1151 = arith.constant 16 : i32
        %mul3A_1152 = arith.muli %scan3A_1040, %mul3A_1151 : i32
        %swap3A_1153 = arith.index_cast %mul3A_1152 : i32 to index
        %swap3A_1154 = tpu.vector_load %arg12[%swap3A_1153] {strides = array<i32>} : memref<2560xf32, #tpu.memory_space<vmem>>, vector<16xf32>,
        tpu.vector_store %arg12[%swap3A_1153], %max3A_1150 {strides = array<i32>} : memref<2560xf32, #tpu.memory_space<vmem>>, vector<16xf32>,
        %scan3A_1155 = arith.constant 0 : i32
        scf.yield %scan3A_1155 : i32
      }
      %scan3A_433 = arith.constant 160 : i32
      %get3A = arith.constant 0 : index
      %get3A_434 = tpu.vector_load %arg12[%get3A] {strides = array<i32>} : memref<2560xf32, #tpu.memory_space<vmem>>, vector<16xf32>,
      %get3A_435 = arith.constant 160 : index
      %get3A_436 = tpu.vector_load %arg12[%get3A_435] {strides = array<i32>} : memref<2560xf32, #tpu.memory_space<vmem>>, vector<16xf32>,
      %max3A = arith.maximumf %get3A_434, %get3A_436 : vector<16xf32>
      %get3A_437 = arith.constant 320 : index
      %get3A_438 = tpu.vector_load %arg12[%get3A_437] {strides = array<i32>} : memref<2560xf32, #tpu.memory_space<vmem>>, vector<16xf32>,
      %max3A_439 = arith.maximumf %max3A, %get3A_438 : vector<16xf32>
      %get3A_440 = arith.constant 480 : index
      %get3A_441 = tpu.vector_load %arg12[%get3A_440] {strides = array<i32>} : memref<2560xf32, #tpu.memory_space<vmem>>, vector<16xf32>,
      %max3A_442 = arith.maximumf %max3A_439, %get3A_441 : vector<16xf32>
      %get3A_443 = arith.constant 640 : index
      %get3A_444 = tpu.vector_load %arg12[%get3A_443] {strides = array<i32>} : memref<2560xf32, #tpu.memory_space<vmem>>, vector<16xf32>,
      %max3A_445 = arith.maximumf %max3A_442, %get3A_444 : vector<16xf32>
      %get3A_446 = arith.constant 800 : index
      %get3A_447 = tpu.vector_load %arg12[%get3A_446] {strides = array<i32>} : memref<2560xf32, #tpu.memory_space<vmem>>, vector<16xf32>,
      %max3A_448 = arith.maximumf %max3A_445, %get3A_447 : vector<16xf32>
      %get3A_449 = arith.constant 960 : index
      %get3A_450 = tpu.vector_load %arg12[%get3A_449] {strides = array<i32>} : memref<2560xf32, #tpu.memory_space<vmem>>, vector<16xf32>,
      %max3A_451 = arith.maximumf %max3A_448, %get3A_450 : vector<16xf32>
      %get3A_452 = arith.constant 1120 : index
      %get3A_453 = tpu.vector_load %arg12[%get3A_452] {strides = array<i32>} : memref<2560xf32, #tpu.memory_space<vmem>>, vector<16xf32>,
      %max3A_454 = arith.maximumf %max3A_451, %get3A_453 : vector<16xf32>
      %get3A_455 = arith.constant 1280 : index
      %get3A_456 = tpu.vector_load %arg12[%get3A_455] {strides = array<i32>} : memref<2560xf32, #tpu.memory_space<vmem>>, vector<16xf32>,
      %max3A_457 = arith.maximumf %max3A_454, %get3A_456 : vector<16xf32>
      %get3A_458 = arith.constant 1440 : index
      %get3A_459 = tpu.vector_load %arg12[%get3A_458] {strides = array<i32>} : memref<2560xf32, #tpu.memory_space<vmem>>, vector<16xf32>,
      %max3A_460 = arith.maximumf %max3A_457, %get3A_459 : vector<16xf32>
      %get3A_461 = arith.constant 1600 : index
      %get3A_462 = tpu.vector_load %arg12[%get3A_461] {strides = array<i32>} : memref<2560xf32, #tpu.memory_space<vmem>>, vector<16xf32>,
      %max3A_463 = arith.maximumf %max3A_460, %get3A_462 : vector<16xf32>
      %get3A_464 = arith.constant 1760 : index
      %get3A_465 = tpu.vector_load %arg12[%get3A_464] {strides = array<i32>} : memref<2560xf32, #tpu.memory_space<vmem>>, vector<16xf32>,
      %max3A_466 = arith.maximumf %max3A_463, %get3A_465 : vector<16xf32>
      %get3A_467 = arith.constant 1920 : index
      %get3A_468 = tpu.vector_load %arg12[%get3A_467] {strides = array<i32>} : memref<2560xf32, #tpu.memory_space<vmem>>, vector<16xf32>,
      %max3A_469 = arith.maximumf %max3A_466, %get3A_468 : vector<16xf32>
      %get3A_470 = arith.constant 2080 : index
      %get3A_471 = tpu.vector_load %arg12[%get3A_470] {strides = array<i32>} : memref<2560xf32, #tpu.memory_space<vmem>>, vector<16xf32>,
      %max3A_472 = arith.maximumf %max3A_469, %get3A_471 : vector<16xf32>
      %get3A_473 = arith.constant 2240 : index
      %get3A_474 = tpu.vector_load %arg12[%get3A_473] {strides = array<i32>} : memref<2560xf32, #tpu.memory_space<vmem>>, vector<16xf32>,
      %max3A_475 = arith.maximumf %max3A_472, %get3A_474 : vector<16xf32>
      %get3A_476 = arith.constant 2400 : index
      %get3A_477 = tpu.vector_load %arg12[%get3A_476] {strides = array<i32>} : memref<2560xf32, #tpu.memory_space<vmem>>, vector<16xf32>,
      %max3A_478 = arith.maximumf %max3A_475, %get3A_477 : vector<16xf32>
      %swap3A_479 = arith.constant 0 : index
      %swap3A_480 = tpu.vector_load %arg13[%swap3A_479] {strides = array<i32>} : memref<160xf32, #tpu.memory_space<vmem>>, vector<16xf32>,
      tpu.vector_store %arg13[%swap3A_479], %max3A_478 {strides = array<i32>} : memref<160xf32, #tpu.memory_space<vmem>>, vector<16xf32>,
      %get3A_481 = arith.constant 16 : index
      %get3A_482 = tpu.vector_load %arg12[%get3A_481] {strides = array<i32>} : memref<2560xf32, #tpu.memory_space<vmem>>, vector<16xf32>,
      %get3A_483 = arith.constant 176 : index
      %get3A_484 = tpu.vector_load %arg12[%get3A_483] {strides = array<i32>} : memref<2560xf32, #tpu.memory_space<vmem>>, vector<16xf32>,
      %max3A_485 = arith.maximumf %get3A_482, %get3A_484 : vector<16xf32>
      %get3A_486 = arith.constant 336 : index
      %get3A_487 = tpu.vector_load %arg12[%get3A_486] {strides = array<i32>} : memref<2560xf32, #tpu.memory_space<vmem>>, vector<16xf32>,
      %max3A_488 = arith.maximumf %max3A_485, %get3A_487 : vector<16xf32>
      %get3A_489 = arith.constant 496 : index
      %get3A_490 = tpu.vector_load %arg12[%get3A_489] {strides = array<i32>} : memref<2560xf32, #tpu.memory_space<vmem>>, vector<16xf32>,
      %max3A_491 = arith.maximumf %max3A_488, %get3A_490 : vector<16xf32>
      %get3A_492 = arith.constant 656 : index
      %get3A_493 = tpu.vector_load %arg12[%get3A_492] {strides = array<i32>} : memref<2560xf32, #tpu.memory_space<vmem>>, vector<16xf32>,
      %max3A_494 = arith.maximumf %max3A_491, %get3A_493 : vector<16xf32>
      %get3A_495 = arith.constant 816 : index
      %get3A_496 = tpu.vector_load %arg12[%get3A_495] {strides = array<i32>} : memref<2560xf32, #tpu.memory_space<vmem>>, vector<16xf32>,
      %max3A_497 = arith.maximumf %max3A_494, %get3A_496 : vector<16xf32>
      %get3A_498 = arith.constant 976 : index
      %get3A_499 = tpu.vector_load %arg12[%get3A_498] {strides = array<i32>} : memref<2560xf32, #tpu.memory_space<vmem>>, vector<16xf32>,
      %max3A_500 = arith.maximumf %max3A_497, %get3A_499 : vector<16xf32>
      %get3A_501 = arith.constant 1136 : index
      %get3A_502 = tpu.vector_load %arg12[%get3A_501] {strides = array<i32>} : memref<2560xf32, #tpu.memory_space<vmem>>, vector<16xf32>,
      %max3A_503 = arith.maximumf %max3A_500, %get3A_502 : vector<16xf32>
      %get3A_504 = arith.constant 1296 : index
      %get3A_505 = tpu.vector_load %arg12[%get3A_504] {strides = array<i32>} : memref<2560xf32, #tpu.memory_space<vmem>>, vector<16xf32>,
      %max3A_506 = arith.maximumf %max3A_503, %get3A_505 : vector<16xf32>
      %get3A_507 = arith.constant 1456 : index
      %get3A_508 = tpu.vector_load %arg12[%get3A_507] {strides = array<i32>} : memref<2560xf32, #tpu.memory_space<vmem>>, vector<16xf32>,
      %max3A_509 = arith.maximumf %max3A_506, %get3A_508 : vector<16xf32>
      %get3A_510 = arith.constant 1616 : index
      %get3A_511 = tpu.vector_load %arg12[%get3A_510] {strides = array<i32>} : memref<2560xf32, #tpu.memory_space<vmem>>, vector<16xf32>,
      %max3A_512 = arith.maximumf %max3A_509, %get3A_511 : vector<16xf32>
      %get3A_513 = arith.constant 1776 : index
      %get3A_514 = tpu.vector_load %arg12[%get3A_513] {strides = array<i32>} : memref<2560xf32, #tpu.memory_space<vmem>>, vector<16xf32>,
      %max3A_515 = arith.maximumf %max3A_512, %get3A_514 : vector<16xf32>
      %get3A_516 = arith.constant 1936 : index
      %get3A_517 = tpu.vector_load %arg12[%get3A_516] {strides = array<i32>} : memref<2560xf32, #tpu.memory_space<vmem>>, vector<16xf32>,
      %max3A_518 = arith.maximumf %max3A_515, %get3A_517 : vector<16xf32>
      %get3A_519 = arith.constant 2096 : index
      %get3A_520 = tpu.vector_load %arg12[%get3A_519] {strides = array<i32>} : memref<2560xf32, #tpu.memory_space<vmem>>, vector<16xf32>,
      %max3A_521 = arith.maximumf %max3A_518, %get3A_520 : vector<16xf32>
      %get3A_522 = arith.constant 2256 : index
      %get3A_523 = tpu.vector_load %arg12[%get3A_522] {strides = array<i32>} : memref<2560xf32, #tpu.memory_space<vmem>>, vector<16xf32>,
      %max3A_524 = arith.maximumf %max3A_521, %get3A_523 : vector<16xf32>
      %get3A_525 = arith.constant 2416 : index
      %get3A_526 = tpu.vector_load %arg12[%get3A_525] {strides = array<i32>} : memref<2560xf32, #tpu.memory_space<vmem>>, vector<16xf32>,
      %max3A_527 = arith.maximumf %max3A_524, %get3A_526 : vector<16xf32>
      %swap3A_528 = arith.constant 16 : index
      %swap3A_529 = tpu.vector_load %arg13[%swap3A_528] {strides = array<i32>} : memref<160xf32, #tpu.memory_space<vmem>>, vector<16xf32>,
      tpu.vector_store %arg13[%swap3A_528], %max3A_527 {strides = array<i32>} : memref<160xf32, #tpu.memory_space<vmem>>, vector<16xf32>,
      %get3A_530 = arith.constant 32 : index
      %get3A_531 = tpu.vector_load %arg12[%get3A_530] {strides = array<i32>} : memref<2560xf32, #tpu.memory_space<vmem>>, vector<16xf32>,
      %get3A_532 = arith.constant 192 : index
      %get3A_533 = tpu.vector_load %arg12[%get3A_532] {strides = array<i32>} : memref<2560xf32, #tpu.memory_space<vmem>>, vector<16xf32>,
      %max3A_534 = arith.maximumf %get3A_531, %get3A_533 : vector<16xf32>
      %get3A_535 = arith.constant 352 : index
      %get3A_536 = tpu.vector_load %arg12[%get3A_535] {strides = array<i32>} : memref<2560xf32, #tpu.memory_space<vmem>>, vector<16xf32>,
      %max3A_537 = arith.maximumf %max3A_534, %get3A_536 : vector<16xf32>
      %get3A_538 = arith.constant 512 : index
      %get3A_539 = tpu.vector_load %arg12[%get3A_538] {strides = array<i32>} : memref<2560xf32, #tpu.memory_space<vmem>>, vector<16xf32>,
      %max3A_540 = arith.maximumf %max3A_537, %get3A_539 : vector<16xf32>
      %get3A_541 = arith.constant 672 : index
      %get3A_542 = tpu.vector_load %arg12[%get3A_541] {strides = array<i32>} : memref<2560xf32, #tpu.memory_space<vmem>>, vector<16xf32>,
      %max3A_543 = arith.maximumf %max3A_540, %get3A_542 : vector<16xf32>
      %get3A_544 = arith.constant 832 : index
      %get3A_545 = tpu.vector_load %arg12[%get3A_544] {strides = array<i32>} : memref<2560xf32, #tpu.memory_space<vmem>>, vector<16xf32>,
      %max3A_546 = arith.maximumf %max3A_543, %get3A_545 : vector<16xf32>
      %get3A_547 = arith.constant 992 : index
      %get3A_548 = tpu.vector_load %arg12[%get3A_547] {strides = array<i32>} : memref<2560xf32, #tpu.memory_space<vmem>>, vector<16xf32>,
      %max3A_549 = arith.maximumf %max3A_546, %get3A_548 : vector<16xf32>
      %get3A_550 = arith.constant 1152 : index
      %get3A_551 = tpu.vector_load %arg12[%get3A_550] {strides = array<i32>} : memref<2560xf32, #tpu.memory_space<vmem>>, vector<16xf32>,
      %max3A_552 = arith.maximumf %max3A_549, %get3A_551 : vector<16xf32>
      %get3A_553 = arith.constant 1312 : index
      %get3A_554 = tpu.vector_load %arg12[%get3A_553] {strides = array<i32>} : memref<2560xf32, #tpu.memory_space<vmem>>, vector<16xf32>,
      %max3A_555 = arith.maximumf %max3A_552, %get3A_554 : vector<16xf32>
      %get3A_556 = arith.constant 1472 : index
      %get3A_557 = tpu.vector_load %arg12[%get3A_556] {strides = array<i32>} : memref<2560xf32, #tpu.memory_space<vmem>>, vector<16xf32>,
      %max3A_558 = arith.maximumf %max3A_555, %get3A_557 : vector<16xf32>
      %get3A_559 = arith.constant 1632 : index
      %get3A_560 = tpu.vector_load %arg12[%get3A_559] {strides = array<i32>} : memref<2560xf32, #tpu.memory_space<vmem>>, vector<16xf32>,
      %max3A_561 = arith.maximumf %max3A_558, %get3A_560 : vector<16xf32>
      %get3A_562 = arith.constant 1792 : index
      %get3A_563 = tpu.vector_load %arg12[%get3A_562] {strides = array<i32>} : memref<2560xf32, #tpu.memory_space<vmem>>, vector<16xf32>,
      %max3A_564 = arith.maximumf %max3A_561, %get3A_563 : vector<16xf32>
      %get3A_565 = arith.constant 1952 : index
      %get3A_566 = tpu.vector_load %arg12[%get3A_565] {strides = array<i32>} : memref<2560xf32, #tpu.memory_space<vmem>>, vector<16xf32>,
      %max3A_567 = arith.maximumf %max3A_564, %get3A_566 : vector<16xf32>
      %get3A_568 = arith.constant 2112 : index
      %get3A_569 = tpu.vector_load %arg12[%get3A_568] {strides = array<i32>} : memref<2560xf32, #tpu.memory_space<vmem>>, vector<16xf32>,
      %max3A_570 = arith.maximumf %max3A_567, %get3A_569 : vector<16xf32>
      %get3A_571 = arith.constant 2272 : index
      %get3A_572 = tpu.vector_load %arg12[%get3A_571] {strides = array<i32>} : memref<2560xf32, #tpu.memory_space<vmem>>, vector<16xf32>,
      %max3A_573 = arith.maximumf %max3A_570, %get3A_572 : vector<16xf32>
      %get3A_574 = arith.constant 2432 : index
      %get3A_575 = tpu.vector_load %arg12[%get3A_574] {strides = array<i32>} : memref<2560xf32, #tpu.memory_space<vmem>>, vector<16xf32>,
      %max3A_576 = arith.maximumf %max3A_573, %get3A_575 : vector<16xf32>
      %swap3A_577 = arith.constant 32 : index
      %swap3A_578 = tpu.vector_load %arg13[%swap3A_577] {strides = array<i32>} : memref<160xf32, #tpu.memory_space<vmem>>, vector<16xf32>,
      tpu.vector_store %arg13[%swap3A_577], %max3A_576 {strides = array<i32>} : memref<160xf32, #tpu.memory_space<vmem>>, vector<16xf32>,
      %get3A_579 = arith.constant 48 : index
      %get3A_580 = tpu.vector_load %arg12[%get3A_579] {strides = array<i32>} : memref<2560xf32, #tpu.memory_space<vmem>>, vector<16xf32>,
      %get3A_581 = arith.constant 208 : index
      %get3A_582 = tpu.vector_load %arg12[%get3A_581] {strides = array<i32>} : memref<2560xf32, #tpu.memory_space<vmem>>, vector<16xf32>,
      %max3A_583 = arith.maximumf %get3A_580, %get3A_582 : vector<16xf32>
      %get3A_584 = arith.constant 368 : index
      %get3A_585 = tpu.vector_load %arg12[%get3A_584] {strides = array<i32>} : memref<2560xf32, #tpu.memory_space<vmem>>, vector<16xf32>,
      %max3A_586 = arith.maximumf %max3A_583, %get3A_585 : vector<16xf32>
      %get3A_587 = arith.constant 528 : index
      %get3A_588 = tpu.vector_load %arg12[%get3A_587] {strides = array<i32>} : memref<2560xf32, #tpu.memory_space<vmem>>, vector<16xf32>,
      %max3A_589 = arith.maximumf %max3A_586, %get3A_588 : vector<16xf32>
      %get3A_590 = arith.constant 688 : index
      %get3A_591 = tpu.vector_load %arg12[%get3A_590] {strides = array<i32>} : memref<2560xf32, #tpu.memory_space<vmem>>, vector<16xf32>,
      %max3A_592 = arith.maximumf %max3A_589, %get3A_591 : vector<16xf32>
      %get3A_593 = arith.constant 848 : index
      %get3A_594 = tpu.vector_load %arg12[%get3A_593] {strides = array<i32>} : memref<2560xf32, #tpu.memory_space<vmem>>, vector<16xf32>,
      %max3A_595 = arith.maximumf %max3A_592, %get3A_594 : vector<16xf32>
      %get3A_596 = arith.constant 1008 : index
      %get3A_597 = tpu.vector_load %arg12[%get3A_596] {strides = array<i32>} : memref<2560xf32, #tpu.memory_space<vmem>>, vector<16xf32>,
      %max3A_598 = arith.maximumf %max3A_595, %get3A_597 : vector<16xf32>
      %get3A_599 = arith.constant 1168 : index
      %get3A_600 = tpu.vector_load %arg12[%get3A_599] {strides = array<i32>} : memref<2560xf32, #tpu.memory_space<vmem>>, vector<16xf32>,
      %max3A_601 = arith.maximumf %max3A_598, %get3A_600 : vector<16xf32>
      %get3A_602 = arith.constant 1328 : index
      %get3A_603 = tpu.vector_load %arg12[%get3A_602] {strides = array<i32>} : memref<2560xf32, #tpu.memory_space<vmem>>, vector<16xf32>,
      %max3A_604 = arith.maximumf %max3A_601, %get3A_603 : vector<16xf32>
      %get3A_605 = arith.constant 1488 : index
      %get3A_606 = tpu.vector_load %arg12[%get3A_605] {strides = array<i32>} : memref<2560xf32, #tpu.memory_space<vmem>>, vector<16xf32>,
      %max3A_607 = arith.maximumf %max3A_604, %get3A_606 : vector<16xf32>
      %get3A_608 = arith.constant 1648 : index
      %get3A_609 = tpu.vector_load %arg12[%get3A_608] {strides = array<i32>} : memref<2560xf32, #tpu.memory_space<vmem>>, vector<16xf32>,
      %max3A_610 = arith.maximumf %max3A_607, %get3A_609 : vector<16xf32>
      %get3A_611 = arith.constant 1808 : index
      %get3A_612 = tpu.vector_load %arg12[%get3A_611] {strides = array<i32>} : memref<2560xf32, #tpu.memory_space<vmem>>, vector<16xf32>,
      %max3A_613 = arith.maximumf %max3A_610, %get3A_612 : vector<16xf32>
      %get3A_614 = arith.constant 1968 : index
      %get3A_615 = tpu.vector_load %arg12[%get3A_614] {strides = array<i32>} : memref<2560xf32, #tpu.memory_space<vmem>>, vector<16xf32>,
      %max3A_616 = arith.maximumf %max3A_613, %get3A_615 : vector<16xf32>
      %get3A_617 = arith.constant 2128 : index
      %get3A_618 = tpu.vector_load %arg12[%get3A_617] {strides = array<i32>} : memref<2560xf32, #tpu.memory_space<vmem>>, vector<16xf32>,
      %max3A_619 = arith.maximumf %max3A_616, %get3A_618 : vector<16xf32>
      %get3A_620 = arith.constant 2288 : index
      %get3A_621 = tpu.vector_load %arg12[%get3A_620] {strides = array<i32>} : memref<2560xf32, #tpu.memory_space<vmem>>, vector<16xf32>,
      %max3A_622 = arith.maximumf %max3A_619, %get3A_621 : vector<16xf32>
      %get3A_623 = arith.constant 2448 : index
      %get3A_624 = tpu.vector_load %arg12[%get3A_623] {strides = array<i32>} : memref<2560xf32, #tpu.memory_space<vmem>>, vector<16xf32>,
      %max3A_625 = arith.maximumf %max3A_622, %get3A_624 : vector<16xf32>
      %swap3A_626 = arith.constant 48 : index
      %swap3A_627 = tpu.vector_load %arg13[%swap3A_626] {strides = array<i32>} : memref<160xf32, #tpu.memory_space<vmem>>, vector<16xf32>,
      tpu.vector_store %arg13[%swap3A_626], %max3A_625 {strides = array<i32>} : memref<160xf32, #tpu.memory_space<vmem>>, vector<16xf32>,
      %get3A_628 = arith.constant 64 : index
      %get3A_629 = tpu.vector_load %arg12[%get3A_628] {strides = array<i32>} : memref<2560xf32, #tpu.memory_space<vmem>>, vector<16xf32>,
      %get3A_630 = arith.constant 224 : index
      %get3A_631 = tpu.vector_load %arg12[%get3A_630] {strides = array<i32>} : memref<2560xf32, #tpu.memory_space<vmem>>, vector<16xf32>,
      %max3A_632 = arith.maximumf %get3A_629, %get3A_631 : vector<16xf32>
      %get3A_633 = arith.constant 384 : index
      %get3A_634 = tpu.vector_load %arg12[%get3A_633] {strides = array<i32>} : memref<2560xf32, #tpu.memory_space<vmem>>, vector<16xf32>,
      %max3A_635 = arith.maximumf %max3A_632, %get3A_634 : vector<16xf32>
      %get3A_636 = arith.constant 544 : index
      %get3A_637 = tpu.vector_load %arg12[%get3A_636] {strides = array<i32>} : memref<2560xf32, #tpu.memory_space<vmem>>, vector<16xf32>,
      %max3A_638 = arith.maximumf %max3A_635, %get3A_637 : vector<16xf32>
      %get3A_639 = arith.constant 704 : index
      %get3A_640 = tpu.vector_load %arg12[%get3A_639] {strides = array<i32>} : memref<2560xf32, #tpu.memory_space<vmem>>, vector<16xf32>,
      %max3A_641 = arith.maximumf %max3A_638, %get3A_640 : vector<16xf32>
      %get3A_642 = arith.constant 864 : index
      %get3A_643 = tpu.vector_load %arg12[%get3A_642] {strides = array<i32>} : memref<2560xf32, #tpu.memory_space<vmem>>, vector<16xf32>,
      %max3A_644 = arith.maximumf %max3A_641, %get3A_643 : vector<16xf32>
      %get3A_645 = arith.constant 1024 : index
      %get3A_646 = tpu.vector_load %arg12[%get3A_645] {strides = array<i32>} : memref<2560xf32, #tpu.memory_space<vmem>>, vector<16xf32>,
      %max3A_647 = arith.maximumf %max3A_644, %get3A_646 : vector<16xf32>
      %get3A_648 = arith.constant 1184 : index
      %get3A_649 = tpu.vector_load %arg12[%get3A_648] {strides = array<i32>} : memref<2560xf32, #tpu.memory_space<vmem>>, vector<16xf32>,
      %max3A_650 = arith.maximumf %max3A_647, %get3A_649 : vector<16xf32>
      %get3A_651 = arith.constant 1344 : index
      %get3A_652 = tpu.vector_load %arg12[%get3A_651] {strides = array<i32>} : memref<2560xf32, #tpu.memory_space<vmem>>, vector<16xf32>,
      %max3A_653 = arith.maximumf %max3A_650, %get3A_652 : vector<16xf32>
      %get3A_654 = arith.constant 1504 : index
      %get3A_655 = tpu.vector_load %arg12[%get3A_654] {strides = array<i32>} : memref<2560xf32, #tpu.memory_space<vmem>>, vector<16xf32>,
      %max3A_656 = arith.maximumf %max3A_653, %get3A_655 : vector<16xf32>
      %get3A_657 = arith.constant 1664 : index
      %get3A_658 = tpu.vector_load %arg12[%get3A_657] {strides = array<i32>} : memref<2560xf32, #tpu.memory_space<vmem>>, vector<16xf32>,
      %max3A_659 = arith.maximumf %max3A_656, %get3A_658 : vector<16xf32>
      %get3A_660 = arith.constant 1824 : index
      %get3A_661 = tpu.vector_load %arg12[%get3A_660] {strides = array<i32>} : memref<2560xf32, #tpu.memory_space<vmem>>, vector<16xf32>,
      %max3A_662 = arith.maximumf %max3A_659, %get3A_661 : vector<16xf32>
      %get3A_663 = arith.constant 1984 : index
      %get3A_664 = tpu.vector_load %arg12[%get3A_663] {strides = array<i32>} : memref<2560xf32, #tpu.memory_space<vmem>>, vector<16xf32>,
      %max3A_665 = arith.maximumf %max3A_662, %get3A_664 : vector<16xf32>
      %get3A_666 = arith.constant 2144 : index
      %get3A_667 = tpu.vector_load %arg12[%get3A_666] {strides = array<i32>} : memref<2560xf32, #tpu.memory_space<vmem>>, vector<16xf32>,
      %max3A_668 = arith.maximumf %max3A_665, %get3A_667 : vector<16xf32>
      %get3A_669 = arith.constant 2304 : index
      %get3A_670 = tpu.vector_load %arg12[%get3A_669] {strides = array<i32>} : memref<2560xf32, #tpu.memory_space<vmem>>, vector<16xf32>,
      %max3A_671 = arith.maximumf %max3A_668, %get3A_670 : vector<16xf32>
      %get3A_672 = arith.constant 2464 : index
      %get3A_673 = tpu.vector_load %arg12[%get3A_672] {strides = array<i32>} : memref<2560xf32, #tpu.memory_space<vmem>>, vector<16xf32>,
      %max3A_674 = arith.maximumf %max3A_671, %get3A_673 : vector<16xf32>
      %swap3A_675 = arith.constant 64 : index
      %swap3A_676 = tpu.vector_load %arg13[%swap3A_675] {strides = array<i32>} : memref<160xf32, #tpu.memory_space<vmem>>, vector<16xf32>,
      tpu.vector_store %arg13[%swap3A_675], %max3A_674 {strides = array<i32>} : memref<160xf32, #tpu.memory_space<vmem>>, vector<16xf32>,
      %get3A_677 = arith.constant 80 : index
      %get3A_678 = tpu.vector_load %arg12[%get3A_677] {strides = array<i32>} : memref<2560xf32, #tpu.memory_space<vmem>>, vector<16xf32>,
      %get3A_679 = arith.constant 240 : index
      %get3A_680 = tpu.vector_load %arg12[%get3A_679] {strides = array<i32>} : memref<2560xf32, #tpu.memory_space<vmem>>, vector<16xf32>,
      %max3A_681 = arith.maximumf %get3A_678, %get3A_680 : vector<16xf32>
      %get3A_682 = arith.constant 400 : index
      %get3A_683 = tpu.vector_load %arg12[%get3A_682] {strides = array<i32>} : memref<2560xf32, #tpu.memory_space<vmem>>, vector<16xf32>,
      %max3A_684 = arith.maximumf %max3A_681, %get3A_683 : vector<16xf32>
      %get3A_685 = arith.constant 560 : index
      %get3A_686 = tpu.vector_load %arg12[%get3A_685] {strides = array<i32>} : memref<2560xf32, #tpu.memory_space<vmem>>, vector<16xf32>,
      %max3A_687 = arith.maximumf %max3A_684, %get3A_686 : vector<16xf32>
      %get3A_688 = arith.constant 720 : index
      %get3A_689 = tpu.vector_load %arg12[%get3A_688] {strides = array<i32>} : memref<2560xf32, #tpu.memory_space<vmem>>, vector<16xf32>,
      %max3A_690 = arith.maximumf %max3A_687, %get3A_689 : vector<16xf32>
      %get3A_691 = arith.constant 880 : index
      %get3A_692 = tpu.vector_load %arg12[%get3A_691] {strides = array<i32>} : memref<2560xf32, #tpu.memory_space<vmem>>, vector<16xf32>,
      %max3A_693 = arith.maximumf %max3A_690, %get3A_692 : vector<16xf32>
      %get3A_694 = arith.constant 1040 : index
      %get3A_695 = tpu.vector_load %arg12[%get3A_694] {strides = array<i32>} : memref<2560xf32, #tpu.memory_space<vmem>>, vector<16xf32>,
      %max3A_696 = arith.maximumf %max3A_693, %get3A_695 : vector<16xf32>
      %get3A_697 = arith.constant 1200 : index
      %get3A_698 = tpu.vector_load %arg12[%get3A_697] {strides = array<i32>} : memref<2560xf32, #tpu.memory_space<vmem>>, vector<16xf32>,
      %max3A_699 = arith.maximumf %max3A_696, %get3A_698 : vector<16xf32>
      %get3A_700 = arith.constant 1360 : index
      %get3A_701 = tpu.vector_load %arg12[%get3A_700] {strides = array<i32>} : memref<2560xf32, #tpu.memory_space<vmem>>, vector<16xf32>,
      %max3A_702 = arith.maximumf %max3A_699, %get3A_701 : vector<16xf32>
      %get3A_703 = arith.constant 1520 : index
      %get3A_704 = tpu.vector_load %arg12[%get3A_703] {strides = array<i32>} : memref<2560xf32, #tpu.memory_space<vmem>>, vector<16xf32>,
      %max3A_705 = arith.maximumf %max3A_702, %get3A_704 : vector<16xf32>
      %get3A_706 = arith.constant 1680 : index
      %get3A_707 = tpu.vector_load %arg12[%get3A_706] {strides = array<i32>} : memref<2560xf32, #tpu.memory_space<vmem>>, vector<16xf32>,
      %max3A_708 = arith.maximumf %max3A_705, %get3A_707 : vector<16xf32>
      %get3A_709 = arith.constant 1840 : index
      %get3A_710 = tpu.vector_load %arg12[%get3A_709] {strides = array<i32>} : memref<2560xf32, #tpu.memory_space<vmem>>, vector<16xf32>,
      %max3A_711 = arith.maximumf %max3A_708, %get3A_710 : vector<16xf32>
      %get3A_712 = arith.constant 2000 : index
      %get3A_713 = tpu.vector_load %arg12[%get3A_712] {strides = array<i32>} : memref<2560xf32, #tpu.memory_space<vmem>>, vector<16xf32>,
      %max3A_714 = arith.maximumf %max3A_711, %get3A_713 : vector<16xf32>
      %get3A_715 = arith.constant 2160 : index
      %get3A_716 = tpu.vector_load %arg12[%get3A_715] {strides = array<i32>} : memref<2560xf32, #tpu.memory_space<vmem>>, vector<16xf32>,
      %max3A_717 = arith.maximumf %max3A_714, %get3A_716 : vector<16xf32>
      %get3A_718 = arith.constant 2320 : index
      %get3A_719 = tpu.vector_load %arg12[%get3A_718] {strides = array<i32>} : memref<2560xf32, #tpu.memory_space<vmem>>, vector<16xf32>,
      %max3A_720 = arith.maximumf %max3A_717, %get3A_719 : vector<16xf32>
      %get3A_721 = arith.constant 2480 : index
      %get3A_722 = tpu.vector_load %arg12[%get3A_721] {strides = array<i32>} : memref<2560xf32, #tpu.memory_space<vmem>>, vector<16xf32>,
      %max3A_723 = arith.maximumf %max3A_720, %get3A_722 : vector<16xf32>
      %swap3A_724 = arith.constant 80 : index
      %swap3A_725 = tpu.vector_load %arg13[%swap3A_724] {strides = array<i32>} : memref<160xf32, #tpu.memory_space<vmem>>, vector<16xf32>,
      tpu.vector_store %arg13[%swap3A_724], %max3A_723 {strides = array<i32>} : memref<160xf32, #tpu.memory_space<vmem>>, vector<16xf32>,
      %get3A_726 = arith.constant 96 : index
      %get3A_727 = tpu.vector_load %arg12[%get3A_726] {strides = array<i32>} : memref<2560xf32, #tpu.memory_space<vmem>>, vector<16xf32>,
      %get3A_728 = arith.constant 256 : index
      %get3A_729 = tpu.vector_load %arg12[%get3A_728] {strides = array<i32>} : memref<2560xf32, #tpu.memory_space<vmem>>, vector<16xf32>,
      %max3A_730 = arith.maximumf %get3A_727, %get3A_729 : vector<16xf32>
      %get3A_731 = arith.constant 416 : index
      %get3A_732 = tpu.vector_load %arg12[%get3A_731] {strides = array<i32>} : memref<2560xf32, #tpu.memory_space<vmem>>, vector<16xf32>,
      %max3A_733 = arith.maximumf %max3A_730, %get3A_732 : vector<16xf32>
      %get3A_734 = arith.constant 576 : index
      %get3A_735 = tpu.vector_load %arg12[%get3A_734] {strides = array<i32>} : memref<2560xf32, #tpu.memory_space<vmem>>, vector<16xf32>,
      %max3A_736 = arith.maximumf %max3A_733, %get3A_735 : vector<16xf32>
      %get3A_737 = arith.constant 736 : index
      %get3A_738 = tpu.vector_load %arg12[%get3A_737] {strides = array<i32>} : memref<2560xf32, #tpu.memory_space<vmem>>, vector<16xf32>,
      %max3A_739 = arith.maximumf %max3A_736, %get3A_738 : vector<16xf32>
      %get3A_740 = arith.constant 896 : index
      %get3A_741 = tpu.vector_load %arg12[%get3A_740] {strides = array<i32>} : memref<2560xf32, #tpu.memory_space<vmem>>, vector<16xf32>,
      %max3A_742 = arith.maximumf %max3A_739, %get3A_741 : vector<16xf32>
      %get3A_743 = arith.constant 1056 : index
      %get3A_744 = tpu.vector_load %arg12[%get3A_743] {strides = array<i32>} : memref<2560xf32, #tpu.memory_space<vmem>>, vector<16xf32>,
      %max3A_745 = arith.maximumf %max3A_742, %get3A_744 : vector<16xf32>
      %get3A_746 = arith.constant 1216 : index
      %get3A_747 = tpu.vector_load %arg12[%get3A_746] {strides = array<i32>} : memref<2560xf32, #tpu.memory_space<vmem>>, vector<16xf32>,
      %max3A_748 = arith.maximumf %max3A_745, %get3A_747 : vector<16xf32>
      %get3A_749 = arith.constant 1376 : index
      %get3A_750 = tpu.vector_load %arg12[%get3A_749] {strides = array<i32>} : memref<2560xf32, #tpu.memory_space<vmem>>, vector<16xf32>,
      %max3A_751 = arith.maximumf %max3A_748, %get3A_750 : vector<16xf32>
      %get3A_752 = arith.constant 1536 : index
      %get3A_753 = tpu.vector_load %arg12[%get3A_752] {strides = array<i32>} : memref<2560xf32, #tpu.memory_space<vmem>>, vector<16xf32>,
      %max3A_754 = arith.maximumf %max3A_751, %get3A_753 : vector<16xf32>
      %get3A_755 = arith.constant 1696 : index
      %get3A_756 = tpu.vector_load %arg12[%get3A_755] {strides = array<i32>} : memref<2560xf32, #tpu.memory_space<vmem>>, vector<16xf32>,
      %max3A_757 = arith.maximumf %max3A_754, %get3A_756 : vector<16xf32>
      %get3A_758 = arith.constant 1856 : index
      %get3A_759 = tpu.vector_load %arg12[%get3A_758] {strides = array<i32>} : memref<2560xf32, #tpu.memory_space<vmem>>, vector<16xf32>,
      %max3A_760 = arith.maximumf %max3A_757, %get3A_759 : vector<16xf32>
      %get3A_761 = arith.constant 2016 : index
      %get3A_762 = tpu.vector_load %arg12[%get3A_761] {strides = array<i32>} : memref<2560xf32, #tpu.memory_space<vmem>>, vector<16xf32>,
      %max3A_763 = arith.maximumf %max3A_760, %get3A_762 : vector<16xf32>
      %get3A_764 = arith.constant 2176 : index
      %get3A_765 = tpu.vector_load %arg12[%get3A_764] {strides = array<i32>} : memref<2560xf32, #tpu.memory_space<vmem>>, vector<16xf32>,
      %max3A_766 = arith.maximumf %max3A_763, %get3A_765 : vector<16xf32>
      %get3A_767 = arith.constant 2336 : index
      %get3A_768 = tpu.vector_load %arg12[%get3A_767] {strides = array<i32>} : memref<2560xf32, #tpu.memory_space<vmem>>, vector<16xf32>,
      %max3A_769 = arith.maximumf %max3A_766, %get3A_768 : vector<16xf32>
      %get3A_770 = arith.constant 2496 : index
      %get3A_771 = tpu.vector_load %arg12[%get3A_770] {strides = array<i32>} : memref<2560xf32, #tpu.memory_space<vmem>>, vector<16xf32>,
      %max3A_772 = arith.maximumf %max3A_769, %get3A_771 : vector<16xf32>
      %swap3A_773 = arith.constant 96 : index
      %swap3A_774 = tpu.vector_load %arg13[%swap3A_773] {strides = array<i32>} : memref<160xf32, #tpu.memory_space<vmem>>, vector<16xf32>,
      tpu.vector_store %arg13[%swap3A_773], %max3A_772 {strides = array<i32>} : memref<160xf32, #tpu.memory_space<vmem>>, vector<16xf32>,
      %get3A_775 = arith.constant 112 : index
      %get3A_776 = tpu.vector_load %arg12[%get3A_775] {strides = array<i32>} : memref<2560xf32, #tpu.memory_space<vmem>>, vector<16xf32>,
      %get3A_777 = arith.constant 272 : index
      %get3A_778 = tpu.vector_load %arg12[%get3A_777] {strides = array<i32>} : memref<2560xf32, #tpu.memory_space<vmem>>, vector<16xf32>,
      %max3A_779 = arith.maximumf %get3A_776, %get3A_778 : vector<16xf32>
      %get3A_780 = arith.constant 432 : index
      %get3A_781 = tpu.vector_load %arg12[%get3A_780] {strides = array<i32>} : memref<2560xf32, #tpu.memory_space<vmem>>, vector<16xf32>,
      %max3A_782 = arith.maximumf %max3A_779, %get3A_781 : vector<16xf32>
      %get3A_783 = arith.constant 592 : index
      %get3A_784 = tpu.vector_load %arg12[%get3A_783] {strides = array<i32>} : memref<2560xf32, #tpu.memory_space<vmem>>, vector<16xf32>,
      %max3A_785 = arith.maximumf %max3A_782, %get3A_784 : vector<16xf32>
      %get3A_786 = arith.constant 752 : index
      %get3A_787 = tpu.vector_load %arg12[%get3A_786] {strides = array<i32>} : memref<2560xf32, #tpu.memory_space<vmem>>, vector<16xf32>,
      %max3A_788 = arith.maximumf %max3A_785, %get3A_787 : vector<16xf32>
      %get3A_789 = arith.constant 912 : index
      %get3A_790 = tpu.vector_load %arg12[%get3A_789] {strides = array<i32>} : memref<2560xf32, #tpu.memory_space<vmem>>, vector<16xf32>,
      %max3A_791 = arith.maximumf %max3A_788, %get3A_790 : vector<16xf32>
      %get3A_792 = arith.constant 1072 : index
      %get3A_793 = tpu.vector_load %arg12[%get3A_792] {strides = array<i32>} : memref<2560xf32, #tpu.memory_space<vmem>>, vector<16xf32>,
      %max3A_794 = arith.maximumf %max3A_791, %get3A_793 : vector<16xf32>
      %get3A_795 = arith.constant 1232 : index
      %get3A_796 = tpu.vector_load %arg12[%get3A_795] {strides = array<i32>} : memref<2560xf32, #tpu.memory_space<vmem>>, vector<16xf32>,
      %max3A_797 = arith.maximumf %max3A_794, %get3A_796 : vector<16xf32>
      %get3A_798 = arith.constant 1392 : index
      %get3A_799 = tpu.vector_load %arg12[%get3A_798] {strides = array<i32>} : memref<2560xf32, #tpu.memory_space<vmem>>, vector<16xf32>,
      %max3A_800 = arith.maximumf %max3A_797, %get3A_799 : vector<16xf32>
      %get3A_801 = arith.constant 1552 : index
      %get3A_802 = tpu.vector_load %arg12[%get3A_801] {strides = array<i32>} : memref<2560xf32, #tpu.memory_space<vmem>>, vector<16xf32>,
      %max3A_803 = arith.maximumf %max3A_800, %get3A_802 : vector<16xf32>
      %get3A_804 = arith.constant 1712 : index
      %get3A_805 = tpu.vector_load %arg12[%get3A_804] {strides = array<i32>} : memref<2560xf32, #tpu.memory_space<vmem>>, vector<16xf32>,
      %max3A_806 = arith.maximumf %max3A_803, %get3A_805 : vector<16xf32>
      %get3A_807 = arith.constant 1872 : index
      %get3A_808 = tpu.vector_load %arg12[%get3A_807] {strides = array<i32>} : memref<2560xf32, #tpu.memory_space<vmem>>, vector<16xf32>,
      %max3A_809 = arith.maximumf %max3A_806, %get3A_808 : vector<16xf32>
      %get3A_810 = arith.constant 2032 : index
      %get3A_811 = tpu.vector_load %arg12[%get3A_810] {strides = array<i32>} : memref<2560xf32, #tpu.memory_space<vmem>>, vector<16xf32>,
      %max3A_812 = arith.maximumf %max3A_809, %get3A_811 : vector<16xf32>
      %get3A_813 = arith.constant 2192 : index
      %get3A_814 = tpu.vector_load %arg12[%get3A_813] {strides = array<i32>} : memref<2560xf32, #tpu.memory_space<vmem>>, vector<16xf32>,
      %max3A_815 = arith.maximumf %max3A_812, %get3A_814 : vector<16xf32>
      %get3A_816 = arith.constant 2352 : index
      %get3A_817 = tpu.vector_load %arg12[%get3A_816] {strides = array<i32>} : memref<2560xf32, #tpu.memory_space<vmem>>, vector<16xf32>,
      %max3A_818 = arith.maximumf %max3A_815, %get3A_817 : vector<16xf32>
      %get3A_819 = arith.constant 2512 : index
      %get3A_820 = tpu.vector_load %arg12[%get3A_819] {strides = array<i32>} : memref<2560xf32, #tpu.memory_space<vmem>>, vector<16xf32>,
      %max3A_821 = arith.maximumf %max3A_818, %get3A_820 : vector<16xf32>
      %swap3A_822 = arith.constant 112 : index
      %swap3A_823 = tpu.vector_load %arg13[%swap3A_822] {strides = array<i32>} : memref<160xf32, #tpu.memory_space<vmem>>, vector<16xf32>,
      tpu.vector_store %arg13[%swap3A_822], %max3A_821 {strides = array<i32>} : memref<160xf32, #tpu.memory_space<vmem>>, vector<16xf32>,
      %get3A_824 = arith.constant 128 : index
      %get3A_825 = tpu.vector_load %arg12[%get3A_824] {strides = array<i32>} : memref<2560xf32, #tpu.memory_space<vmem>>, vector<16xf32>,
      %get3A_826 = arith.constant 288 : index
      %get3A_827 = tpu.vector_load %arg12[%get3A_826] {strides = array<i32>} : memref<2560xf32, #tpu.memory_space<vmem>>, vector<16xf32>,
      %max3A_828 = arith.maximumf %get3A_825, %get3A_827 : vector<16xf32>
      %get3A_829 = arith.constant 448 : index
      %get3A_830 = tpu.vector_load %arg12[%get3A_829] {strides = array<i32>} : memref<2560xf32, #tpu.memory_space<vmem>>, vector<16xf32>,
      %max3A_831 = arith.maximumf %max3A_828, %get3A_830 : vector<16xf32>
      %get3A_832 = arith.constant 608 : index
      %get3A_833 = tpu.vector_load %arg12[%get3A_832] {strides = array<i32>} : memref<2560xf32, #tpu.memory_space<vmem>>, vector<16xf32>,
      %max3A_834 = arith.maximumf %max3A_831, %get3A_833 : vector<16xf32>
      %get3A_835 = arith.constant 768 : index
      %get3A_836 = tpu.vector_load %arg12[%get3A_835] {strides = array<i32>} : memref<2560xf32, #tpu.memory_space<vmem>>, vector<16xf32>,
      %max3A_837 = arith.maximumf %max3A_834, %get3A_836 : vector<16xf32>
      %get3A_838 = arith.constant 928 : index
      %get3A_839 = tpu.vector_load %arg12[%get3A_838] {strides = array<i32>} : memref<2560xf32, #tpu.memory_space<vmem>>, vector<16xf32>,
      %max3A_840 = arith.maximumf %max3A_837, %get3A_839 : vector<16xf32>
      %get3A_841 = arith.constant 1088 : index
      %get3A_842 = tpu.vector_load %arg12[%get3A_841] {strides = array<i32>} : memref<2560xf32, #tpu.memory_space<vmem>>, vector<16xf32>,
      %max3A_843 = arith.maximumf %max3A_840, %get3A_842 : vector<16xf32>
      %get3A_844 = arith.constant 1248 : index
      %get3A_845 = tpu.vector_load %arg12[%get3A_844] {strides = array<i32>} : memref<2560xf32, #tpu.memory_space<vmem>>, vector<16xf32>,
      %max3A_846 = arith.maximumf %max3A_843, %get3A_845 : vector<16xf32>
      %get3A_847 = arith.constant 1408 : index
      %get3A_848 = tpu.vector_load %arg12[%get3A_847] {strides = array<i32>} : memref<2560xf32, #tpu.memory_space<vmem>>, vector<16xf32>,
      %max3A_849 = arith.maximumf %max3A_846, %get3A_848 : vector<16xf32>
      %get3A_850 = arith.constant 1568 : index
      %get3A_851 = tpu.vector_load %arg12[%get3A_850] {strides = array<i32>} : memref<2560xf32, #tpu.memory_space<vmem>>, vector<16xf32>,
      %max3A_852 = arith.maximumf %max3A_849, %get3A_851 : vector<16xf32>
      %get3A_853 = arith.constant 1728 : index
      %get3A_854 = tpu.vector_load %arg12[%get3A_853] {strides = array<i32>} : memref<2560xf32, #tpu.memory_space<vmem>>, vector<16xf32>,
      %max3A_855 = arith.maximumf %max3A_852, %get3A_854 : vector<16xf32>
      %get3A_856 = arith.constant 1888 : index
      %get3A_857 = tpu.vector_load %arg12[%get3A_856] {strides = array<i32>} : memref<2560xf32, #tpu.memory_space<vmem>>, vector<16xf32>,
      %max3A_858 = arith.maximumf %max3A_855, %get3A_857 : vector<16xf32>
      %get3A_859 = arith.constant 2048 : index
      %get3A_860 = tpu.vector_load %arg12[%get3A_859] {strides = array<i32>} : memref<2560xf32, #tpu.memory_space<vmem>>, vector<16xf32>,
      %max3A_861 = arith.maximumf %max3A_858, %get3A_860 : vector<16xf32>
      %get3A_862 = arith.constant 2208 : index
      %get3A_863 = tpu.vector_load %arg12[%get3A_862] {strides = array<i32>} : memref<2560xf32, #tpu.memory_space<vmem>>, vector<16xf32>,
      %max3A_864 = arith.maximumf %max3A_861, %get3A_863 : vector<16xf32>
      %get3A_865 = arith.constant 2368 : index
      %get3A_866 = tpu.vector_load %arg12[%get3A_865] {strides = array<i32>} : memref<2560xf32, #tpu.memory_space<vmem>>, vector<16xf32>,
      %max3A_867 = arith.maximumf %max3A_864, %get3A_866 : vector<16xf32>
      %get3A_868 = arith.constant 2528 : index
      %get3A_869 = tpu.vector_load %arg12[%get3A_868] {strides = array<i32>} : memref<2560xf32, #tpu.memory_space<vmem>>, vector<16xf32>,
      %max3A_870 = arith.maximumf %max3A_867, %get3A_869 : vector<16xf32>
      %swap3A_871 = arith.constant 128 : index
      %swap3A_872 = tpu.vector_load %arg13[%swap3A_871] {strides = array<i32>} : memref<160xf32, #tpu.memory_space<vmem>>, vector<16xf32>,
      tpu.vector_store %arg13[%swap3A_871], %max3A_870 {strides = array<i32>} : memref<160xf32, #tpu.memory_space<vmem>>, vector<16xf32>,
      %get3A_873 = arith.constant 144 : index
      %get3A_874 = tpu.vector_load %arg12[%get3A_873] {strides = array<i32>} : memref<2560xf32, #tpu.memory_space<vmem>>, vector<16xf32>,
      %get3A_875 = arith.constant 304 : index
      %get3A_876 = tpu.vector_load %arg12[%get3A_875] {strides = array<i32>} : memref<2560xf32, #tpu.memory_space<vmem>>, vector<16xf32>,
      %max3A_877 = arith.maximumf %get3A_874, %get3A_876 : vector<16xf32>
      %get3A_878 = arith.constant 464 : index
      %get3A_879 = tpu.vector_load %arg12[%get3A_878] {strides = array<i32>} : memref<2560xf32, #tpu.memory_space<vmem>>, vector<16xf32>,
      %max3A_880 = arith.maximumf %max3A_877, %get3A_879 : vector<16xf32>
      %get3A_881 = arith.constant 624 : index
      %get3A_882 = tpu.vector_load %arg12[%get3A_881] {strides = array<i32>} : memref<2560xf32, #tpu.memory_space<vmem>>, vector<16xf32>,
      %max3A_883 = arith.maximumf %max3A_880, %get3A_882 : vector<16xf32>
      %get3A_884 = arith.constant 784 : index
      %get3A_885 = tpu.vector_load %arg12[%get3A_884] {strides = array<i32>} : memref<2560xf32, #tpu.memory_space<vmem>>, vector<16xf32>,
      %max3A_886 = arith.maximumf %max3A_883, %get3A_885 : vector<16xf32>
      %get3A_887 = arith.constant 944 : index
      %get3A_888 = tpu.vector_load %arg12[%get3A_887] {strides = array<i32>} : memref<2560xf32, #tpu.memory_space<vmem>>, vector<16xf32>,
      %max3A_889 = arith.maximumf %max3A_886, %get3A_888 : vector<16xf32>
      %get3A_890 = arith.constant 1104 : index
      %get3A_891 = tpu.vector_load %arg12[%get3A_890] {strides = array<i32>} : memref<2560xf32, #tpu.memory_space<vmem>>, vector<16xf32>,
      %max3A_892 = arith.maximumf %max3A_889, %get3A_891 : vector<16xf32>
      %get3A_893 = arith.constant 1264 : index
      %get3A_894 = tpu.vector_load %arg12[%get3A_893] {strides = array<i32>} : memref<2560xf32, #tpu.memory_space<vmem>>, vector<16xf32>,
      %max3A_895 = arith.maximumf %max3A_892, %get3A_894 : vector<16xf32>
      %get3A_896 = arith.constant 1424 : index
      %get3A_897 = tpu.vector_load %arg12[%get3A_896] {strides = array<i32>} : memref<2560xf32, #tpu.memory_space<vmem>>, vector<16xf32>,
      %max3A_898 = arith.maximumf %max3A_895, %get3A_897 : vector<16xf32>
      %get3A_899 = arith.constant 1584 : index
      %get3A_900 = tpu.vector_load %arg12[%get3A_899] {strides = array<i32>} : memref<2560xf32, #tpu.memory_space<vmem>>, vector<16xf32>,
      %max3A_901 = arith.maximumf %max3A_898, %get3A_900 : vector<16xf32>
      %get3A_902 = arith.constant 1744 : index
      %get3A_903 = tpu.vector_load %arg12[%get3A_902] {strides = array<i32>} : memref<2560xf32, #tpu.memory_space<vmem>>, vector<16xf32>,
      %max3A_904 = arith.maximumf %max3A_901, %get3A_903 : vector<16xf32>
      %get3A_905 = arith.constant 1904 : index
      %get3A_906 = tpu.vector_load %arg12[%get3A_905] {strides = array<i32>} : memref<2560xf32, #tpu.memory_space<vmem>>, vector<16xf32>,
      %max3A_907 = arith.maximumf %max3A_904, %get3A_906 : vector<16xf32>
      %get3A_908 = arith.constant 2064 : index
      %get3A_909 = tpu.vector_load %arg12[%get3A_908] {strides = array<i32>} : memref<2560xf32, #tpu.memory_space<vmem>>, vector<16xf32>,
      %max3A_910 = arith.maximumf %max3A_907, %get3A_909 : vector<16xf32>
      %get3A_911 = arith.constant 2224 : index
      %get3A_912 = tpu.vector_load %arg12[%get3A_911] {strides = array<i32>} : memref<2560xf32, #tpu.memory_space<vmem>>, vector<16xf32>,
      %max3A_913 = arith.maximumf %max3A_910, %get3A_912 : vector<16xf32>
      %get3A_914 = arith.constant 2384 : index
      %get3A_915 = tpu.vector_load %arg12[%get3A_914] {strides = array<i32>} : memref<2560xf32, #tpu.memory_space<vmem>>, vector<16xf32>,
      %max3A_916 = arith.maximumf %max3A_913, %get3A_915 : vector<16xf32>
      %get3A_917 = arith.constant 2544 : index
      %get3A_918 = tpu.vector_load %arg12[%get3A_917] {strides = array<i32>} : memref<2560xf32, #tpu.memory_space<vmem>>, vector<16xf32>,
      %max3A_919 = arith.maximumf %max3A_916, %get3A_918 : vector<16xf32>
      %swap3A_920 = arith.constant 144 : index
      %swap3A_921 = tpu.vector_load %arg13[%swap3A_920] {strides = array<i32>} : memref<160xf32, #tpu.memory_space<vmem>>, vector<16xf32>,
      tpu.vector_store %arg13[%swap3A_920], %max3A_919 {strides = array<i32>} : memref<160xf32, #tpu.memory_space<vmem>>, vector<16xf32>,
      %eq3A_922 = arith.constant 0 : i32
      %eq3A_923 = vector.broadcast %eq3A_922 : i32 to vector<16xi32>
      %eq3A_924 = arith.cmpi eq, %iota3A, %eq3A_923 : vector<16xi32>
      %get3A_925 = arith.constant 0 : index
      %get3A_926 = tpu.vector_load %arg13[%get3A_925] {strides = array<i32>} : memref<160xf32, #tpu.memory_space<vmem>>, vector<16xf32>,
      %reduce_max3A = arith.constant true
      %reduce_max3A_927 = vector.broadcast %reduce_max3A : i1 to vector<16xi1>
      %reduce_max3A_928 = tpu.scan <max>, %get3A_926 masked %reduce_max3A_927 : vector<16xf32>, vector<16xi1> -> vector<16xf32>
      %reduce_max3A_929 = vector.extract %reduce_max3A_928[15] : f32 from vector<16xf32>
      %broadcast_in_dim3A_930 = vector.broadcast %reduce_max3A_929 : f32 to vector<16xf32>
      %select_n3A_931 = arith.select %eq3A_924, %broadcast_in_dim3A_930, %broadcast_in_dim3A_0 : vector<16xi1>, vector<16xf32>
      %eq3A_932 = arith.constant 1 : i32
      %eq3A_933 = vector.broadcast %eq3A_932 : i32 to vector<16xi32>
      %eq3A_934 = arith.cmpi eq, %iota3A, %eq3A_933 : vector<16xi32>
      %get3A_935 = arith.constant 16 : index
      %get3A_936 = tpu.vector_load %arg13[%get3A_935] {strides = array<i32>} : memref<160xf32, #tpu.memory_space<vmem>>, vector<16xf32>,
      %reduce_max3A_937 = arith.constant true
      %reduce_max3A_938 = vector.broadcast %reduce_max3A_937 : i1 to vector<16xi1>
      %reduce_max3A_939 = tpu.scan <max>, %get3A_936 masked %reduce_max3A_938 : vector<16xf32>, vector<16xi1> -> vector<16xf32>
      %reduce_max3A_940 = vector.extract %reduce_max3A_939[15] : f32 from vector<16xf32>
      %broadcast_in_dim3A_941 = vector.broadcast %reduce_max3A_940 : f32 to vector<16xf32>
      %select_n3A_942 = arith.select %eq3A_934, %broadcast_in_dim3A_941, %select_n3A_931 : vector<16xi1>, vector<16xf32>
      %eq3A_943 = arith.constant 2 : i32
      %eq3A_944 = vector.broadcast %eq3A_943 : i32 to vector<16xi32>
      %eq3A_945 = arith.cmpi eq, %iota3A, %eq3A_944 : vector<16xi32>
      %get3A_946 = arith.constant 32 : index
      %get3A_947 = tpu.vector_load %arg13[%get3A_946] {strides = array<i32>} : memref<160xf32, #tpu.memory_space<vmem>>, vector<16xf32>,
      %reduce_max3A_948 = arith.constant true
      %reduce_max3A_949 = vector.broadcast %reduce_max3A_948 : i1 to vector<16xi1>
      %reduce_max3A_950 = tpu.scan <max>, %get3A_947 masked %reduce_max3A_949 : vector<16xf32>, vector<16xi1> -> vector<16xf32>
      %reduce_max3A_951 = vector.extract %reduce_max3A_950[15] : f32 from vector<16xf32>
      %broadcast_in_dim3A_952 = vector.broadcast %reduce_max3A_951 : f32 to vector<16xf32>
      %select_n3A_953 = arith.select %eq3A_945, %broadcast_in_dim3A_952, %select_n3A_942 : vector<16xi1>, vector<16xf32>
      %eq3A_954 = arith.constant 3 : i32
      %eq3A_955 = vector.broadcast %eq3A_954 : i32 to vector<16xi32>
      %eq3A_956 = arith.cmpi eq, %iota3A, %eq3A_955 : vector<16xi32>
      %get3A_957 = arith.constant 48 : index
      %get3A_958 = tpu.vector_load %arg13[%get3A_957] {strides = array<i32>} : memref<160xf32, #tpu.memory_space<vmem>>, vector<16xf32>,
      %reduce_max3A_959 = arith.constant true
      %reduce_max3A_960 = vector.broadcast %reduce_max3A_959 : i1 to vector<16xi1>
      %reduce_max3A_961 = tpu.scan <max>, %get3A_958 masked %reduce_max3A_960 : vector<16xf32>, vector<16xi1> -> vector<16xf32>
      %reduce_max3A_962 = vector.extract %reduce_max3A_961[15] : f32 from vector<16xf32>
      %broadcast_in_dim3A_963 = vector.broadcast %reduce_max3A_962 : f32 to vector<16xf32>
      %select_n3A_964 = arith.select %eq3A_956, %broadcast_in_dim3A_963, %select_n3A_953 : vector<16xi1>, vector<16xf32>
      %eq3A_965 = arith.constant 4 : i32
      %eq3A_966 = vector.broadcast %eq3A_965 : i32 to vector<16xi32>
      %eq3A_967 = arith.cmpi eq, %iota3A, %eq3A_966 : vector<16xi32>
      %get3A_968 = arith.constant 64 : index
      %get3A_969 = tpu.vector_load %arg13[%get3A_968] {strides = array<i32>} : memref<160xf32, #tpu.memory_space<vmem>>, vector<16xf32>,
      %reduce_max3A_970 = arith.constant true
      %reduce_max3A_971 = vector.broadcast %reduce_max3A_970 : i1 to vector<16xi1>
      %reduce_max3A_972 = tpu.scan <max>, %get3A_969 masked %reduce_max3A_971 : vector<16xf32>, vector<16xi1> -> vector<16xf32>
      %reduce_max3A_973 = vector.extract %reduce_max3A_972[15] : f32 from vector<16xf32>
      %broadcast_in_dim3A_974 = vector.broadcast %reduce_max3A_973 : f32 to vector<16xf32>
      %select_n3A_975 = arith.select %eq3A_967, %broadcast_in_dim3A_974, %select_n3A_964 : vector<16xi1>, vector<16xf32>
      %eq3A_976 = arith.constant 5 : i32
      %eq3A_977 = vector.broadcast %eq3A_976 : i32 to vector<16xi32>
      %eq3A_978 = arith.cmpi eq, %iota3A, %eq3A_977 : vector<16xi32>
      %get3A_979 = arith.constant 80 : index
      %get3A_980 = tpu.vector_load %arg13[%get3A_979] {strides = array<i32>} : memref<160xf32, #tpu.memory_space<vmem>>, vector<16xf32>,
      %reduce_max3A_981 = arith.constant true
      %reduce_max3A_982 = vector.broadcast %reduce_max3A_981 : i1 to vector<16xi1>
      %reduce_max3A_983 = tpu.scan <max>, %get3A_980 masked %reduce_max3A_982 : vector<16xf32>, vector<16xi1> -> vector<16xf32>
      %reduce_max3A_984 = vector.extract %reduce_max3A_983[15] : f32 from vector<16xf32>
      %broadcast_in_dim3A_985 = vector.broadcast %reduce_max3A_984 : f32 to vector<16xf32>
      %select_n3A_986 = arith.select %eq3A_978, %broadcast_in_dim3A_985, %select_n3A_975 : vector<16xi1>, vector<16xf32>
      %eq3A_987 = arith.constant 6 : i32
      %eq3A_988 = vector.broadcast %eq3A_987 : i32 to vector<16xi32>
      %eq3A_989 = arith.cmpi eq, %iota3A, %eq3A_988 : vector<16xi32>
      %get3A_990 = arith.constant 96 : index
      %get3A_991 = tpu.vector_load %arg13[%get3A_990] {strides = array<i32>} : memref<160xf32, #tpu.memory_space<vmem>>, vector<16xf32>,
      %reduce_max3A_992 = arith.constant true
      %reduce_max3A_993 = vector.broadcast %reduce_max3A_992 : i1 to vector<16xi1>
      %reduce_max3A_994 = tpu.scan <max>, %get3A_991 masked %reduce_max3A_993 : vector<16xf32>, vector<16xi1> -> vector<16xf32>
      %reduce_max3A_995 = vector.extract %reduce_max3A_994[15] : f32 from vector<16xf32>
      %broadcast_in_dim3A_996 = vector.broadcast %reduce_max3A_995 : f32 to vector<16xf32>
      %select_n3A_997 = arith.select %eq3A_989, %broadcast_in_dim3A_996, %select_n3A_986 : vector<16xi1>, vector<16xf32>
      %eq3A_998 = arith.constant 7 : i32
      %eq3A_999 = vector.broadcast %eq3A_998 : i32 to vector<16xi32>
      %eq3A_1000 = arith.cmpi eq, %iota3A, %eq3A_999 : vector<16xi32>
      %get3A_1001 = arith.constant 112 : index
      %get3A_1002 = tpu.vector_load %arg13[%get3A_1001] {strides = array<i32>} : memref<160xf32, #tpu.memory_space<vmem>>, vector<16xf32>,
      %reduce_max3A_1003 = arith.constant true
      %reduce_max3A_1004 = vector.broadcast %reduce_max3A_1003 : i1 to vector<16xi1>
      %reduce_max3A_1005 = tpu.scan <max>, %get3A_1002 masked %reduce_max3A_1004 : vector<16xf32>, vector<16xi1> -> vector<16xf32>
      %reduce_max3A_1006 = vector.extract %reduce_max3A_1005[15] : f32 from vector<16xf32>
      %broadcast_in_dim3A_1007 = vector.broadcast %reduce_max3A_1006 : f32 to vector<16xf32>
      %select_n3A_1008 = arith.select %eq3A_1000, %broadcast_in_dim3A_1007, %select_n3A_997 : vector<16xi1>, vector<16xf32>
      %eq3A_1009 = arith.constant 8 : i32
      %eq3A_1010 = vector.broadcast %eq3A_1009 : i32 to vector<16xi32>
      %eq3A_1011 = arith.cmpi eq, %iota3A, %eq3A_1010 : vector<16xi32>
      %get3A_1012 = arith.constant 128 : index
      %get3A_1013 = tpu.vector_load %arg13[%get3A_1012] {strides = array<i32>} : memref<160xf32, #tpu.memory_space<vmem>>, vector<16xf32>,
      %reduce_max3A_1014 = arith.constant true
      %reduce_max3A_1015 = vector.broadcast %reduce_max3A_1014 : i1 to vector<16xi1>
      %reduce_max3A_1016 = tpu.scan <max>, %get3A_1013 masked %reduce_max3A_1015 : vector<16xf32>, vector<16xi1> -> vector<16xf32>
      %reduce_max3A_1017 = vector.extract %reduce_max3A_1016[15] : f32 from vector<16xf32>
      %broadcast_in_dim3A_1018 = vector.broadcast %reduce_max3A_1017 : f32 to vector<16xf32>
      %select_n3A_1019 = arith.select %eq3A_1011, %broadcast_in_dim3A_1018, %select_n3A_1008 : vector<16xi1>, vector<16xf32>
      %eq3A_1020 = arith.constant 9 : i32
      %eq3A_1021 = vector.broadcast %eq3A_1020 : i32 to vector<16xi32>
      %eq3A_1022 = arith.cmpi eq, %iota3A, %eq3A_1021 : vector<16xi32>
      %get3A_1023 = arith.constant 144 : index
      %get3A_1024 = tpu.vector_load %arg13[%get3A_1023] {strides = array<i32>} : memref<160xf32, #tpu.memory_space<vmem>>, vector<16xf32>,
      %reduce_max3A_1025 = arith.constant true
      %reduce_max3A_1026 = vector.broadcast %reduce_max3A_1025 : i1 to vector<16xi1>
      %reduce_max3A_1027 = tpu.scan <max>, %get3A_1024 masked %reduce_max3A_1026 : vector<16xf32>, vector<16xi1> -> vector<16xf32>
      %reduce_max3A_1028 = vector.extract %reduce_max3A_1027[15] : f32 from vector<16xf32>
      %broadcast_in_dim3A_1029 = vector.broadcast %reduce_max3A_1028 : f32 to vector<16xf32>
      %select_n3A_1030 = arith.select %eq3A_1022, %broadcast_in_dim3A_1029, %select_n3A_1019 : vector<16xi1>, vector<16xf32>
      %swap3A_1031 = arith.constant 0 : index
      %swap3A_1032 = tpu.vector_load %arg14[%swap3A_1031] {strides = array<i32>} : memref<16xf32, #tpu.memory_space<vmem>>, vector<16xf32>,
      tpu.vector_store %arg14[%swap3A_1031], %select_n3A_1030 {strides = array<i32>} : memref<16xf32, #tpu.memory_space<vmem>>, vector<16xf32>,
      %get3A_1033 = arith.constant 0 : index
      %get3A_1034 = tpu.vector_load %arg14[%get3A_1033] {strides = array<i32>} : memref<16xf32, #tpu.memory_space<vmem>>, vector<16xf32>,
      %reduce_max3A_1035 = arith.constant true
      %reduce_max3A_1036 = vector.broadcast %reduce_max3A_1035 : i1 to vector<16xi1>
      %reduce_max3A_1037 = tpu.scan <max>, %get3A_1034 masked %reduce_max3A_1036 : vector<16xf32>, vector<16xi1> -> vector<16xf32>
      %reduce_max3A_1038 = vector.extract %reduce_max3A_1037[15] : f32 from vector<16xf32>
      %while3A = arith.constant 0 : i32
      %while3A_1039:2 = scf.while (%while3A_1040 = %reduce_max3A_1038, %while3A_1041 = %while3A) : (f32, i32) -> (f32, i32) {
        %gt3A = arith.constant 0xFF800000 : f32
        %gt3A_1042 = arith.cmpf ogt, %while3A_1040, %gt3A : f32
        %lt3A_1043 = arith.constant 100 : i32
        %lt3A_1044 = arith.cmpi slt, %while3A_1041, %lt3A_1043 : i32
        %and3A_1045 = arith.andi %gt3A_1042, %lt3A_1044 : i1
        scf.condition(%and3A_1045) %while3A_1040, %while3A_1041 : f32, i32
      } do {
      ^bb0(%while3A_1040: f32, %while3A_1041: i32):
        %get3A_1042 = arith.constant 0 : index
        %get3A_1043 = tpu.vector_load %arg14[%get3A_1042] {strides = array<i32>} : memref<16xf32, #tpu.memory_space<vmem>>, vector<16xf32>,
        %eq3A_1044 = vector.broadcast %while3A_1040 : f32 to vector<16xf32>
        %eq3A_1045 = arith.cmpf oeq, %get3A_1043, %eq3A_1044 : vector<16xf32>
        %all_reduce_ffs3A = tpu.all_reduce %eq3A_1045 {dim = 0 : i64, kind = #tpu.reduction_kind<find_first_set>} : vector<16xi1> -> vector<16xi32>
        %reduce_max3A_1046 = arith.constant true
        %reduce_max3A_1047 = vector.broadcast %reduce_max3A_1046 : i1 to vector<16xi1>
        %reduce_max3A_1048 = arith.constant -2147483648 : i32
        %reduce_max3A_1049 = vector.broadcast %reduce_max3A_1048 : i32 to vector<16xi32>
        %reduce_max3A_1050 = arith.xori %all_reduce_ffs3A, %reduce_max3A_1049 : vector<16xi32>
        %reduce_max3A_1051 = tpu.scan <max>, %reduce_max3A_1050 masked %reduce_max3A_1047 : vector<16xi32>, vector<16xi1> -> vector<16xi32>
        %reduce_max3A_1052 = arith.xori %reduce_max3A_1051, %reduce_max3A_1049 : vector<16xi32>
        %reduce_max3A_1053 = vector.extract %reduce_max3A_1052[15] : i32 from vector<16xi32>
        %mul3A_1054 = arith.constant 16 : i32
        %mul3A_1055 = arith.muli %reduce_max3A_1053, %mul3A_1054 : i32
        %add3A_1056 = vector.broadcast %mul3A_1055 : i32 to vector<16xi32>
        %add3A_1057 = arith.addi %add3A_1056, %iota3A : vector<16xi32>
        %gather3A = tpu.vector_load_idx %arg13[%add3A_1057] : memref<160xf32, #tpu.memory_space<vmem>>[vector<16xi32>], vector<16xf32>,
        %eq3A_1058 = vector.broadcast %while3A_1040 : f32 to vector<16xf32>
        %eq3A_1059 = arith.cmpf oeq, %gather3A, %eq3A_1058 : vector<16xf32>
        %all_reduce_ffs3A_1060 = tpu.all_reduce %eq3A_1059 {dim = 0 : i64, kind = #tpu.reduction_kind<find_first_set>} : vector<16xi1> -> vector<16xi32>
        %reduce_max3A_1061 = arith.constant true
        %reduce_max3A_1062 = vector.broadcast %reduce_max3A_1061 : i1 to vector<16xi1>
        %reduce_max3A_1063 = arith.constant -2147483648 : i32
        %reduce_max3A_1064 = vector.broadcast %reduce_max3A_1063 : i32 to vector<16xi32>
        %reduce_max3A_1065 = arith.xori %all_reduce_ffs3A_1060, %reduce_max3A_1064 : vector<16xi32>
        %reduce_max3A_1066 = tpu.scan <max>, %reduce_max3A_1065 masked %reduce_max3A_1062 : vector<16xi32>, vector<16xi1> -> vector<16xi32>
        %reduce_max3A_1067 = arith.xori %reduce_max3A_1066, %reduce_max3A_1064 : vector<16xi32>
        %reduce_max3A_1068 = vector.extract %reduce_max3A_1067[15] : i32 from vector<16xi32>
        %mul3A_1069 = arith.constant 16 : i32
        %mul3A_1070 = arith.muli %reduce_max3A_1053, %mul3A_1069 : i32
        %add3A_1071 = arith.addi %mul3A_1070, %reduce_max3A_1068 : i32
        %mul3A_1072 = arith.constant 160 : i32
        %mul3A_1073 = vector.broadcast %mul3A_1072 : i32 to vector<16xi32>
        %mul3A_1074 = arith.muli %mul3A_1073, %iota3A : vector<16xi32>
        %add3A_1075 = vector.broadcast %add3A_1071 : i32 to vector<16xi32>
        %add3A_1076 = arith.addi %add3A_1075, %mul3A_1074 : vector<16xi32>
        %gather3A_1077 = tpu.vector_load_idx %arg12[%add3A_1076] : memref<2560xf32, #tpu.memory_space<vmem>>[vector<16xi32>], vector<16xf32>,
        %eq3A_1078 = vector.broadcast %while3A_1040 : f32 to vector<16xf32>
        %eq3A_1079 = arith.cmpf oeq, %gather3A_1077, %eq3A_1078 : vector<16xf32>
        %all_reduce_ffs3A_1080 = tpu.all_reduce %eq3A_1079 {dim = 0 : i64, kind = #tpu.reduction_kind<find_first_set>} : vector<16xi1> -> vector<16xi32>
        %reduce_max3A_1081 = arith.constant true
        %reduce_max3A_1082 = vector.broadcast %reduce_max3A_1081 : i1 to vector<16xi1>
        %reduce_max3A_1083 = arith.constant -2147483648 : i32
        %reduce_max3A_1084 = vector.broadcast %reduce_max3A_1083 : i32 to vector<16xi32>
        %reduce_max3A_1085 = arith.xori %all_reduce_ffs3A_1080, %reduce_max3A_1084 : vector<16xi32>
        %reduce_max3A_1086 = tpu.scan <max>, %reduce_max3A_1085 masked %reduce_max3A_1082 : vector<16xi32>, vector<16xi1> -> vector<16xi32>
        %reduce_max3A_1087 = arith.xori %reduce_max3A_1086, %reduce_max3A_1084 : vector<16xi32>
        %reduce_max3A_1088 = vector.extract %reduce_max3A_1087[15] : i32 from vector<16xi32>
        %mul3A_1089 = arith.constant 160 : i32
        %mul3A_1090 = arith.muli %mul3A_1089, %reduce_max3A_1088 : i32
        %add3A_1091 = arith.addi %add3A_1071, %mul3A_1090 : i32
        %mul3A_1092 = arith.constant 2560 : i32
        %mul3A_1093 = vector.broadcast %mul3A_1092 : i32 to vector<16xi32>
        %mul3A_1094 = arith.muli %mul3A_1093, %iota3A : vector<16xi32>
        %add3A_1095 = vector.broadcast %add3A_1091 : i32 to vector<16xi32>
        %add3A_1096 = arith.addi %add3A_1095, %mul3A_1094 : vector<16xi32>
        %gather3A_1097 = tpu.vector_load_idx %arg8[%add3A_1096] : memref<40960xf32, #tpu.memory_space<vmem>>[vector<16xi32>], vector<16xf32>,
        %eq3A_1098 = vector.broadcast %while3A_1040 : f32 to vector<16xf32>
        %eq3A_1099 = arith.cmpf oeq, %gather3A_1097, %eq3A_1098 : vector<16xf32>
        %all_reduce_ffs3A_1100 = tpu.all_reduce %eq3A_1099 {dim = 0 : i64, kind = #tpu.reduction_kind<find_first_set>} : vector<16xi1> -> vector<16xi32>
        %reduce_max3A_1101 = arith.constant true
        %reduce_max3A_1102 = vector.broadcast %reduce_max3A_1101 : i1 to vector<16xi1>
        %reduce_max3A_1103 = arith.constant -2147483648 : i32
        %reduce_max3A_1104 = vector.broadcast %reduce_max3A_1103 : i32 to vector<16xi32>
        %reduce_max3A_1105 = arith.xori %all_reduce_ffs3A_1100, %reduce_max3A_1104 : vector<16xi32>
        %reduce_max3A_1106 = tpu.scan <max>, %reduce_max3A_1105 masked %reduce_max3A_1102 : vector<16xi32>, vector<16xi1> -> vector<16xi32>
        %reduce_max3A_1107 = arith.xori %reduce_max3A_1106, %reduce_max3A_1104 : vector<16xi32>
        %reduce_max3A_1108 = vector.extract %reduce_max3A_1107[15] : i32 from vector<16xi32>
        %mul3A_1109 = arith.constant 2560 : i32
        %mul3A_1110 = arith.muli %mul3A_1109, %reduce_max3A_1108 : i32
        %add3A_1111 = arith.addi %add3A_1091, %mul3A_1110 : i32
        %mul3A_1112 = arith.constant 8 : i32
        %mul3A_1113 = arith.muli %add3A_1111, %mul3A_1112 : i32
        "tpu.region"() ({
          %run_scoped3A = tpu.sem_alloc : memref<!tpu.dma_semaphore, #tpu.memory_space<semaphore_mem>>
          %dma_start3A = tpu.memref_slice %arg21[%mul3A_1113] : memref<327688xf32, #tpu.memory_space<vmem_shared>> -> memref<16xf32, #tpu.memory_space<vmem_shared>>
          %dma_start3A_1234 = tpu.memref_slice %arg21[%mul3A_1113] : memref<327688xf32, #tpu.memory_space<vmem_shared>> -> memref<16xf32, #tpu.memory_space<vmem_shared>>
          tpu.enqueue_dma source(%dma_start3A_1234 : memref<16xf32, #tpu.memory_space<vmem_shared>>) target(%arg16 : memref<16xf32, #tpu.memory_space<vmem>>) target_semaphore(%run_scoped3A : memref<!tpu.dma_semaphore, #tpu.memory_space<semaphore_mem>>)
          %dma_wait3A = tpu.memref_slice %arg21[%mul3A_1113] : memref<327688xf32, #tpu.memory_space<vmem_shared>> -> memref<16xf32, #tpu.memory_space<vmem_shared>>
          %dma_wait3A_1235 = tpu.memref_slice %arg21[%mul3A_1113] : memref<327688xf32, #tpu.memory_space<vmem_shared>> -> memref<16xf32, #tpu.memory_space<vmem_shared>>
          tpu.wait_dma2 semaphore(%run_scoped3A : memref<!tpu.dma_semaphore, #tpu.memory_space<semaphore_mem>>) src(%dma_wait3A_1235 : memref<16xf32, #tpu.memory_space<vmem_shared>>) dst(%arg16 : memref<16xf32, #tpu.memory_space<vmem>>)
          tpu.yield
        }) : () -> ()
        %mul3A_1114 = arith.constant 0 : i32
        %mul3A_1115 = vector.broadcast %mul3A_1114 : i32 to vector<16xi32>
        %mul3A_1116 = arith.muli %iota3A, %mul3A_1115 : vector<16xi32>
        %gather3A_1117 = tpu.vector_load_idx %arg16[%mul3A_1116] : memref<16xf32, #tpu.memory_space<vmem>>[vector<16xi32>], vector<16xf32>,
        %add3A_1118 = arith.constant 1 : i32
        %add3A_1119 = vector.broadcast %add3A_1118 : i32 to vector<16xi32>
        %add3A_1120 = arith.addi %mul3A_1116, %add3A_1119 : vector<16xi32>
        %gather3A_1121 = tpu.vector_load_idx %arg16[%add3A_1120] : memref<16xf32, #tpu.memory_space<vmem>>[vector<16xi32>], vector<16xf32>,
        %add3A_1122 = arith.constant 2 : i32
        %add3A_1123 = vector.broadcast %add3A_1122 : i32 to vector<16xi32>
        %add3A_1124 = arith.addi %mul3A_1116, %add3A_1123 : vector<16xi32>
        %gather3A_1125 = tpu.vector_load_idx %arg16[%add3A_1124] : memref<16xf32, #tpu.memory_space<vmem>>[vector<16xi32>], vector<16xf32>,
        %add3A_1126 = arith.constant 3 : i32
        %add3A_1127 = vector.broadcast %add3A_1126 : i32 to vector<16xi32>
        %add3A_1128 = arith.addi %mul3A_1116, %add3A_1127 : vector<16xi32>
        %gather3A_1129 = tpu.vector_load_idx %arg16[%add3A_1128] : memref<16xf32, #tpu.memory_space<vmem>>[vector<16xi32>], vector<16xf32>,
        %sub3A_1130 = arith.subf %gather3A_1125, %gather3A_1117 : vector<16xf32>
        %sub3A_1131 = arith.subf %gather3A_1129, %gather3A_1121 : vector<16xf32>
        %mul3A_1132 = arith.mulf %sub3A_1130, %sub3A_1131 : vector<16xf32>
        %lt3A_1133 = arith.constant 20480 : i32
        %lt3A_1134 = arith.cmpi slt, %add3A_1111, %lt3A_1133 : i32
        %jit3A_1135 = arith.constant 1.000000e+00 : f32
        %jit3A_1136 = arith.constant 2.000000e+00 : f32
        %select_n3A_1137 = arith.select %lt3A_1134, %jit3A_1135, %jit3A_1136 : f32
        %add3A_1138 = arith.constant 15 : i32
        %add3A_1139 = arith.addi %while3A_1041, %add3A_1138 : i32
        %jit3A_1140 = arith.constant 16 : i32
        %div3A_1141 = arith.divsi %add3A_1139, %jit3A_1140 : i32
        %sign3A_1142 = arith.constant 0 : i32
        %sign3A_1143 = arith.cmpi sgt, %add3A_1139, %sign3A_1142 : i32
        %sign3A_1144 = arith.extui %sign3A_1143 : i1 to i32
        %sign3A_1145 = arith.constant 0 : i32
        %sign3A_1146 = arith.cmpi slt, %add3A_1139, %sign3A_1145 : i32
        %sign3A_1147 = arith.extui %sign3A_1146 : i1 to i32
        %sign3A_1148 = arith.subi %sign3A_1144, %sign3A_1147 : i32
        %sign3A_1149 = arith.constant 0 : i32
        %sign3A_1150 = arith.cmpi sgt, %jit3A_1140, %sign3A_1149 : i32
        %sign3A_1151 = arith.extui %sign3A_1150 : i1 to i32
        %sign3A_1152 = arith.constant 0 : i32
        %sign3A_1153 = arith.cmpi slt, %jit3A_1140, %sign3A_1152 : i32
        %sign3A_1154 = arith.extui %sign3A_1153 : i1 to i32
        %sign3A_1155 = arith.subi %sign3A_1151, %sign3A_1154 : i32
        %ne3A_1156 = arith.cmpi ne, %sign3A_1148, %sign3A_1155 : i32
        %rem3A_1157 = arith.remsi %add3A_1139, %jit3A_1140 : i32
        %ne3A_1158 = arith.constant 0 : i32
        %ne3A_1159 = arith.cmpi ne, %rem3A_1157, %ne3A_1158 : i32
        %and3A_1160 = arith.andi %ne3A_1156, %ne3A_1159 : i1
        %sub3A_1161 = arith.constant 1 : i32
        %sub3A_1162 = arith.subi %div3A_1141, %sub3A_1161 : i32
        %select_n3A_1163 = arith.select %and3A_1160, %sub3A_1162, %div3A_1141 : i32
        %broadcast_in_dim3A_1164 = arith.constant false
        %broadcast_in_dim3A_1165 = vector.broadcast %broadcast_in_dim3A_1164 : i1 to vector<16xi1>
        %while3A_1166 = arith.constant 0 : i32
        %while3A_1167 = arith.subi %select_n3A_1163, %while3A_1166 : i32
        %while3A_1168 = arith.addi %while3A_1166, %while3A_1167 : i32
        %while3A_1169 = arith.constant 1 : i32
        %while3A_1170 = arith.divsi %while3A_1167, %while3A_1169 : i32
        %while3A_1171 = arith.muli %while3A_1170, %while3A_1169 : i32
        %while3A_1172 = arith.addi %while3A_1166, %while3A_1171 : i32
        %while3A_1173 = arith.constant 1 : i32
        %while3A_1174 = scf.for %while3A_1234 = %while3A_1166 to %while3A_1172 step %while3A_1173 iter_args(%while3A_1235 = %broadcast_in_dim3A_1165) -> (vector<16xi1>)  : i32 {
          %mul3A_1236 = arith.constant 16 : i32
          %mul3A_1237 = arith.muli %while3A_1234, %mul3A_1236 : i32
          %get3A_1238 = arith.index_cast %mul3A_1237 : i32 to index
          %get3A_1239 = tpu.vector_load %arg15[%get3A_1238] {strides = array<i32>} : memref<672xf32, #tpu.memory_space<vmem>>, vector<16xf32>,
          %mul3A_1240 = arith.constant 16 : i32
          %mul3A_1241 = arith.muli %while3A_1234, %mul3A_1240 : i32
          %add3A_1242 = arith.constant 112 : i32
          %add3A_1243 = arith.addi %add3A_1242, %mul3A_1241 : i32
          %get3A_1244 = arith.index_cast %add3A_1243 : i32 to index
          %get3A_1245 = tpu.vector_load %arg15[%get3A_1244] {strides = array<i32>} : memref<672xf32, #tpu.memory_space<vmem>>, vector<16xf32>,
          %mul3A_1246 = arith.constant 16 : i32
          %mul3A_1247 = arith.muli %while3A_1234, %mul3A_1246 : i32
          %add3A_1248 = arith.constant 224 : i32
          %add3A_1249 = arith.addi %add3A_1248, %mul3A_1247 : i32
          %get3A_1250 = arith.index_cast %add3A_1249 : i32 to index
          %get3A_1251 = tpu.vector_load %arg15[%get3A_1250] {strides = array<i32>} : memref<672xf32, #tpu.memory_space<vmem>>, vector<16xf32>,
          %mul3A_1252 = arith.constant 16 : i32
          %mul3A_1253 = arith.muli %while3A_1234, %mul3A_1252 : i32
          %add3A_1254 = arith.constant 336 : i32
          %add3A_1255 = arith.addi %add3A_1254, %mul3A_1253 : i32
          %get3A_1256 = arith.index_cast %add3A_1255 : i32 to index
          %get3A_1257 = tpu.vector_load %arg15[%get3A_1256] {strides = array<i32>} : memref<672xf32, #tpu.memory_space<vmem>>, vector<16xf32>,
          %mul3A_1258 = arith.constant 16 : i32
          %mul3A_1259 = arith.muli %while3A_1234, %mul3A_1258 : i32
          %add3A_1260 = arith.constant 448 : i32
          %add3A_1261 = arith.addi %add3A_1260, %mul3A_1259 : i32
          %get3A_1262 = arith.index_cast %add3A_1261 : i32 to index
          %get3A_1263 = tpu.vector_load %arg15[%get3A_1262] {strides = array<i32>} : memref<672xf32, #tpu.memory_space<vmem>>, vector<16xf32>,
          %mul3A_1264 = arith.constant 16 : i32
          %mul3A_1265 = arith.muli %while3A_1234, %mul3A_1264 : i32
          %add3A_1266 = arith.constant 560 : i32
          %add3A_1267 = arith.addi %add3A_1266, %mul3A_1265 : i32
          %get3A_1268 = arith.index_cast %add3A_1267 : i32 to index
          %get3A_1269 = tpu.vector_load %arg15[%get3A_1268] {strides = array<i32>} : memref<672xf32, #tpu.memory_space<vmem>>, vector<16xf32>,
          %max3A_1270 = arith.maximumf %get3A_1239, %gather3A_1117 : vector<16xf32>
          %max3A_1271 = arith.maximumf %get3A_1245, %gather3A_1121 : vector<16xf32>
          %min3A = arith.minimumf %get3A_1251, %gather3A_1125 : vector<16xf32>
          %min3A_1272 = arith.minimumf %get3A_1257, %gather3A_1129 : vector<16xf32>
          %sub3A_1273 = arith.subf %min3A, %max3A_1270 : vector<16xf32>
          %max3A_1274 = arith.constant 0.000000e+00 : f32
          %max3A_1275 = vector.broadcast %max3A_1274 : f32 to vector<16xf32>
          %max3A_1276 = arith.maximumf %sub3A_1273, %max3A_1275 : vector<16xf32>
          %sub3A_1277 = arith.subf %min3A_1272, %max3A_1271 : vector<16xf32>
          %max3A_1278 = arith.constant 0.000000e+00 : f32
          %max3A_1279 = vector.broadcast %max3A_1278 : f32 to vector<16xf32>
          %max3A_1280 = arith.maximumf %sub3A_1277, %max3A_1279 : vector<16xf32>
          %mul3A_1281 = arith.mulf %max3A_1276, %max3A_1280 : vector<16xf32>
          %add3A_1282 = arith.addf %get3A_1263, %mul3A_1132 : vector<16xf32>
          %sub3A_1283 = arith.subf %add3A_1282, %mul3A_1281 : vector<16xf32>
          %add3A_1284 = arith.constant 9.99999971E-10 : f32
          %add3A_1285 = vector.broadcast %add3A_1284 : f32 to vector<16xf32>
          %add3A_1286 = arith.addf %sub3A_1283, %add3A_1285 : vector<16xf32>
          %div3A_1287 = arith.divf %mul3A_1281, %add3A_1286 : vector<16xf32>
          %gt3A = arith.constant 5.000000e-01 : f32
          %gt3A_1288 = vector.broadcast %gt3A : f32 to vector<16xf32>
          %gt3A_1289 = arith.cmpf ogt, %div3A_1287, %gt3A_1288 : vector<16xf32>
          %eq3A_1290 = vector.broadcast %select_n3A_1137 : f32 to vector<16xf32>
          %eq3A_1291 = arith.cmpf oeq, %get3A_1269, %eq3A_1290 : vector<16xf32>
          %and3A_1292 = arith.andi %gt3A_1289, %eq3A_1291 : vector<16xi1>
          %or3A = arith.ori %while3A_1235, %and3A_1292 : vector<16xi1>
          scf.yield %or3A : vector<16xi1>
        }
        %while3A_1175 = arith.constant 1 : i32
        %while3A_1176 = scf.for %while3A_1234 = %while3A_1172 to %while3A_1168 step %while3A_1175 iter_args(%while3A_1235 = %while3A_1174) -> (vector<16xi1>)  : i32 {
          %mul3A_1236 = arith.constant 16 : i32
          %mul3A_1237 = arith.muli %while3A_1234, %mul3A_1236 : i32
          %get3A_1238 = arith.index_cast %mul3A_1237 : i32 to index
          %get3A_1239 = tpu.vector_load %arg15[%get3A_1238] {strides = array<i32>} : memref<672xf32, #tpu.memory_space<vmem>>, vector<16xf32>,
          %mul3A_1240 = arith.constant 16 : i32
          %mul3A_1241 = arith.muli %while3A_1234, %mul3A_1240 : i32
          %add3A_1242 = arith.constant 112 : i32
          %add3A_1243 = arith.addi %add3A_1242, %mul3A_1241 : i32
          %get3A_1244 = arith.index_cast %add3A_1243 : i32 to index
          %get3A_1245 = tpu.vector_load %arg15[%get3A_1244] {strides = array<i32>} : memref<672xf32, #tpu.memory_space<vmem>>, vector<16xf32>,
          %mul3A_1246 = arith.constant 16 : i32
          %mul3A_1247 = arith.muli %while3A_1234, %mul3A_1246 : i32
          %add3A_1248 = arith.constant 224 : i32
          %add3A_1249 = arith.addi %add3A_1248, %mul3A_1247 : i32
          %get3A_1250 = arith.index_cast %add3A_1249 : i32 to index
          %get3A_1251 = tpu.vector_load %arg15[%get3A_1250] {strides = array<i32>} : memref<672xf32, #tpu.memory_space<vmem>>, vector<16xf32>,
          %mul3A_1252 = arith.constant 16 : i32
          %mul3A_1253 = arith.muli %while3A_1234, %mul3A_1252 : i32
          %add3A_1254 = arith.constant 336 : i32
          %add3A_1255 = arith.addi %add3A_1254, %mul3A_1253 : i32
          %get3A_1256 = arith.index_cast %add3A_1255 : i32 to index
          %get3A_1257 = tpu.vector_load %arg15[%get3A_1256] {strides = array<i32>} : memref<672xf32, #tpu.memory_space<vmem>>, vector<16xf32>,
          %mul3A_1258 = arith.constant 16 : i32
          %mul3A_1259 = arith.muli %while3A_1234, %mul3A_1258 : i32
          %add3A_1260 = arith.constant 448 : i32
          %add3A_1261 = arith.addi %add3A_1260, %mul3A_1259 : i32
          %get3A_1262 = arith.index_cast %add3A_1261 : i32 to index
          %get3A_1263 = tpu.vector_load %arg15[%get3A_1262] {strides = array<i32>} : memref<672xf32, #tpu.memory_space<vmem>>, vector<16xf32>,
          %mul3A_1264 = arith.constant 16 : i32
          %mul3A_1265 = arith.muli %while3A_1234, %mul3A_1264 : i32
          %add3A_1266 = arith.constant 560 : i32
          %add3A_1267 = arith.addi %add3A_1266, %mul3A_1265 : i32
          %get3A_1268 = arith.index_cast %add3A_1267 : i32 to index
          %get3A_1269 = tpu.vector_load %arg15[%get3A_1268] {strides = array<i32>} : memref<672xf32, #tpu.memory_space<vmem>>, vector<16xf32>,
          %max3A_1270 = arith.maximumf %get3A_1239, %gather3A_1117 : vector<16xf32>
          %max3A_1271 = arith.maximumf %get3A_1245, %gather3A_1121 : vector<16xf32>
          %min3A = arith.minimumf %get3A_1251, %gather3A_1125 : vector<16xf32>
          %min3A_1272 = arith.minimumf %get3A_1257, %gather3A_1129 : vector<16xf32>
          %sub3A_1273 = arith.subf %min3A, %max3A_1270 : vector<16xf32>
          %max3A_1274 = arith.constant 0.000000e+00 : f32
          %max3A_1275 = vector.broadcast %max3A_1274 : f32 to vector<16xf32>
          %max3A_1276 = arith.maximumf %sub3A_1273, %max3A_1275 : vector<16xf32>
          %sub3A_1277 = arith.subf %min3A_1272, %max3A_1271 : vector<16xf32>
          %max3A_1278 = arith.constant 0.000000e+00 : f32
          %max3A_1279 = vector.broadcast %max3A_1278 : f32 to vector<16xf32>
          %max3A_1280 = arith.maximumf %sub3A_1277, %max3A_1279 : vector<16xf32>
          %mul3A_1281 = arith.mulf %max3A_1276, %max3A_1280 : vector<16xf32>
          %add3A_1282 = arith.addf %get3A_1263, %mul3A_1132 : vector<16xf32>
          %sub3A_1283 = arith.subf %add3A_1282, %mul3A_1281 : vector<16xf32>
          %add3A_1284 = arith.constant 9.99999971E-10 : f32
          %add3A_1285 = vector.broadcast %add3A_1284 : f32 to vector<16xf32>
          %add3A_1286 = arith.addf %sub3A_1283, %add3A_1285 : vector<16xf32>
          %div3A_1287 = arith.divf %mul3A_1281, %add3A_1286 : vector<16xf32>
          %gt3A = arith.constant 5.000000e-01 : f32
          %gt3A_1288 = vector.broadcast %gt3A : f32 to vector<16xf32>
          %gt3A_1289 = arith.cmpf ogt, %div3A_1287, %gt3A_1288 : vector<16xf32>
          %eq3A_1290 = vector.broadcast %select_n3A_1137 : f32 to vector<16xf32>
          %eq3A_1291 = arith.cmpf oeq, %get3A_1269, %eq3A_1290 : vector<16xf32>
          %and3A_1292 = arith.andi %gt3A_1289, %eq3A_1291 : vector<16xi1>
          %or3A = arith.ori %while3A_1235, %and3A_1292 : vector<16xi1>
          scf.yield %or3A : vector<16xi1>
        }
        %reduce_or3A = arith.constant 1.000000e+00 : f32
        %reduce_or3A_1177 = arith.constant 0.000000e+00 : f32
        %reduce_or3A_1178 = vector.broadcast %reduce_or3A : f32 to vector<16xf32>
        %reduce_or3A_1179 = vector.broadcast %reduce_or3A_1177 : f32 to vector<16xf32>
        %reduce_or3A_1180 = arith.select %while3A_1176, %reduce_or3A_1178, %reduce_or3A_1179 : vector<16xi1>, vector<16xf32>
        %reduce_or3A_1181 = arith.constant true
        %reduce_or3A_1182 = vector.broadcast %reduce_or3A_1181 : i1 to vector<16xi1>
        %reduce_or3A_1183 = tpu.scan <max>, %reduce_or3A_1180 masked %reduce_or3A_1182 : vector<16xf32>, vector<16xi1> -> vector<16xf32>
        %reduce_or3A_1184 = vector.extract %reduce_or3A_1183[15] : f32 from vector<16xf32>
        %reduce_or3A_1185 = arith.constant 0.000000e+00 : f32
        %reduce_or3A_1186 = arith.cmpf ogt, %reduce_or3A_1184, %reduce_or3A_1185 : f32
        %not3A_1187 = arith.constant true
        %not3A_1188 = arith.xori %reduce_or3A_1186, %not3A_1187 : i1
        %convert_element_type3A_1189 = arith.extui %not3A_1188 : i1 to i32
        %cond3A_1190 = arith.constant 0 : i32
        %cond3A_1191 = arith.cmpi ne, %convert_element_type3A_1189, %cond3A_1190 : i32
        scf.if %cond3A_1191 {
          %eq3A_1234 = arith.constant 0 : i32
          %eq3A_1235 = vector.broadcast %eq3A_1234 : i32 to vector<16xi32>
          %eq3A_1236 = arith.cmpi eq, %iota3A, %eq3A_1235 : vector<16xi32>
          %eq3A_1237 = arith.constant 1 : i32
          %eq3A_1238 = vector.broadcast %eq3A_1237 : i32 to vector<16xi32>
          %eq3A_1239 = arith.cmpi eq, %iota3A, %eq3A_1238 : vector<16xi32>
          %eq3A_1240 = arith.constant 2 : i32
          %eq3A_1241 = vector.broadcast %eq3A_1240 : i32 to vector<16xi32>
          %eq3A_1242 = arith.cmpi eq, %iota3A, %eq3A_1241 : vector<16xi32>
          %eq3A_1243 = arith.constant 3 : i32
          %eq3A_1244 = vector.broadcast %eq3A_1243 : i32 to vector<16xi32>
          %eq3A_1245 = arith.cmpi eq, %iota3A, %eq3A_1244 : vector<16xi32>
          %eq3A_1246 = arith.constant 4 : i32
          %eq3A_1247 = vector.broadcast %eq3A_1246 : i32 to vector<16xi32>
          %eq3A_1248 = arith.cmpi eq, %iota3A, %eq3A_1247 : vector<16xi32>
          %broadcast_in_dim3A_1249 = vector.broadcast %select_n3A_1137 : f32 to vector<16xf32>
          %select_n3A_1250 = arith.select %eq3A_1248, %mul3A_1132, %broadcast_in_dim3A_1249 : vector<16xi1>, vector<16xf32>
          %select_n3A_1251 = arith.select %eq3A_1245, %gather3A_1129, %select_n3A_1250 : vector<16xi1>, vector<16xf32>
          %select_n3A_1252 = arith.select %eq3A_1242, %gather3A_1125, %select_n3A_1251 : vector<16xi1>, vector<16xf32>
          %select_n3A_1253 = arith.select %eq3A_1239, %gather3A_1121, %select_n3A_1252 : vector<16xi1>, vector<16xf32>
          %select_n3A_1254 = arith.select %eq3A_1236, %gather3A_1117, %select_n3A_1253 : vector<16xi1>, vector<16xf32>
          %mul3A_1255 = arith.constant 112 : i32
          %mul3A_1256 = vector.broadcast %mul3A_1255 : i32 to vector<16xi32>
          %mul3A_1257 = arith.muli %mul3A_1256, %iota3A : vector<16xi32>
          %add3A_1258 = vector.broadcast %while3A_1041 : i32 to vector<16xi32>
          %add3A_1259 = arith.addi %add3A_1258, %mul3A_1257 : vector<16xi32>
          %lt3A_1260 = arith.constant 6 : i32
          %lt3A_1261 = vector.broadcast %lt3A_1260 : i32 to vector<16xi32>
          %lt3A_1262 = arith.cmpi slt, %iota3A, %lt3A_1261 : vector<16xi32>
          tpu.vector_store_idx %arg15[%add3A_1259], %select_n3A_1254 masked %lt3A_1262 : memref<672xf32, #tpu.memory_space<vmem>>[vector<16xi32>], vector<16xf32>, vector<16xi1>
          %broadcast_in_dim3A_1263 = vector.broadcast %while3A_1041 : i32 to vector<16xi32>
          %lt3A_1264 = arith.constant 4 : i32
          %lt3A_1265 = vector.broadcast %lt3A_1264 : i32 to vector<16xi32>
          %lt3A_1266 = arith.cmpi slt, %iota3A, %lt3A_1265 : vector<16xi32>
          tpu.vector_store_idx %arg17[%broadcast_in_dim3A_1263, %iota3A], %select_n3A_1254 masked %lt3A_1266 : memref<100x4xf32, #tpu.memory_space<vmem>>[vector<16xi32>, vector<16xi32>], vector<16xf32>, vector<16xi1>
          %broadcast_in_dim3A_1267 = vector.broadcast %while3A_1041 : i32 to vector<16xi32>
          %broadcast_in_dim3A_1268 = vector.broadcast %while3A_1040 : f32 to vector<16xf32>
          tpu.vector_store_idx %arg18[%broadcast_in_dim3A_1267], %broadcast_in_dim3A_1268 masked %eq3A_4 : memref<112xf32, #tpu.memory_space<vmem>>[vector<16xi32>], vector<16xf32>, vector<16xi1>
          %broadcast_in_dim3A_1269 = vector.broadcast %while3A_1041 : i32 to vector<16xi32>
          %convert_element_type3A_1270 = arith.fptosi %select_n3A_1137 : f32 to i32
          %broadcast_in_dim3A_1271 = vector.broadcast %convert_element_type3A_1270 : i32 to vector<16xi32>
          tpu.vector_store_idx %arg19[%broadcast_in_dim3A_1269], %broadcast_in_dim3A_1271 masked %eq3A_4 : memref<112xi32, #tpu.memory_space<vmem>>[vector<16xi32>], vector<16xi32>, vector<16xi1>
        } else {
        }
        %eq3A_1192 = vector.broadcast %reduce_max3A_1108 : i32 to vector<16xi32>
        %eq3A_1193 = arith.cmpi eq, %iota3A, %eq3A_1192 : vector<16xi32>
        %select_n3A_1194 = arith.select %eq3A_1193, %broadcast_in_dim3A_0, %gather3A_1097 : vector<16xi1>, vector<16xf32>
        %reduce_max3A_1195 = arith.constant true
        %reduce_max3A_1196 = vector.broadcast %reduce_max3A_1195 : i1 to vector<16xi1>
        %reduce_max3A_1197 = tpu.scan <max>, %select_n3A_1194 masked %reduce_max3A_1196 : vector<16xf32>, vector<16xi1> -> vector<16xf32>
        %reduce_max3A_1198 = vector.extract %reduce_max3A_1197[15] : f32 from vector<16xf32>
        %eq3A_1199 = vector.broadcast %reduce_max3A_1088 : i32 to vector<16xi32>
        %eq3A_1200 = arith.cmpi eq, %iota3A, %eq3A_1199 : vector<16xi32>
        %broadcast_in_dim3A_1201 = vector.broadcast %reduce_max3A_1198 : f32 to vector<16xf32>
        %select_n3A_1202 = arith.select %eq3A_1200, %broadcast_in_dim3A_1201, %gather3A_1077 : vector<16xi1>, vector<16xf32>
        %reduce_max3A_1203 = arith.constant true
        %reduce_max3A_1204 = vector.broadcast %reduce_max3A_1203 : i1 to vector<16xi1>
        %reduce_max3A_1205 = tpu.scan <max>, %select_n3A_1202 masked %reduce_max3A_1204 : vector<16xf32>, vector<16xi1> -> vector<16xf32>
        %reduce_max3A_1206 = vector.extract %reduce_max3A_1205[15] : f32 from vector<16xf32>
        %eq3A_1207 = vector.broadcast %reduce_max3A_1068 : i32 to vector<16xi32>
        %eq3A_1208 = arith.cmpi eq, %iota3A, %eq3A_1207 : vector<16xi32>
        %broadcast_in_dim3A_1209 = vector.broadcast %reduce_max3A_1206 : f32 to vector<16xf32>
        %select_n3A_1210 = arith.select %eq3A_1208, %broadcast_in_dim3A_1209, %gather3A : vector<16xi1>, vector<16xf32>
        %reduce_max3A_1211 = arith.constant true
        %reduce_max3A_1212 = vector.broadcast %reduce_max3A_1211 : i1 to vector<16xi1>
        %reduce_max3A_1213 = tpu.scan <max>, %select_n3A_1210 masked %reduce_max3A_1212 : vector<16xf32>, vector<16xi1> -> vector<16xf32>
        %reduce_max3A_1214 = vector.extract %reduce_max3A_1213[15] : f32 from vector<16xf32>
        %eq3A_1215 = vector.broadcast %reduce_max3A_1053 : i32 to vector<16xi32>
        %eq3A_1216 = arith.cmpi eq, %iota3A, %eq3A_1215 : vector<16xi32>
        %broadcast_in_dim3A_1217 = vector.broadcast %reduce_max3A_1214 : f32 to vector<16xf32>
        %select_n3A_1218 = arith.select %eq3A_1216, %broadcast_in_dim3A_1217, %get3A_1043 : vector<16xi1>, vector<16xf32>
        %swap3A_1219 = arith.constant 0 : index
        %swap3A_1220 = tpu.vector_load %arg14[%swap3A_1219] {strides = array<i32>} : memref<16xf32, #tpu.memory_space<vmem>>, vector<16xf32>,
        tpu.vector_store %arg14[%swap3A_1219], %select_n3A_1218 {strides = array<i32>} : memref<16xf32, #tpu.memory_space<vmem>>, vector<16xf32>,
        %broadcast_in_dim3A_1221 = vector.broadcast %add3A_1111 : i32 to vector<16xi32>
        tpu.vector_store_idx %arg8[%broadcast_in_dim3A_1221], %broadcast_in_dim3A_0 masked %eq3A_4 : memref<40960xf32, #tpu.memory_space<vmem>>[vector<16xi32>], vector<16xf32>, vector<16xi1>
        %broadcast_in_dim3A_1222 = vector.broadcast %add3A_1091 : i32 to vector<16xi32>
        %broadcast_in_dim3A_1223 = vector.broadcast %reduce_max3A_1198 : f32 to vector<16xf32>
        tpu.vector_store_idx %arg12[%broadcast_in_dim3A_1222], %broadcast_in_dim3A_1223 masked %eq3A_4 : memref<2560xf32, #tpu.memory_space<vmem>>[vector<16xi32>], vector<16xf32>, vector<16xi1>
        %broadcast_in_dim3A_1224 = vector.broadcast %add3A_1071 : i32 to vector<16xi32>
        %broadcast_in_dim3A_1225 = vector.broadcast %reduce_max3A_1206 : f32 to vector<16xf32>
        tpu.vector_store_idx %arg13[%broadcast_in_dim3A_1224], %broadcast_in_dim3A_1225 masked %eq3A_4 : memref<160xf32, #tpu.memory_space<vmem>>[vector<16xi32>], vector<16xf32>, vector<16xi1>
        %reduce_max3A_1226 = arith.constant true
        %reduce_max3A_1227 = vector.broadcast %reduce_max3A_1226 : i1 to vector<16xi1>
        %reduce_max3A_1228 = tpu.scan <max>, %select_n3A_1218 masked %reduce_max3A_1227 : vector<16xf32>, vector<16xi1> -> vector<16xf32>
        %reduce_max3A_1229 = vector.extract %reduce_max3A_1228[15] : f32 from vector<16xf32>
        %jit3A_1230 = arith.constant 1 : i32
        %jit3A_1231 = arith.constant 0 : i32
        %select_n3A_1232 = arith.select %not3A_1188, %jit3A_1230, %jit3A_1231 : i32
        %add3A_1233 = arith.addi %while3A_1041, %select_n3A_1232 : i32
        scf.yield %reduce_max3A_1229, %add3A_1233 : f32, i32
      }
      "tpu.region"() ({
        %run_scoped3A = tpu.sem_alloc : memref<!tpu.dma_semaphore, #tpu.memory_space<semaphore_mem>>
        tpu.enqueue_dma source(%arg17 : memref<100x4xf32, #tpu.memory_space<vmem>>) target(%arg5 : memref<100x4xf32, #tpu.memory_space<hbm>>) target_semaphore(%run_scoped3A : memref<!tpu.dma_semaphore, #tpu.memory_space<semaphore_mem>>)
        tpu.wait_dma2 semaphore(%run_scoped3A : memref<!tpu.dma_semaphore, #tpu.memory_space<semaphore_mem>>) src(%arg17 : memref<100x4xf32, #tpu.memory_space<vmem>>) dst(%arg5 : memref<100x4xf32, #tpu.memory_space<hbm>>)
        tpu.yield
      }) : () -> ()
      "tpu.region"() ({
        %run_scoped3A = tpu.sem_alloc : memref<!tpu.dma_semaphore, #tpu.memory_space<semaphore_mem>>
        %dma_start3A = arith.constant 0 : i32
        %dma_start3A_1040 = tpu.memref_slice %arg18[%dma_start3A] : memref<112xf32, #tpu.memory_space<vmem>> -> memref<100xf32, #tpu.memory_space<vmem>>
        %dma_start3A_1041 = arith.constant 0 : i32
        %dma_start3A_1042 = tpu.memref_slice %arg18[%dma_start3A_1041] : memref<112xf32, #tpu.memory_space<vmem>> -> memref<100xf32, #tpu.memory_space<vmem>>
        tpu.enqueue_dma source(%dma_start3A_1042 : memref<100xf32, #tpu.memory_space<vmem>>) target(%arg6 : memref<100xf32, #tpu.memory_space<hbm>>) target_semaphore(%run_scoped3A : memref<!tpu.dma_semaphore, #tpu.memory_space<semaphore_mem>>)
        %dma_wait3A = arith.constant 0 : i32
        %dma_wait3A_1043 = tpu.memref_slice %arg18[%dma_wait3A] : memref<112xf32, #tpu.memory_space<vmem>> -> memref<100xf32, #tpu.memory_space<vmem>>
        %dma_wait3A_1044 = arith.constant 0 : i32
        %dma_wait3A_1045 = tpu.memref_slice %arg18[%dma_wait3A_1044] : memref<112xf32, #tpu.memory_space<vmem>> -> memref<100xf32, #tpu.memory_space<vmem>>
        tpu.wait_dma2 semaphore(%run_scoped3A : memref<!tpu.dma_semaphore, #tpu.memory_space<semaphore_mem>>) src(%dma_wait3A_1045 : memref<100xf32, #tpu.memory_space<vmem>>) dst(%arg6 : memref<100xf32, #tpu.memory_space<hbm>>)
        tpu.yield
      }) : () -> ()
      "tpu.region"() ({
        %run_scoped3A = tpu.sem_alloc : memref<!tpu.dma_semaphore, #tpu.memory_space<semaphore_mem>>
        %dma_start3A = arith.constant 0 : i32
        %dma_start3A_1040 = tpu.memref_slice %arg19[%dma_start3A] : memref<112xi32, #tpu.memory_space<vmem>> -> memref<100xi32, #tpu.memory_space<vmem>>
        %dma_start3A_1041 = arith.constant 0 : i32
        %dma_start3A_1042 = tpu.memref_slice %arg19[%dma_start3A_1041] : memref<112xi32, #tpu.memory_space<vmem>> -> memref<100xi32, #tpu.memory_space<vmem>>
        tpu.enqueue_dma source(%dma_start3A_1042 : memref<100xi32, #tpu.memory_space<vmem>>) target(%arg7 : memref<100xi32, #tpu.memory_space<hbm>>) target_semaphore(%run_scoped3A : memref<!tpu.dma_semaphore, #tpu.memory_space<semaphore_mem>>)
        %dma_wait3A = arith.constant 0 : i32
        %dma_wait3A_1043 = tpu.memref_slice %arg19[%dma_wait3A] : memref<112xi32, #tpu.memory_space<vmem>> -> memref<100xi32, #tpu.memory_space<vmem>>
        %dma_wait3A_1044 = arith.constant 0 : i32
        %dma_wait3A_1045 = tpu.memref_slice %arg19[%dma_wait3A_1044] : memref<112xi32, #tpu.memory_space<vmem>> -> memref<100xi32, #tpu.memory_space<vmem>>
        tpu.wait_dma2 semaphore(%run_scoped3A : memref<!tpu.dma_semaphore, #tpu.memory_space<semaphore_mem>>) src(%dma_wait3A_1045 : memref<100xi32, #tpu.memory_space<vmem>>) dst(%arg7 : memref<100xi32, #tpu.memory_space<hbm>>)
        tpu.yield
      }) : () -> ()
    } else {
    }
    return
  }
}

</mosaic_0001>

<sc_bundles>
// kernel: kernel.3.cloned.1.call-start
scs
__scs_entry_jumppad:
0x0: {  	(pc) =	sbr.rel $0x88, $3  }
0x1: {  	(tag) =	ssettag $0x0;
	lr =	simm.s32 $0x1  }
0x2: {  	[smem:$0x3F9E] =	sst lr;
	_ =	strace $0xD0000000  }
0x3: {  	_ = 	snop  }
0x4: {  	_ = 	snop  }
0x5: {  	_ = 	snop  }
0x6: {  	_ = 	snop  }
0x7: {  	_ = 	snop  }
__scs_overlays_trampoline_lowered:
0x8: {  	[smem:$0x3FAD] =	sst s0  }
0x9: {  	[smem:$0x3FAE] =	sst s1  }
0xa: {  	[smem:$0x3FAF] =	sst s2  }
0xb: {  	[smem:$0x3FB0] =	sst s3  }
0xc: {  	[smem:$0x3FB1] =	sst s4  }
0xd: {  	[smem:$0x3FB2] =	sst s5  }
0xe: {  	[smem:$0x3FB3] =	sst s6  }
0xf: {  	[smem:$0x3FB4] =	sst s7  }
0x10: {  	[smem:$0x3FB5] =	sst s8  }
0x11: {  	[smem:$0x3FB6] =	sst s9;
	s0 =	simm.s32 @!p0 $0x0  }
0x12: {  	s1 =	sld [smem:$0x3F9C];
	s0 =	simm.s32 @p0 $0x1  }
0x13: {  	[smem:$0x3FB7] =	sst s0;
	s0 =	simm.s32 @!p1 $0x0  }
0x14: {  	s2 =	sld [smem:$0x3F9B];
	s0 =	simm.s32 @p1 $0x1  }
0x15: {  	[smem:$0x3FB8] =	sst s0;
	s0 =	simm.s32 @!p2 $0x0  }
0x16: {  	s3 =	sld [smem:$0x3FDB];
	s0 =	simm.s32 @p2 $0x1  }
0x17: {  	s4 =	simm.s32 $0x1BF5;
	[smem:$0x3FBA] =	sst s0  }
0x18: {  	s0 =	sld [smem:$0x3F9D];
	_ =	swait.ge [sflag:s4], $0x0  }
0x19: {  	s7 =	sld [smem:$0x3F9E]  }
0x1a: {  	s8 =	sadd.s32 $0xFFFFE003, lr  }
0x1b: {  	s9 =	sadd.s32 $0xFFFFFEF7, lr;
	s5 =	simm.s32 $0xFFFFFFFF;
	p2 =	slt.u32 s8, $0xFFFFF086  }
0x1c: {  	p1 =	slt.u32 s9, $0xF7A;
	s5 =	simm.s32 @!p2 $0x0  }
0x1d: {  	s5 =	simm.s32 @p1 $0x1;
	p0 =	seq.s32 s7, s2  }
0x1e: {  	s7 =	smul.u32 @!p0 $0xF7A, s2;
	p2 =	seq.s32 @!p0 s5, $0x0  }
0x1f: {  	s9 =	smul.u32 $0xF7A, s1;
	s8 =	simm.s32 @!p0 $0x1BF5;
	p2 =	por !p2, p0  }
0x20: {  	[sflag:s8] =	ssyncset.s32 @!p0 $0xFFFFF086;
	s6 =	sadd.s32 @!p0 s3, s7;
	s7 =	simm.s32 @!p0 $0x108  }
0x21: {  	s3 =	sadd.s32 s3, s9;
	s6 =	sadd.s32 @!p0 $0x88, s6;
	s7 =	simm.s32 @p2 $0x1082  }
0x22: {  	[simem:s7], [sflag:s8] =	dma.local @!p0 [hbm:s6], $0xF7A  }
0x23: {  	s9 =	sor.u32 $0xD0000000, s2;
	s6 =	simm.s32 $0x108;
	_ =	swait.ge @!p0 [sflag:s8], $0x0  }
0x24: {  	s3 =	sadd.s32 $0x88, s3;
	s6 =	simm.s32 @!p1 $0x1082;
	[sflag:s4] =	ssyncset.s32 $0xFFFFF086  }
0x25: {  	[simem:s6], [sflag:s4] =	dma.local [hbm:s3], $0xF7A  }
0x26: {  	[smem:$0x3F9E] =	sst s1;
	(tag) =	ssettag s2;
	_ =	strace s9  }
0x27: {  	s1 =	sld [smem:$0x3FAE]  }
0x28: {  	s2 =	sld [smem:$0x3FAF]  }
0x29: {  	s4 =	sld [smem:$0x3FB1]  }
0x2a: {  	p0 =	seq.s32 s5, $0x0;
	s5 =	sld [smem:$0x3FB2]  }
0x2b: {  	s6 =	sld [smem:$0x3FB3]  }
0x2c: {  	s7 =	sld [smem:$0x3FB4]  }
0x2d: {  	s3 =	simm.s32 $0x108;
	s8 =	sld [smem:$0x3FB5]  }
0x2e: {  	s3 =	simm.s32 @!p0 $0x1082;
	s9 =	sld [smem:$0x3FB6]  }
0x2f: {  	lr =	sadd.s32 s0, s3;
	s0 =	sld [smem:$0x3FAD]  }
0x30: {  	s3 =	sld [smem:$0x3FB0]  }
0x31: {  	[smem:$0x3FB9] =	sst s10  }
0x32: {  	s10 =	sld [smem:$0x3FB7];
	_ =	sdelay $0x3  }
0x33: {  	p0 =	seq.s32 s10, $0x1;
	s10 =	sld [smem:$0x3FB9];
	_ =	sdelay $0x3  }
0x34: {  	[smem:$0x3FB9] =	sst s10  }
0x35: {  	s10 =	sld [smem:$0x3FB8];
	_ =	sdelay $0x3  }
0x36: {  	p1 =	seq.s32 s10, $0x1;
	s10 =	sld [smem:$0x3FB9];
	_ =	sdelay $0x3  }
0x37: {  	[smem:$0x3FB9] =	sst s10  }
0x38: {  	s10 =	sld [smem:$0x3FBA]  }
0x39: {  	_ = 	snop;
	(pc) =	sbr.ind lr, $3  }
0x3a: {  	_ = 	snop  }
0x3b: {  	_ = 	snop  }
0x3c: {  	p2 =	seq.s32 s10, $0x1;
	s10 =	sld [smem:$0x3FB9]  }
0x3d: {  	_ =	shalt  }
0x3e: {  	_ =	shalt  }
0x3f: {  	_ =	shalt  }
0x40: {  	_ =	shalt  }
0x41: {  	_ =	shalt  }
0x42: {  	_ =	shalt  }
0x43: {  	_ =	shalt  }
0x44: {  	_ =	shalt  }
0x45: {  	_ =	shalt  }
0x46: {  	_ =	shalt  }
0x47: {  	_ =	shalt  }
0x48: {  	_ =	shalt  }
0x49: {  	_ =	shalt  }
0x4a: {  	_ =	shalt  }
0x4b: {  	_ =	shalt  }
0x4c: {  	_ =	shalt  }
0x4d: {  	_ =	shalt  }
0x4e: {  	_ =	shalt  }
0x4f: {  	_ =	shalt  }
0x50: {  	_ =	shalt  }
0x51: {  	_ =	shalt  }
0x52: {  	_ =	shalt  }
0x53: {  	_ =	shalt  }
0x54: {  	_ =	shalt  }
0x55: {  	_ =	shalt  }
0x56: {  	_ =	shalt  }
0x57: {  	_ =	shalt  }
0x58: {  	_ =	shalt  }
0x59: {  	_ =	shalt  }
0x5a: {  	_ =	shalt  }
0x5b: {  	_ =	shalt  }
0x5c: {  	_ =	shalt  }
0x5d: {  	_ =	shalt  }
0x5e: {  	_ =	shalt  }
0x5f: {  	_ =	shalt  }
0x60: {  	_ =	shalt  }
0x61: {  	_ =	shalt  }
0x62: {  	_ =	shalt  }
0x63: {  	_ =	shalt  }
0x64: {  	_ =	shalt  }
0x65: {  	_ =	shalt  }
0x66: {  	_ =	shalt  }
0x67: {  	_ =	shalt  }
0x68: {  	_ =	shalt  }
0x69: {  	_ =	shalt  }
0x6a: {  	_ =	shalt  }
0x6b: {  	_ =	shalt  }
0x6c: {  	_ =	shalt  }
0x6d: {  	_ =	shalt  }
0x6e: {  	_ =	shalt  }
0x6f: {  	_ =	shalt  }
0x70: {  	_ =	shalt  }
0x71: {  	_ =	shalt  }
0x72: {  	_ =	shalt  }
0x73: {  	_ =	shalt  }
0x74: {  	_ =	shalt  }
0x75: {  	_ =	shalt  }
0x76: {  	_ =	shalt  }
0x77: {  	_ =	shalt  }
0x78: {  	_ =	shalt  }
0x79: {  	_ =	shalt  }
0x7a: {  	_ =	shalt  }
0x7b: {  	_ =	shalt  }
0x7c: {  	_ =	shalt  }
0x7d: {  	_ =	shalt  }
0x7e: {  	_ =	shalt  }
0x7f: {  	_ =	shalt  }
0x80: {  	_ =	shalt  }
0x81: {  	_ =	shalt  }
0x82: {  	_ =	shalt  }
0x83: {  	_ =	shalt  }
0x84: {  	_ =	shalt  }
0x85: {  	_ =	shalt  }
0x86: {  	_ =	shalt  }
0x87: {  	_ =	shalt  }
.Lfunc_end0:
.L_simem_size_0:
called_computation_lowered:
.L_overlay_start_0:
0x88: {  	s0 =	sld [smem:$0x3FD9]  }
0x89: {  	s1 =	sld [smem:$0x3FFE];
	_ =	sdelay $0x3  }
0x8a: {  	s0 =	sadd.s32 s1, s0  }
0x8b: {  	[smem:$0x3FC5] =	sst s0  }
0x8c: {  	_ = 	snop  }
0x8d: {  	s0 =	sld [smem:$0x3FD0];
	_ =	sdelay $0x2  }
0x8e: {  	s13 =	simm.s32 $0xA;
	s2 =	simm.s32 $0x10  }
0x8f: {  	[smem:s2], [sflag:s13] =	dma.local [hbm:s0], $0x1  }
0x90: {  	_ =	swait.eq [sflag:s13], $0x1  }
0x91: {  	[sflag:s13] =	ssyncset.done $0x0  }
0x92: {  	s14 =	sld [smem:$0x11];
	[sflag:s13] =	ssyncadd.s32 $0xFFFFFFFF  }
0x93: {  	s15 =	sld [smem:$0x12];
	(tm) =	ssettm $0x1  }
0x94: {  	s16 =	sld [smem:$0x3FFB];
	_ =	sdelay $0x3  }
0x95: {  	_ =	strace s16  }
0x96: {  	s2 =	sld [smem:$0x3FFC];
	_ =	sdelay $0x3  }
0x97: {  	_ =	strace s2  }
0x98: {  	s2 =	sld [smem:$0x3FFD];
	_ =	sdelay $0x3  }
0x99: {  	_ =	strace s2  }
0x9a: {  	_ =	strace $0x8FFFFFFF  }
0x9b: {  	s17 =	sld [smem:$0x3FDB];
	_ =	sdelay $0x1  }
0x9c: {  	s3 =	simm.s32 $_scs_section_size  }
0x9d: {  	s4 =	simm.s32 $_size__tile_overlayer_lowered;
	s5 =	simm.s32 $_tile_overlayer_lowered  }
0x9e: {  	s20 =	simm.s32 $0x1BFF;
	s19 =	sshll.u32 s5, $0x1;
	s2 =	sadd.s32 s3, s17  }
0x9f: {  	s6 =	simm.s32 $0x0;
	s18 =	sshll.u32 s4, $0x1;
	s4 =	sadd.s32 s19, s2  }
0xa0: {  	[timem:s6], [sflag:s20] =	dma.local [hbm:s4], s18  }
0xa1: {  	_ =	swait.ge [sflag:s20], s18  }
0xa2: {  	s3 =	ssub.s32 $0x0, s18;
	[sflag:s20] =	ssyncset.done $0x0  }
0xa3: {  	[sflag:s20] =	ssyncadd.s32 s3;
	_ =	sdelay $0x1  }
0xa4: {  	s21 =	simm.s32 $0x1B8B  }
0xa5: {  	_ =	swait.ge [sflag:s21], $0x1  }
0xa6: {  	[sflag:s21] =	ssyncset.done $0x0  }
0xa7: {  	s23 =	simm.s32 $0x1B8E;
	s22 =	sld [smem:$0x3FFE];
	[sflag:s21] =	ssyncadd.s32 $0xFFFFFFFF  }
0xa8: {  	s24 =	simm.s32 $execute0_lowered;
	[smem:$0x3FD2] =	sst s23  }
0xa9: {  	s4 =	sshll.u32 s24, $0x1;
	_ =	strace $0x80000046;
	[dreg:$0x1] =	wrdreg $0xFFFFFFFF  }
0xaa: {  	s25 =	simm.s32 $_size_execute0_lowered;
	s2 =	sadd.s32 s2, s4;
	[dreg:$0x0] =	wrdreg $0x0  }
0xab: {  	s4 =	sshll.u32 s25, $0x1;
	[dreg:$0x2] =	wrdreg s2  }
0xac: {  	[dreg:$0x3] =	wrdreg s4  }
0xad: {  	[dreg:$0x4] =	wrdreg $0xC0  }
0xae: {  	_ =	task [dreg:s6], $0x5FFFF  }
0xaf: {  	[dreg:$0x1] =	wrdreg $0xFFFFFFFF  }
0xb0: {  	[dreg:$0x0] =	wrdreg $0x60  }
0xb1: {  	[dreg:$0x2] =	wrdreg s22  }
0xb2: {  	[dreg:$0x3] =	wrdreg s14  }
0xb3: {  	[dreg:$0x4] =	wrdreg s15  }
0xb4: {  	[dreg:$0x5] =	wrdreg $0x15C000  }
0xb5: {  	[dreg:$0x6] =	wrdreg $0x166000  }
0xb6: {  	[dreg:$0x7] =	wrdreg $0x9  }
0xb7: {  	_ =	task.clear_ibuf [dreg:s6], $0x8FFFF;
	_ =	strace $0x90000046  }
0xb8: {  	s26 =	simm.s32 $0x9;
	_ =	strace $0x80000048  }
0xb9: {  	_ =	swait.ge [sflag:s26], $0x1  }
0xba: {  	[sflag:s26] =	ssyncadd.s32 $0xFFFFFFFF  }
0xbb: {  	_ =	strace $0x90000048  }
0xbc: {  	_ =	sfence  }
0xbd: {  	s28 =	sld [smem:$0x0];
	_ =	sdelay $0x1  }
0xbe: {  	s29 =	srdreg.scid  }
0xbf: {  	s30 =	sshll.u32 s29, $0xD;
	s31 =	sshrl.u32 s29, $0x2  }
0xc0: {  	s1 =	sand.u32 $0x1, s29;
	s2 =	sand.u32 $0x4000, s30;
	s0 =	sadd.s32 s31, s28  }
0xc1: {  	s1 =	sor.u32 s2, s1;
	s0 =	sshll.u32 s0, $0x11  }
0xc2: {  	s0 =	sor.u32 s0, s1  }
0xc3: {  	s0 =	sadd.s32 $0x8F2B, s0  }
0xc4: {  	[sflag:s0] =	ssyncadd.remote.s32 $0x1  }
0xc5: {  	_ =	sfence.sel $0xFFFF  }
0xc6: {  	[dreg:$0x0] =	wrdreg $0xFFFFFFFF;
	(pc) =	sbr.abs _section_cstart, $3  }
0xc7: {  	[dreg:$0x1] =	wrdreg $0xFFFFFFFF  }
0xc8: {  	_ =	task.clear_ibuf [dreg:s6], $0x2FFFF;
	_ =	strace $0x9FFFFFFF  }
0xc9: {  	(tm) =	ssettm $0x7FFFFFFF  }
tec
execute0_lowered:
.L_overlay_start_1:
0x0: {  	(tag) =	ssettag $0x1  }
0x1: {  	s4 =	rddreg [dreg:$0x0]  }
0x2: {  	s2 =	rddreg [dreg:$0x1]  }
0x3: {  	s1 =	rddreg [dreg:$0x2];
	s6 =	stileid.u32  }
0x4: {  	s5 =	rddreg [dreg:$0x3];
	s9 =	sand.u32 $0x7, s6  }
0x5: {  	s3 =	rddreg [dreg:$0x4];
	p0 =	sne.s32 s9, $0x7  }
0x6: {  	s0 =	rddreg [dreg:$0x5];
	s7 =	simm.s32 $0x0;
	s8 =	smul.u32 @p0 $0xF00, s9  }
0x7: {  	[smem:$0x7FF] =	sst s7;
	s10 =	sadd.s32 $0x2A00, s4  }
0x8: {  	_ =	strace $0x80000047;
	s11 =	simm.s32 @p0 $0x0;
	s8 =	sadd.s32 @p0 s10, s8  }
0x9: {  	[tilespmem:s11], [sflag:$0x1] =	stream.linear.gather @p0 [hbm4b:s8+s11], $0x7800, $0x38;
	[tilespmem:$0x1B608] =	vst v63  }
0xa: {  	s8 =	simm.s32 @p0 $0x1  }
0xb: {  	s12 =	smul.u32 @p0 $0x500, s9;
	_ =	swait.ge @p0 [sflag:s8], $0x7800  }
0xc: {  	s13 =	sadd.s32 $0xA000, s4;
	[sflag:s8] =	ssyncset.done @p0 $0x0  }
0xd: {  	s14 =	simm.s32 @p0 $0x7800;
	s12 =	sadd.s32 @p0 s13, s12;
	[sflag:s8] =	ssyncadd.s32 @p0 $0xFFFF8800  }
0xe: {  	[tilespmem:s14], [sflag:$0x1] =	stream.linear.gather @p0 [hbm4b:s12+s11], $0x2800, $0x38;
	[tilespmem:$0x1B608] =	vst v63  }
0xf: {  	s12 =	smul.u32 @p0 $0x3C0, s9;
	_ =	swait.ge @p0 [sflag:s8], $0x2800  }
0x10: {  	s14 =	sadd.s32 $0xC00, s4;
	[sflag:s8] =	ssyncset.done @p0 $0x0  }
0x11: {  	s15 =	simm.s32 @p0 $0xA000;
	s12 =	sadd.s32 @p0 s14, s12;
	[sflag:s8] =	ssyncadd.s32 @p0 $0xFFFFD800  }
0x12: {  	[tilespmem:s15], [sflag:$0x1] =	stream.linear.gather @p0 [hbm4b:s12+s11], $0x1E00, $0x38;
	[tilespmem:$0x1B608] =	vst v63  }
0x13: {  	_ =	swait.ge @p0 [sflag:s8], $0x1E00  }
0x14: {  	[sflag:s8] =	ssyncset.done @p0 $0x0  }
0x15: {  	s11 =	simm.s32 @!p0 $0x0;
	[sflag:s8] =	ssyncadd.s32 @p0 $0xFFFFE200;
	s8 =	sadd.s32 @!p0 $0x6900, s10  }
0x16: {  	[tilespmem:s11], [sflag:$0x1] =	stream.linear.gather @!p0 [hbm4b:s8+s11], $0x6180, $0x38;
	[tilespmem:$0x1B608] =	vst v63  }
0x17: {  	s8 =	simm.s32 @!p0 $0x1  }
0x18: {  	_ =	swait.ge @!p0 [sflag:s8], $0x6180  }
0x19: {  	[sflag:s8] =	ssyncset.done @!p0 $0x0  }
0x1a: {  	s12 =	simm.s32 @!p0 $0x7800;
	s10 =	sadd.s32 @!p0 $0x2300, s13;
	[sflag:s8] =	ssyncadd.s32 @!p0 $0xFFFF9E80  }
0x1b: {  	v0 =	vlaneseq.u32;
	[tilespmem:s12], [sflag:$0x1] =	stream.linear.gather @!p0 [hbm4b:s10+s11], $0x2080, $0x38;
	[tilespmem:$0x1B608] =	vst v63  }
0x1c: {  	v3 =	vor.u32 s7, v0;
	_ =	swait.ge @!p0 [sflag:s8], $0x2080  }
0x1d: {  	v2 =	vmul.u32 $0x3, v3;
	[sflag:s8] =	ssyncset.done @!p0 $0x0  }
0x1e: {  	s13 =	simm.s32 @!p0 $0xA000;
	s12 =	sadd.s32 @!p0 $0x1A40, s14;
	[sflag:s8] =	ssyncadd.s32 @!p0 $0xFFFFDF80  }
0x1f: {  	v4 =	vadd.s32 $0x1, v2;
	[tilespmem:s13], [sflag:$0x1] =	stream.linear.gather @!p0 [hbm4b:s12+s11], $0x1860, $0x38;
	[tilespmem:$0x1B608] =	vst v63  }
0x20: {  	v5 =	vadd.s32 $0x2, v2;
	_ =	swait.ge @!p0 [sflag:s8], $0x1860  }
0x21: {  	s25 =	sshrl.u32 s6, $0x3;
	[sflag:s8] =	ssyncset.done @!p0 $0x0  }
0x22: {  	s26 =	sshll.u32 s25, $0x2;
	[sflag:s8] =	ssyncadd.s32 @!p0 $0xFFFFE7A0;
	s8 =	simm.s32 $0xA000  }
0x23: {  	v6 =	vmul.u32 $0xC, v3;
	s11 =	sadd.s32 $0x4, s26;
	v2 =	vld.idx.msk [tilespmem:v2+s8+$0x0], $0xffff  }
0x24: {  	v1 =	vmov s11;
	v4 =	vld.idx.msk [tilespmem:v4+s8+$0x0], $0xffff  }
0x25: {  	v6 =	vadd.s32 v1, v6;
	v5 =	vld.idx.msk [tilespmem:v5+s8+$0x0], $0xffff  }
0x26: {  	v7 =	vor.u32 $0x3, v6  }
0x27: {  	v8 =	vor.u32 $0x2, v6;
	_ =	sdelay $0x1  }
0x28: {  	v9 =	vmax.f32 v2, v4  }
0x29: {  	v9 =	vmax.f32 v9, v5  }
0x2a: {  	v7 =	vld.idx.msk [tilespmem:v7+s7+$0x0], $0xffff;
	v2 =	vsub.f32 v2, v9  }
0x2b: {  	v10 =	vshll.u32 v3, $0x2;
	v8 =	vld.idx.msk [tilespmem:v8+s7+$0x0], $0xffff;
	v4 =	vsub.f32 v4, v9  }
0x2c: {  	v5 =	vsub.f32 v5, v9;
	v9 =	vor.u32 $0x1, v6;
	v2 =	vmul.f32 $1.442695020e+00, v2  }
0x2d: {  	v13 =	vadd.s32 $0x7803, v10  }
0x2e: {  	v4 =	vmul.f32 $1.442695020e+00, v4;
	(erf) = vpow2.f32 v2;
	v2 =	vadd.s32 $0x7801, v10  }
0x2f: {  	v11 =	vand.u32 $0x3FFC, v10;
	v7 =	vmul.f32 $2.000000030e-01, v7;
	v5 =	vmul.f32 $1.442695020e+00, v5  }
0x30: {  	v12 =	vadd.s32 $0x7802, v10;
	v8 =	vmul.f32 $2.000000030e-01, v8;
	(erf) = vpow2.f32 v4  }
0x31: {  	v7 =	vmin.f32 v7, $4.135166650e+00;
	v4 =	vadd.s32 $0x7800, v11;
	(erf) = vpow2.f32 v5;
	v5 =	vld.idx.msk [tilespmem:v9+s7+$0x0], $0xffff  }
0x32: {  	v8 =	vmin.f32 v8, $4.135166650e+00;
	v7 =	vmul.f32 $1.442695020e+00, v7;
	v9 =	vld.idx.msk [tilespmem:v13+s7+$0x0], $0xffff  }
0x33: {  	v8 =	vmul.f32 $1.442695020e+00, v8;
	v2 =	vld.idx.msk [tilespmem:v2+s7+$0x0], $0xffff  }
0x34: {  	(erf) = vpow2.f32 v7  }
0x35: {  	v10 =	vld.idx.msk [tilespmem:v12+s7+$0x0], $0xffff;
	(erf) = vpow2.f32 v8  }
0x36: {  	v4 =	vld.idx.msk [tilespmem:v4+s7+$0x0], $0xffff  }
0x37: {  	v6 =	vld.idx.msk [tilespmem:v6+s7+$0x0], $0xffff  }
0x38: {  	v7 =	vpop (erf);
	v9 =	vsub.f32 v9, v2  }
0x39: {  	v8 =	vpop (erf)  }
0x3a: {  	v7 =	vadd.f32 v8, v7;
	v12 =	vmul.f32 $5.000000000e-01, v9  }
0x3b: {  	v5 =	vmul.f32 $1.000000010e-01, v5;
	v10 =	vsub.f32 v10, v4;
	v11 =	vpop (erf)  }
0x3c: {  	v6 =	vmul.f32 $1.000000010e-01, v6;
	v7 =	vadd.f32 v7, v11  }
0x3d: {  	v5 =	vmul.f32 v9, v5;
	v14 =	vpop (erf);
	v13 =	vmul.f32 $5.000000000e-01, v10  }
0x3e: {  	v9 =	vmul.f32 v9, v14;
	v2 =	vadd.f32 v12, v2;
	(erf) = vrcp.f32 v7;
	v12 =	vpop (erf)  }
0x3f: {  	v6 =	vmul.f32 v10, v6;
	v4 =	vadd.f32 v13, v4;
	v7 =	vmul.f32 v10, v12  }
0x40: {  	v2 =	vadd.f32 v2, v5;
	v5 =	vmul.f32 $5.000000000e-01, v9  }
0x41: {  	v4 =	vadd.f32 v4, v6;
	v6 =	vmul.f32 $5.000000000e-01, v7  }
0x42: {  	v7 =	vsub.f32 v2, v5;
	v2 =	vadd.f32 v2, v5  }
0x43: {  	v5 =	vsub.f32 v4, v6;
	v4 =	vadd.f32 v4, v6  }
0x44: {  	vm0 =	vmxor vm0, vm0;
	v6 =	vmax.f32 v7, $0.0e+00;
	v2 =	vmax.f32 v2, $0.0e+00  }
0x45: {  	s9 =	smul.u32 $0xA00, s9;
	v15 =	vmin.f32 v6, $8.000000000e+02;
	v5 =	vmax.f32 v5, $0.0e+00;
	v7 =	vmax.f32 v4, $0.0e+00  }
0x46: {  	p0 =	seq.s32 s25, $0x0;
	v4 =	vmin.f32 v2, $8.000000000e+02;
	v14 =	vmin.f32 v5, $8.000000000e+02;
	v5 =	vmin.f32 v7, $8.000000000e+02  }
0x47: {  	s28 =	sadd.s32 $0x0, s9;
	v2 =	vpsel p0, v8, v11;
	v7 =	vsub.f32 v4, v15;
	v8 =	vpop (erf);
	v6 =	vsub.f32 v5, v14  }
0x48: {  	vm3 =	vmmov vm0;
	p1 =	slt.u32 s28, $0x4E20;
	v9 =	vmul.f32 v8, v2  }
0x49: {  	vm3 =	vmneg @p1 vm3;
	vm2 =	vge.f32 v7, $9.999999770e-03;
	vm1 =	vge.f32 v6, $9.999999770e-03  }
0x4a: {  	s13 =	simm.s32 $0x10;
	v6 =	vshll.u32 v3, $0x3;
	vm1 =	vmand vm1, vm2;
	vm2 =	vgt.f32 v9, $5.000000070e-02  }
0x4b: {  	v2 =	vor.u32 s13, v0;
	v16 =	vor.u32 $0x1, v6;
	vm1 =	vmand vm1, vm2  }
0x4c: {  	s29 =	smul.u32 $0x2800, s6;
	v8 =	vmul.u32 $0x3, v2;
	v10 =	vor.u32 $0x2, v6;
	vm1 =	vmand vm3, vm1  }
0x4d: {  	s30 =	smul.u32 $0x14000, s6;
	s10 =	simm.s32 $0xBE00;
	v11 =	vmul.u32 $0xC, v2;
	v12 =	vnsel vm1, $0xFF800000, v9;
	v9 =	vor.u32 $0x3, v6  }
0x4e: {  	s11 =	simm.s32 $0xC800;
	v7 =	vshll.u32 v2, $0x2;
	[tilespmem:v3+s10+$0x0] =	vst.idx.msk $0xffff, v12  }
0x4f: {  	s31 =	sshrl.u32 s30, $0x2;
	s4 =	sadd.s32 $0xC800, s4;
	s12 =	sshrl.u32 s29, $0x2;
	v13 =	vadd.s32 $0x1, v8;
	v12 =	vadd.s32 $0x2, v8;
	v3 =	vadd.s32 v1, v11;
	[tilespmem:v6+s11+$0x0] =	vst.idx.msk $0xffff, v14  }
0x50: {  	s15 =	simm.s32 $0x20;
	s14 =	sadd.s32 s12, s5;
	s12 =	sadd.s32 s31, s3;
	v11 =	vor.u32 $0x2, v3;
	v14 =	vor.u32 $0x3, v3;
	v6 =	vand.u32 $0x3FFC, v7;
	[tilespmem:v16+s11+$0x0] =	vst.idx.msk $0xffff, v15  }
.LBB2_1:
0x51: {  	p1 =	sne.s32 s15, $0x9F0;
	v15 =	vor.u32 $0x1, v3;
	v16 =	vadd.s32 $0x7801, v7;
	v17 =	vadd.s32 $0x7803, v7;
	[tilespmem:v10+s11+$0x0] =	vst.idx.msk $0xffff, v5;
	s16 =	smov.u32 s15;
	s15 =	sadd.s32 $0x10, s15  }
0x52: {  	v5 =	vadd.s32 $0x7802, v7;
	[tilespmem:v9+s11+$0x0] =	vst.idx.msk $0xffff, v4  }
0x53: {  	v4 =	vld.idx.msk [tilespmem:v8+s8+$0x0], $0xffff  }
0x54: {  	v7 =	vld.idx.msk [tilespmem:v13+s8+$0x0], $0xffff  }
0x55: {  	v8 =	vld.idx.msk [tilespmem:v12+s8+$0x0], $0xffff;
	_ =	sdelay $0x3  }
0x56: {  	v9 =	vld.idx.msk [tilespmem:v14+s7+$0x0], $0xffff  }
0x57: {  	v10 =	vld.idx.msk [tilespmem:v11+s7+$0x0], $0xffff;
	v11 =	vmax.f32 v4, v7  }
0x58: {  	v11 =	vmax.f32 v11, v8  }
0x59: {  	v4 =	vsub.f32 v4, v11;
	v7 =	vsub.f32 v7, v11  }
0x5a: {  	v8 =	vsub.f32 v8, v11  }
0x5b: {  	v4 =	vmul.f32 $1.442695020e+00, v4;
	v7 =	vmul.f32 $1.442695020e+00, v7  }
0x5c: {  	v9 =	vmul.f32 $2.000000030e-01, v9;
	v8 =	vmul.f32 $1.442695020e+00, v8  }
0x5d: {  	v6 =	vadd.s32 $0x7800, v6;
	v10 =	vmul.f32 $2.000000030e-01, v10;
	(erf) = vpow2.f32 v4  }
0x5e: {  	v4 =	vmin.f32 v9, $4.135166650e+00;
	v5 =	vld.idx.msk [tilespmem:v5+s7+$0x0], $0xffff;
	(erf) = vpow2.f32 v7  }
0x5f: {  	v9 =	vmin.f32 v10, $4.135166650e+00;
	v4 =	vmul.f32 $1.442695020e+00, v4;
	v7 =	vld.idx.msk [tilespmem:v15+s7+$0x0], $0xffff;
	(erf) = vpow2.f32 v8  }
0x60: {  	v9 =	vmul.f32 $1.442695020e+00, v9;
	v8 =	vld.idx.msk [tilespmem:v17+s7+$0x0], $0xffff  }
0x61: {  	v10 =	vld.idx.msk [tilespmem:v16+s7+$0x0], $0xffff;
	(erf) = vpow2.f32 v4  }
0x62: {  	v4 =	vld.idx.msk [tilespmem:v6+s7+$0x0], $0xffff;
	(erf) = vpow2.f32 v9  }
0x63: {  	v3 =	vld.idx.msk [tilespmem:v3+s7+$0x0], $0xffff;
	_ =	sdelay $0x2  }
0x64: {  	v6 =	vpop (erf)  }
0x65: {  	v7 =	vmul.f32 $1.000000010e-01, v7;
	v8 =	vsub.f32 v8, v10;
	v9 =	vpop (erf)  }
0x66: {  	v5 =	vsub.f32 v5, v4;
	v6 =	vadd.f32 v9, v6;
	v11 =	vpop (erf)  }
0x67: {  	v3 =	vmul.f32 $1.000000010e-01, v3;
	v12 =	vmul.f32 $5.000000000e-01, v8;
	v9 =	vpsel p0, v9, v11  }
0x68: {  	v7 =	vmul.f32 v8, v7;
	v13 =	vmul.f32 $5.000000000e-01, v5;
	v6 =	vadd.f32 v6, v11;
	v11 =	vpop (erf)  }
0x69: {  	v10 =	vadd.f32 v12, v10;
	v3 =	vmul.f32 v5, v3;
	v8 =	vmul.f32 v8, v11;
	v11 =	vpop (erf)  }
0x6a: {  	v4 =	vadd.f32 v13, v4;
	v5 =	vmul.f32 v5, v11;
	(erf) = vrcp.f32 v6  }
0x6b: {  	v6 =	vadd.f32 v10, v7;
	v7 =	vmul.f32 $5.000000000e-01, v8  }
0x6c: {  	v3 =	vadd.f32 v4, v3;
	v4 =	vmul.f32 $5.000000000e-01, v5  }
0x6d: {  	v5 =	vsub.f32 v6, v7;
	v6 =	vadd.f32 v6, v7  }
0x6e: {  	v7 =	vsub.f32 v3, v4;
	v3 =	vadd.f32 v3, v4  }
0x6f: {  	v5 =	vmax.f32 v5, $0.0e+00;
	v4 =	vmax.f32 v6, $0.0e+00  }
0x70: {  	v6 =	vmax.f32 v7, $0.0e+00;
	v3 =	vmax.f32 v3, $0.0e+00;
	v4 =	vmin.f32 v4, $8.000000000e+02  }
0x71: {  	v15 =	vmin.f32 v5, $8.000000000e+02;
	v6 =	vmin.f32 v6, $8.000000000e+02;
	v5 =	vmin.f32 v3, $8.000000000e+02  }
0x72: {  	v7 =	vsub.f32 v4, v15;
	v3 =	vsub.f32 v5, v6  }
0x73: {  	v8 =	vpop (erf)  }
0x74: {  	s17 =	sadd.s32 s9, s13;
	s13 =	smov.u32 s16;
	vm2 =	vge.f32 v7, $9.999999770e-03;
	v11 =	vmul.f32 v8, v9;
	vm1 =	vge.f32 v3, $9.999999770e-03  }
0x75: {  	vm3 =	vmmov vm0;
	p2 =	slt.u32 s17, $0x4E20;
	v14 =	vshll.u32 v2, $0x3;
	vm1 =	vmand vm1, vm2  }
0x76: {  	vm3 =	vmneg @p2 vm3;
	v16 =	vor.u32 $0x1, v14;
	vm2 =	vgt.f32 v11, $5.000000070e-02  }
0x77: {  	v10 =	vor.u32 $0x2, v14;
	vm1 =	vmand vm1, vm2  }
.Ltmp0:
0x78: {  	v3 =	vor.u32 s13, v0;
	v9 =	vor.u32 $0x3, v14;
	vm1 =	vmand vm3, vm1;
	(pc) =	sbr.rel @p1 .LBB2_1-.Ltmp0, $4  }
0x79: {  	v8 =	vmul.u32 $0x3, v3;
	v17 =	vmul.u32 $0xC, v3;
	v11 =	vnsel vm1, $0xFF800000, v11  }
0x7a: {  	v7 =	vshll.u32 v3, $0x2;
	[tilespmem:v2+s10+$0x0] =	vst.idx.msk $0xffff, v11;
	v2 =	vmov v3  }
0x7b: {  	v13 =	vadd.s32 $0x1, v8;
	v12 =	vadd.s32 $0x2, v8;
	v3 =	vadd.s32 v1, v17;
	[tilespmem:v14+s11+$0x0] =	vst.idx.msk $0xffff, v6  }
0x7c: {  	v11 =	vor.u32 $0x2, v3;
	v14 =	vor.u32 $0x3, v3;
	v6 =	vand.u32 $0x3FFC, v7;
	[tilespmem:v16+s11+$0x0] =	vst.idx.msk $0xffff, v15  }
0x7d: {  	_ =	sdelay $0x3  }
0x7e: {  	[tilespmem:v10+s11+$0x0] =	vst.idx.msk $0xffff, v5  }
0x7f: {  	[tilespmem:v9+s11+$0x0] =	vst.idx.msk $0xffff, v4  }
0x80: {  	v0 =	vld.idx.msk [tilespmem:v8+s8+$0x0], $0xffff  }
0x81: {  	v1 =	vld.idx.msk [tilespmem:v13+s8+$0x0], $0xffff  }
0x82: {  	v4 =	vld.idx.msk [tilespmem:v12+s8+$0x0], $0xffff;
	_ =	sdelay $0x3  }
0x83: {  	v5 =	vld.idx.msk [tilespmem:v14+s7+$0x0], $0xffff;
	v8 =	vmax.f32 v0, v1  }
0x84: {  	v9 =	vld.idx.msk [tilespmem:v11+s7+$0x0], $0xffff;
	v8 =	vmax.f32 v8, v4  }
0x85: {  	v0 =	vsub.f32 v0, v8  }
0x86: {  	v1 =	vsub.f32 v1, v8  }
0x87: {  	v33 =	vadd.s32 $0x7802, v7;
	v34 =	vor.u32 $0x1, v3;
	v0 =	vmul.f32 $1.442695020e+00, v0  }
0x88: {  	v5 =	vmul.f32 $2.000000030e-01, v5;
	v4 =	vsub.f32 v4, v8;
	v1 =	vmul.f32 $1.442695020e+00, v1  }
0x89: {  	v35 =	vadd.s32 $0x7803, v7;
	v37 =	vmul.f32 $2.000000030e-01, v9;
	(erf) = vpow2.f32 v0  }
0x8a: {  	v36 =	vadd.s32 $0x7801, v7;
	v4 =	vmul.f32 $1.442695020e+00, v4;
	(erf) = vpow2.f32 v1  }
0x8b: {  	v38 =	vadd.s32 $0x7800, v6;
	v5 =	vmin.f32 v5, $4.135166650e+00  }
0x8c: {  	v39 =	vld.idx.msk [tilespmem:v33+s7+$0x0], $0xffff;
	v7 =	vmin.f32 v37, $4.135166650e+00;
	v5 =	vmul.f32 $1.442695020e+00, v5;
	(erf) = vpow2.f32 v4  }
0x8d: {  	v40 =	vld.idx.msk [tilespmem:v34+s7+$0x0], $0xffff;
	v7 =	vmul.f32 $1.442695020e+00, v7  }
0x8e: {  	v41 =	vld.idx.msk [tilespmem:v35+s7+$0x0], $0xffff;
	(erf) = vpow2.f32 v5  }
0x8f: {  	v0 =	vld.idx.msk [tilespmem:v36+s7+$0x0], $0xffff;
	(erf) = vpow2.f32 v7  }
0x90: {  	v1 =	vld.idx.msk [tilespmem:v38+s7+$0x0], $0xffff  }
0x91: {  	v42 =	vld.idx.msk [tilespmem:v3+s7+$0x0], $0xffff  }
0x92: {  	v43 =	vpop (erf)  }
0x93: {  	v44 =	vpop (erf)  }
0x94: {  	v8 =	vsub.f32 v41, v0;
	v5 =	vadd.f32 v44, v43  }
0x95: {  	v4 =	vmul.f32 $1.000000010e-01, v40;
	v6 =	vsub.f32 v39, v1;
	v45 =	vpop (erf)  }
0x96: {  	v3 =	vmul.f32 $1.000000010e-01, v42;
	v46 =	vmul.f32 $5.000000000e-01, v8;
	v5 =	vadd.f32 v5, v45  }
0x97: {  	v4 =	vmul.f32 v8, v4;
	v47 =	vmul.f32 $5.000000000e-01, v6;
	v48 =	vpop (erf)  }
0x98: {  	v0 =	vadd.f32 v46, v0;
	v8 =	vmul.f32 v8, v48;
	v49 =	vpop (erf);
	(erf) = vrcp.f32 v5  }
0x99: {  	v3 =	vmul.f32 v6, v3;
	v1 =	vadd.f32 v47, v1;
	v50 =	vmul.f32 v6, v49  }
0x9a: {  	v0 =	vadd.f32 v0, v4;
	v51 =	vmul.f32 $5.000000000e-01, v8  }
0x9b: {  	v1 =	vadd.f32 v1, v3;
	v52 =	vmul.f32 $5.000000000e-01, v50  }
0x9c: {  	v53 =	vsub.f32 v0, v51;
	v0 =	vadd.f32 v0, v51  }
0x9d: {  	v54 =	vsub.f32 v1, v52;
	v1 =	vadd.f32 v1, v52  }
0x9e: {  	v55 =	vmax.f32 v53, $0.0e+00;
	v0 =	vmax.f32 v0, $0.0e+00  }
0x9f: {  	v4 =	vmax.f32 v54, $0.0e+00;
	v1 =	vmax.f32 v1, $0.0e+00;
	v0 =	vmin.f32 v0, $8.000000000e+02  }
0xa0: {  	v3 =	vmin.f32 v55, $8.000000000e+02;
	v4 =	vmin.f32 v4, $8.000000000e+02;
	v1 =	vmin.f32 v1, $8.000000000e+02  }
0xa1: {  	v56 =	vpsel p0, v44, v45;
	v58 =	vsub.f32 v0, v3;
	v57 =	vsub.f32 v1, v4;
	v59 =	vpop (erf)  }
0xa2: {  	v5 =	vmul.f32 v59, v56  }
0xa3: {  	s29 =	sadd.s32 s9, s13;
	v60 =	vshll.u32 v2, $0x3;
	vm2 =	vge.f32 v58, $9.999999770e-03;
	vm1 =	vge.f32 v57, $9.999999770e-03  }
0xa4: {  	vm3 =	vmmov vm0;
	p0 =	slt.u32 s29, $0x4E20;
	vm1 =	vmand vm1, vm2;
	vm2 =	vgt.f32 v5, $5.000000070e-02  }
0xa5: {  	v61 =	vor.u32 $0x1, v60;
	vm3 =	vmneg @p0 vm3;
	vm1 =	vmand vm1, vm2  }
0xa6: {  	v62 =	vor.u32 $0x2, v60;
	vm1 =	vmand vm3, vm1  }
0xa7: {  	v63 =	vor.u32 $0x3, v60;
	v5 =	vnsel vm1, $0xFF800000, v5  }
0xa8: {  	[tilespmem:v2+s10+$0x0] =	vst.idx.msk $0xffff, v5  }
0xa9: {  	[tilespmem:v60+s11+$0x0] =	vst.idx.msk $0xffff, v4  }
0xaa: {  	[tilespmem:v61+s11+$0x0] =	vst.idx.msk $0xffff, v3  }
0xab: {  	[tilespmem:v62+s11+$0x0] =	vst.idx.msk $0xffff, v1  }
0xac: {  	s30 =	simm.s32 $0xBE00;
	s7 =	simm.s32 $0x1;
	[tilespmem:v63+s11+$0x0] =	vst.idx.msk $0xffff, v0  }
0xad: {  	[spmem:s14] =	stream.linear.scatter [tilespmem:s30], [sflag:$0x1], $0xA00, $0x38;
	[tilespmem:$0x1B608] =	vst v63  }
0xae: {  	_ =	swait.ge [sflag:s7], $0xA00  }
0xaf: {  	[sflag:s7] =	ssyncset.done $0x0  }
0xb0: {  	s31 =	simm.s32 $0xC800;
	[sflag:s7] =	ssyncadd.s32 $0xFFFFF600  }
0xb1: {  	[spmem:s12] =	stream.linear.scatter [tilespmem:s31], [sflag:$0x1], $0x5000, $0x38;
	[tilespmem:$0x1B608] =	vst v63  }
0xb2: {  	_ =	swait.ge [sflag:s7], $0x5000  }
0xb3: {  	[sflag:s7] =	ssyncset.done $0x0  }
0xb4: {  	[sflag:s7] =	ssyncadd.s32 $0xFFFFB000  }
0xb5: {  	p0 =	sne.s32 s6, $0x0;
	[bflag:$0x0] =	sbarrier.arrive $0xFFFF  }
0xb6: {  	_ =	sfence.sel @p0 $0x180000  }
0xb7: {  	[bflag:$0x0] =	sbarrier.arrive @p0 $0xFFFF  }
0xb8: {  	_ =	strace @p0 $0x90000047  }
0xb9: {  	[bflag:$0x2] =	sbarrier.arrive @p0 $0xFFFF  }
0xba: {  	_ =	shalt @p0  }
.LBB2_3:
0xbb: {  	v0 =	vimm.s32 $0x3210  }
0xbc: {  	v1 =	vimm.s32 $0x83828180;
	vm1 =	vcmask $0xF00;
	vm5 =	vcmask $0x2320  }
0xbd: {  	v2 =	vimm.s32 $0x383;
	vm7 =	vcmask $0x300;
	vm8 =	vcmask $0x704  }
0xbe: {  	vm2 =	vcmask $0x2B28;
	vm6 =	vcmask $0xB08;
	vm3 =	vcmask $0x2F2C  }
0xbf: {  	vm4 =	vcmask $0xF0C;
	v3 =	vimm.s32 $0x583;
	v4 =	vimm.s32 $0x783  }
0xc0: {  	v5 =	vimm.s32 $0x983;
	v6 =	vimm.s32 $0xB83;
	v7 =	vimm.s32 $0xD83  }
0xc1: {  	v8 =	vimm.s32 $0xF83;
	v9 =	vimm.s32 $0x1183;
	v10 =	vimm.s32 $0x1383  }
0xc2: {  	v11 =	vimm.s32 $0x1583;
	v12 =	vimm.s32 $0x1783;
	v13 =	vimm.s32 $0x1983  }
0xc3: {  	v14 =	vimm.s32 $0x1B83;
	v15 =	vimm.s32 $0x1D83;
	v16 =	vimm.s32 $0x1F83  }
0xc4: {  	v17 =	vimm.s32 $0x2183;
	v18 =	vimm.s32 $0x2383;
	v19 =	vimm.s32 $0x2583  }
0xc5: {  	v20 =	vimm.s32 $0x2783;
	v21 =	vimm.s32 $0x2983;
	v22 =	vimm.s32 $0x2B83  }
0xc6: {  	v23 =	vimm.s32 $0x2D83;
	v24 =	vimm.s32 $0x2F83;
	v25 =	vimm.s32 $0x3183  }
0xc7: {  	vm14 =	vcmask $0x1310;
	v26 =	vimm.s32 $0x0;
	vm15 =	vcmask $0x1714  }
0xc8: {  	vm11 =	vcmask $0x1B18;
	vm12 =	vcmask $0x3330;
	vm13 =	vcmask $0x1F1C  }
0xc9: {  	v0 =	vunpack.c.l.s4.s8 v0;
	v1 =	vunpack.c.0.s8.s32 v1;
	v2 =	vsel vm7, $0x200, v2  }
0xca: {  	v3 =	vsel vm7, $0x400, v3;
	v4 =	vsel vm7, $0x600, v4;
	v5 =	vsel vm7, $0x800, v5  }
0xcb: {  	v6 =	vsel vm7, $0xA00, v6;
	v7 =	vsel vm7, $0xC00, v7;
	v8 =	vsel vm7, $0xE00, v8  }
0xcc: {  	v9 =	vsel vm7, $0x1000, v9;
	v10 =	vsel vm7, $0x1200, v10;
	v11 =	vsel vm7, $0x1400, v11  }
0xcd: {  	v12 =	vsel vm7, $0x1600, v12;
	v13 =	vsel vm7, $0x1800, v13;
	v14 =	vsel vm7, $0x1A00, v14  }
0xce: {  	v15 =	vsel vm7, $0x1C00, v15;
	v16 =	vsel vm7, $0x1E00, v16;
	v17 =	vsel vm7, $0x2000, v17  }
0xcf: {  	v18 =	vsel vm7, $0x2200, v18;
	v19 =	vsel vm7, $0x2400, v19;
	v20 =	vsel vm7, $0x2600, v20  }
0xd0: {  	v21 =	vsel vm7, $0x2800, v21;
	v22 =	vsel vm7, $0x2A00, v22;
	v23 =	vsel vm7, $0x2C00, v23  }
0xd1: {  	v24 =	vsel vm7, $0x2E00, v24;
	v25 =	vsel vm7, $0x3000, v25;
	v2 =	vsel vm8, $0x201, v2  }
0xd2: {  	v3 =	vsel vm8, $0x401, v3;
	v4 =	vsel vm8, $0x601, v4;
	v5 =	vsel vm8, $0x801, v5  }
0xd3: {  	v6 =	vsel vm8, $0xA01, v6;
	v7 =	vsel vm8, $0xC01, v7;
	v8 =	vsel vm8, $0xE01, v8  }
0xd4: {  	v9 =	vsel vm8, $0x1001, v9;
	v10 =	vsel vm8, $0x1201, v10;
	v11 =	vsel vm8, $0x1401, v11  }
0xd5: {  	v12 =	vsel vm8, $0x1601, v12;
	v13 =	vsel vm8, $0x1801, v13;
	v14 =	vsel vm8, $0x1A01, v14  }
0xd6: {  	v15 =	vsel vm8, $0x1C01, v15;
	v16 =	vsel vm8, $0x1E01, v16;
	v17 =	vsel vm8, $0x2001, v17  }
0xd7: {  	v18 =	vsel vm8, $0x2201, v18;
	v19 =	vsel vm8, $0x2401, v19;
	v20 =	vsel vm8, $0x2601, v20  }
0xd8: {  	v21 =	vsel vm8, $0x2801, v21;
	v22 =	vsel vm8, $0x2A01, v22;
	v23 =	vsel vm8, $0x2C01, v23  }
0xd9: {  	v24 =	vsel vm8, $0x2E01, v24;
	v25 =	vsel vm8, $0x3001, v25;
	v0 =	vunpack.c.0.s8.s32 v0  }
0xda: {  	v1 =	vand.u32 $0xFF, v1;
	v2 =	vsel vm6, $0x202, v2;
	v3 =	vsel vm6, $0x402, v3  }
0xdb: {  	v4 =	vsel vm6, $0x602, v4;
	v5 =	vsel vm6, $0x802, v5;
	v6 =	vsel vm6, $0xA02, v6  }
0xdc: {  	v7 =	vsel vm6, $0xC02, v7;
	v8 =	vsel vm6, $0xE02, v8;
	v9 =	vsel vm6, $0x1002, v9  }
0xdd: {  	v10 =	vsel vm6, $0x1202, v10;
	v11 =	vsel vm6, $0x1402, v11;
	v12 =	vsel vm6, $0x1602, v12  }
0xde: {  	v13 =	vsel vm6, $0x1802, v13;
	v14 =	vsel vm6, $0x1A02, v14;
	v15 =	vsel vm6, $0x1C02, v15  }
0xdf: {  	v16 =	vsel vm6, $0x1E02, v16;
	v17 =	vsel vm6, $0x2002, v17;
	v18 =	vsel vm6, $0x2202, v18  }
0xe0: {  	v19 =	vsel vm6, $0x2402, v19;
	v20 =	vsel vm6, $0x2602, v20;
	v21 =	vsel vm6, $0x2802, v21  }
0xe1: {  	v22 =	vsel vm6, $0x2A02, v22;
	v23 =	vsel vm6, $0x2C02, v23;
	v24 =	vsel vm6, $0x2E02, v24  }
0xe2: {  	v25 =	vsel vm6, $0x3002, v25;
	v2 =	vsel vm4, $0x203, v2;
	v3 =	vsel vm4, $0x403, v3  }
0xe3: {  	v4 =	vsel vm4, $0x603, v4;
	v5 =	vsel vm4, $0x803, v5;
	v6 =	vsel vm4, $0xA03, v6  }
0xe4: {  	v7 =	vsel vm4, $0xC03, v7;
	v8 =	vsel vm4, $0xE03, v8;
	v9 =	vsel vm4, $0x1003, v9  }
0xe5: {  	v10 =	vsel vm4, $0x1203, v10;
	v11 =	vsel vm4, $0x1403, v11;
	v12 =	vsel vm4, $0x1603, v12  }
0xe6: {  	v13 =	vsel vm4, $0x1803, v13;
	v14 =	vsel vm4, $0x1A03, v14;
	v15 =	vsel vm4, $0x1C03, v15  }
0xe7: {  	v16 =	vsel vm4, $0x1E03, v16;
	v17 =	vsel vm4, $0x2003, v17;
	v18 =	vsel vm4, $0x2203, v18  }
0xe8: {  	v19 =	vsel vm4, $0x2403, v19;
	v20 =	vsel vm4, $0x2603, v20;
	v21 =	vsel vm4, $0x2803, v21  }
0xe9: {  	v22 =	vsel vm4, $0x2A03, v22;
	v23 =	vsel vm4, $0x2C03, v23;
	v24 =	vsel vm4, $0x2E03, v24  }
0xea: {  	v25 =	vsel vm4, $0x3003, v25;
	v0 =	vnsel vm1, $0x183, v0;
	vm1 =	vcmask $0x1F10  }
0xeb: {  	v2 =	vsel vm14, $0x280, v2;
	v3 =	vsel vm14, $0x480, v3;
	v4 =	vsel vm14, $0x680, v4  }
0xec: {  	v5 =	vsel vm14, $0x880, v5;
	v6 =	vsel vm14, $0xA80, v6;
	v7 =	vsel vm14, $0xC80, v7  }
0xed: {  	v8 =	vsel vm14, $0xE80, v8;
	v9 =	vsel vm14, $0x1080, v9;
	v10 =	vsel vm14, $0x1280, v10  }
0xee: {  	v11 =	vsel vm14, $0x1480, v11;
	v12 =	vsel vm14, $0x1680, v12;
	v13 =	vsel vm14, $0x1880, v13  }
0xef: {  	v14 =	vsel vm14, $0x1A80, v14;
	v15 =	vsel vm14, $0x1C80, v15;
	v16 =	vsel vm14, $0x1E80, v16  }
0xf0: {  	v17 =	vsel vm14, $0x2080, v17;
	v18 =	vsel vm14, $0x2280, v18;
	v19 =	vsel vm14, $0x2480, v19  }
0xf1: {  	v20 =	vsel vm14, $0x2680, v20;
	v21 =	vsel vm14, $0x2880, v21;
	v22 =	vsel vm14, $0x2A80, v22  }
0xf2: {  	v23 =	vsel vm14, $0x2C80, v23;
	v24 =	vsel vm14, $0x2E80, v24;
	v25 =	vsel vm14, $0x3080, v25  }
0xf3: {  	vm14 =	vcmask $0x3734;
	v1 =	vsel vm1, v1, v0;
	v0 =	vimm.f32 $0.0e+00  }
0xf4: {  	vm1 =	vcmask $0x2724;
	v2 =	vsel vm15, $0x281, v2;
	v3 =	vsel vm15, $0x481, v3  }
0xf5: {  	v4 =	vsel vm15, $0x681, v4;
	v5 =	vsel vm15, $0x881, v5;
	v6 =	vsel vm15, $0xA81, v6  }
0xf6: {  	v7 =	vsel vm15, $0xC81, v7;
	v8 =	vsel vm15, $0xE81, v8;
	v9 =	vsel vm15, $0x1081, v9  }
0xf7: {  	s6 =	simm.s32 $0x0;
	v10 =	vsel vm15, $0x1281, v10;
	v11 =	vsel vm15, $0x1481, v11;
	v12 =	vsel vm15, $0x1681, v12  }
0xf8: {  	[tilespmem:s6], [sflag:$0x1] =	stream.linear.gather [spmem:s5], $0xA000, $0x38;
	v13 =	vsel vm15, $0x1881, v13;
	v14 =	vsel vm15, $0x1A81, v14;
	v15 =	vsel vm15, $0x1C81, v15;
	[tilespmem:$0x1B608] =	vst v63  }
0xf9: {  	_ =	swait.ge [sflag:s7], $0xA000;
	v16 =	vsel vm15, $0x1E81, v16;
	v17 =	vsel vm15, $0x2081, v17;
	v18 =	vsel vm15, $0x2281, v18  }
0xfa: {  	[sflag:s7] =	ssyncset.done $0x0;
	v19 =	vsel vm15, $0x2481, v19;
	v20 =	vsel vm15, $0x2681, v20;
	v21 =	vsel vm15, $0x2881, v21  }
0xfb: {  	[sflag:s7] =	ssyncadd.s32 $0xFFFF6000;
	v22 =	vsel vm15, $0x2A81, v22;
	v23 =	vsel vm15, $0x2C81, v23;
	v24 =	vsel vm15, $0x2E81, v24  }
0xfc: {  	[tilespmem:$0x15B80] =	vst v26;
	v25 =	vsel vm15, $0x3081, v25;
	vm15 =	vcmask $0x3B38;
	v1 =	vsel vm5, $0x100, v1  }
0xfd: {  	[tilespmem:$0x15B90] =	vst v26;
	v2 =	vsel vm11, $0x282, v2;
	v3 =	vsel vm11, $0x482, v3;
	v4 =	vsel vm11, $0x682, v4  }
0xfe: {  	[tilespmem:$0x15BA0] =	vst v26;
	v5 =	vsel vm11, $0x882, v5;
	v6 =	vsel vm11, $0xA82, v6;
	v7 =	vsel vm11, $0xC82, v7  }
0xff: {  	[tilespmem:$0x15BB0] =	vst v26;
	v8 =	vsel vm11, $0xE82, v8;
	v9 =	vsel vm11, $0x1082, v9;
	v10 =	vsel vm11, $0x1282, v10  }
0x100: {  	[tilespmem:$0x15BC0] =	vst v26;
	v11 =	vsel vm11, $0x1482, v11;
	v12 =	vsel vm11, $0x1682, v12;
	v13 =	vsel vm11, $0x1882, v13  }
0x101: {  	[tilespmem:$0x15BD0] =	vst v26;
	v14 =	vsel vm11, $0x1A82, v14;
	v15 =	vsel vm11, $0x1C82, v15;
	v16 =	vsel vm11, $0x1E82, v16  }
0x102: {  	[tilespmem:$0x15BE0] =	vst v26;
	v17 =	vsel vm11, $0x2082, v17;
	v18 =	vsel vm11, $0x2282, v18;
	v19 =	vsel vm11, $0x2482, v19  }
0x103: {  	[tilespmem:$0x12380] =	vst v0;
	v20 =	vsel vm11, $0x2682, v20;
	v21 =	vsel vm11, $0x2882, v21;
	v22 =	vsel vm11, $0x2A82, v22  }
0x104: {  	[tilespmem:$0x12390] =	vst v0;
	v23 =	vsel vm11, $0x2C82, v23;
	v24 =	vsel vm11, $0x2E82, v24;
	v25 =	vsel vm11, $0x3082, v25  }
0x105: {  	[tilespmem:$0x123A0] =	vst v0;
	v1 =	vsel vm1, $0x101, v1;
	v2 =	vsel vm13, $0x283, v2;
	v3 =	vsel vm13, $0x483, v3  }
0x106: {  	[tilespmem:$0x123B0] =	vst v0;
	v4 =	vsel vm13, $0x683, v4;
	v5 =	vsel vm13, $0x883, v5;
	v6 =	vsel vm13, $0xA83, v6  }
0x107: {  	[tilespmem:$0x123C0] =	vst v0;
	v7 =	vsel vm13, $0xC83, v7;
	v8 =	vsel vm13, $0xE83, v8;
	v9 =	vsel vm13, $0x1083, v9  }
0x108: {  	[tilespmem:$0x123D0] =	vst v0;
	v10 =	vsel vm13, $0x1283, v10;
	v11 =	vsel vm13, $0x1483, v11;
	v12 =	vsel vm13, $0x1683, v12  }
0x109: {  	[tilespmem:$0x123E0] =	vst v0;
	v13 =	vsel vm13, $0x1883, v13;
	v14 =	vsel vm13, $0x1A83, v14;
	v15 =	vsel vm13, $0x1C83, v15  }
0x10a: {  	[tilespmem:$0x123F0] =	vst v0;
	v16 =	vsel vm13, $0x1E83, v16;
	v17 =	vsel vm13, $0x2083, v17;
	v18 =	vsel vm13, $0x2283, v18  }
0x10b: {  	[tilespmem:$0x12400] =	vst v0;
	v19 =	vsel vm13, $0x2483, v19;
	v20 =	vsel vm13, $0x2683, v20;
	v21 =	vsel vm13, $0x2883, v21  }
0x10c: {  	[tilespmem:$0x12410] =	vst v0;
	v22 =	vsel vm13, $0x2A83, v22;
	v23 =	vsel vm13, $0x2C83, v23;
	v24 =	vsel vm13, $0x2E83, v24  }
0x10d: {  	[tilespmem:$0x12420] =	vst v0;
	v25 =	vsel vm13, $0x3083, v25;
	v1 =	vsel vm2, $0x102, v1;
	v27 =	vsel vm5, $0x300, v2  }
0x10e: {  	[tilespmem:$0x12430] =	vst v0;
	v28 =	vsel vm5, $0x500, v3;
	v29 =	vsel vm5, $0x700, v4;
	v30 =	vsel vm5, $0x900, v5  }
0x10f: {  	[tilespmem:$0x12440] =	vst v0;
	v31 =	vsel vm5, $0xB00, v6;
	v32 =	vsel vm5, $0xD00, v7;
	v33 =	vsel vm5, $0xF00, v8  }
0x110: {  	[tilespmem:$0x12450] =	vst v0;
	v34 =	vsel vm5, $0x1100, v9;
	v10 =	vsel vm5, $0x1300, v10;
	v11 =	vsel vm5, $0x1500, v11  }
0x111: {  	[tilespmem:$0x12460] =	vst v0;
	v12 =	vsel vm5, $0x1700, v12;
	v13 =	vsel vm5, $0x1900, v13;
	v14 =	vsel vm5, $0x1B00, v14  }
0x112: {  	[tilespmem:$0x12470] =	vst v0;
	v15 =	vsel vm5, $0x1D00, v15;
	v16 =	vsel vm5, $0x1F00, v16;
	v45 =	vsel vm5, $0x2100, v17  }
0x113: {  	[tilespmem:$0x12480] =	vst v0;
	v46 =	vsel vm5, $0x2300, v18;
	v47 =	vsel vm5, $0x2500, v19;
	v48 =	vsel vm5, $0x2700, v20  }
0x114: {  	[tilespmem:$0x12490] =	vst v0;
	v49 =	vsel vm5, $0x2900, v21;
	v50 =	vsel vm5, $0x2B00, v22;
	v3 =	vsel vm5, $0x2D00, v23  }
0x115: {  	[tilespmem:$0x124A0] =	vst v0;
	v2 =	vsel vm5, $0x2F00, v24;
	v1 =	vsel vm3, $0x103, v1;
	v51 =	vsel vm1, $0x301, v27  }
0x116: {  	[tilespmem:$0x124B0] =	vst v0;
	v53 =	vsel vm1, $0x501, v28;
	v54 =	vsel vm1, $0x701, v29;
	v55 =	vsel vm1, $0x901, v30  }
0x117: {  	[tilespmem:$0x124C0] =	vst v0;
	v56 =	vsel vm1, $0xB01, v31;
	v57 =	vsel vm1, $0xD01, v32;
	v58 =	vsel vm1, $0xF01, v33  }
0x118: {  	[tilespmem:$0x124D0] =	vst v0;
	v59 =	vsel vm1, $0x1101, v34;
	v10 =	vsel vm1, $0x1301, v10;
	v11 =	vsel vm1, $0x1501, v11  }
0x119: {  	[tilespmem:$0x124E0] =	vst v0;
	v12 =	vsel vm1, $0x1701, v12;
	v13 =	vsel vm1, $0x1901, v13;
	v14 =	vsel vm1, $0x1B01, v14  }
0x11a: {  	[tilespmem:$0x124F0] =	vst v0;
	v15 =	vsel vm1, $0x1D01, v15;
	v16 =	vsel vm1, $0x1F01, v16;
	v9 =	vsel vm1, $0x2101, v45  }
0x11b: {  	[tilespmem:$0x12500] =	vst v0;
	v8 =	vsel vm1, $0x2301, v46;
	v7 =	vsel vm1, $0x2501, v47;
	v6 =	vsel vm1, $0x2701, v48  }
0x11c: {  	[tilespmem:$0x12510] =	vst v0;
	v5 =	vsel vm1, $0x2901, v49;
	v4 =	vsel vm1, $0x2B01, v50;
	v3 =	vsel vm1, $0x2D01, v3  }
0x11d: {  	[tilespmem:$0x12520] =	vst v0;
	v2 =	vsel vm1, $0x2F01, v2;
	v1 =	vsel vm12, $0x180, v1;
	v17 =	vsel vm2, $0x302, v51  }
0x11e: {  	[tilespmem:$0x12530] =	vst v0;
	v19 =	vsel vm2, $0x502, v53;
	v20 =	vsel vm2, $0x702, v54;
	v21 =	vsel vm2, $0x902, v55  }
0x11f: {  	[tilespmem:$0x12540] =	vst v0;
	v22 =	vsel vm2, $0xB02, v56;
	v23 =	vsel vm2, $0xD02, v57;
	v24 =	vsel vm2, $0xF02, v58  }
0x120: {  	[tilespmem:$0x12550] =	vst v0;
	v10 =	vsel vm2, $0x1302, v10;
	v11 =	vsel vm2, $0x1502, v11;
	v12 =	vsel vm2, $0x1702, v12  }
0x121: {  	[tilespmem:$0x12560] =	vst v0;
	v13 =	vsel vm2, $0x1902, v13;
	v14 =	vsel vm2, $0x1B02, v14;
	v15 =	vsel vm2, $0x1D02, v15  }
0x122: {  	[tilespmem:$0x12570] =	vst v0;
	v16 =	vsel vm2, $0x1F02, v16;
	v9 =	vsel vm2, $0x2102, v9;
	v8 =	vsel vm2, $0x2302, v8  }
0x123: {  	[tilespmem:$0x12580] =	vst v0;
	v7 =	vsel vm2, $0x2502, v7;
	v6 =	vsel vm2, $0x2702, v6;
	v5 =	vsel vm2, $0x2902, v5  }
0x124: {  	[tilespmem:$0x12590] =	vst v0;
	v4 =	vsel vm2, $0x2B02, v4;
	v3 =	vsel vm2, $0x2D02, v3;
	v2 =	vsel vm2, $0x2F02, v2  }
0x125: {  	[tilespmem:$0x125A0] =	vst v0;
	v44 =	vsel vm14, $0x181, v1;
	v1 =	vsel vm5, $0x3100, v25;
	v17 =	vsel vm3, $0x303, v17  }
0x126: {  	[tilespmem:$0x125B0] =	vst v0;
	v19 =	vsel vm3, $0x503, v19;
	v20 =	vsel vm3, $0x703, v20;
	v21 =	vsel vm3, $0x903, v21  }
0x127: {  	[tilespmem:$0x125C0] =	vst v0;
	v22 =	vsel vm3, $0xB03, v22;
	v23 =	vsel vm3, $0xD03, v23;
	v24 =	vsel vm3, $0xF03, v24  }
0x128: {  	[tilespmem:$0x125D0] =	vst v0;
	v25 =	vsel vm2, $0x1102, v59;
	v10 =	vsel vm3, $0x1303, v10;
	v11 =	vsel vm3, $0x1503, v11  }
0x129: {  	[tilespmem:$0x125E0] =	vst v0;
	v12 =	vsel vm3, $0x1703, v12;
	v13 =	vsel vm3, $0x1903, v13;
	v14 =	vsel vm3, $0x1B03, v14  }
0x12a: {  	[tilespmem:$0x125F0] =	vst v0;
	v15 =	vsel vm3, $0x1D03, v15;
	v16 =	vsel vm3, $0x1F03, v16;
	v9 =	vsel vm3, $0x2103, v9  }
0x12b: {  	[tilespmem:$0x12600] =	vst v0;
	v8 =	vsel vm3, $0x2303, v8;
	v7 =	vsel vm3, $0x2503, v7;
	v6 =	vsel vm3, $0x2703, v6  }
0x12c: {  	[tilespmem:$0x12610] =	vst v0;
	v5 =	vsel vm3, $0x2903, v5;
	v4 =	vsel vm3, $0x2B03, v4;
	v3 =	vsel vm3, $0x2D03, v3  }
0x12d: {  	[tilespmem:$0x15B00] =	vst v0;
	v2 =	vsel vm3, $0x2F03, v2;
	v52 =	vsel vm15, $0x182, v44;
	v17 =	vsel vm12, $0x380, v17  }
0x12e: {  	[tilespmem:$0x15B10] =	vst v0;
	v19 =	vsel vm12, $0x580, v19;
	v20 =	vsel vm12, $0x780, v20;
	v21 =	vsel vm12, $0x980, v21  }
0x12f: {  	[tilespmem:$0x15B20] =	vst v0;
	v22 =	vsel vm12, $0xB80, v22;
	v23 =	vsel vm12, $0xD80, v23;
	v17 =	vsel vm14, $0x381, v17  }
0x130: {  	[tilespmem:$0x15B30] =	vst v0;
	v24 =	vsel vm12, $0xF80, v24;
	v19 =	vsel vm14, $0x581, v19;
	v17 =	vsel vm15, $0x382, v17  }
0x131: {  	[tilespmem:$0x15B40] =	vst v0;
	v25 =	vsel vm3, $0x1103, v25;
	v20 =	vsel vm14, $0x781, v20;
	v19 =	vsel vm15, $0x582, v19  }
0x132: {  	[tilespmem:$0x15B50] =	vst v0;
	v10 =	vsel vm12, $0x1380, v10;
	v21 =	vsel vm14, $0x981, v21;
	v20 =	vsel vm15, $0x782, v20  }
0x133: {  	s30 =	simm.s32 $0x12700;
	[tilespmem:$0x15B60] =	vst v0;
	v11 =	vsel vm12, $0x1580, v11;
	v22 =	vsel vm14, $0xB81, v22;
	v21 =	vsel vm15, $0x982, v21  }
0x134: {  	v12 =	vsel vm12, $0x1780, v12;
	v23 =	vsel vm14, $0xD81, v23;
	v22 =	vsel vm15, $0xB82, v22;
	[tilespmem:v52+s30+$0x0] =	vst.idx.msk $0xffff, v0  }
0x135: {  	v24 =	vsel vm14, $0xF81, v24;
	v25 =	vsel vm12, $0x1180, v25;
	v23 =	vsel vm15, $0xD82, v23;
	[tilespmem:v17+s30+$0x0] =	vst.idx.msk $0xffff, v0  }
0x136: {  	v13 =	vsel vm12, $0x1980, v13;
	v24 =	vsel vm15, $0xF82, v24;
	v25 =	vsel vm14, $0x1181, v25;
	[tilespmem:v19+s30+$0x0] =	vst.idx.msk $0xffff, v0  }
0x137: {  	v14 =	vsel vm12, $0x1B80, v14;
	v10 =	vsel vm14, $0x1381, v10;
	v25 =	vsel vm15, $0x1182, v25;
	[tilespmem:v20+s30+$0x0] =	vst.idx.msk $0xffff, v0  }
0x138: {  	v15 =	vsel vm12, $0x1D80, v15;
	v11 =	vsel vm14, $0x1581, v11;
	v10 =	vsel vm15, $0x1382, v10;
	[tilespmem:v21+s30+$0x0] =	vst.idx.msk $0xffff, v0  }
0x139: {  	v16 =	vsel vm12, $0x1F80, v16;
	v12 =	vsel vm14, $0x1781, v12;
	v11 =	vsel vm15, $0x1582, v11;
	[tilespmem:v22+s30+$0x0] =	vst.idx.msk $0xffff, v0  }
0x13a: {  	v9 =	vsel vm12, $0x2180, v9;
	v13 =	vsel vm14, $0x1981, v13;
	v12 =	vsel vm15, $0x1782, v12;
	[tilespmem:v23+s30+$0x0] =	vst.idx.msk $0xffff, v0  }
0x13b: {  	v8 =	vsel vm12, $0x2380, v8;
	v14 =	vsel vm14, $0x1B81, v14;
	v13 =	vsel vm15, $0x1982, v13;
	[tilespmem:v24+s30+$0x0] =	vst.idx.msk $0xffff, v0  }
0x13c: {  	v7 =	vsel vm12, $0x2580, v7;
	v15 =	vsel vm14, $0x1D81, v15;
	v14 =	vsel vm15, $0x1B82, v14;
	[tilespmem:v25+s30+$0x0] =	vst.idx.msk $0xffff, v0  }
0x13d: {  	v6 =	vsel vm12, $0x2780, v6;
	v16 =	vsel vm14, $0x1F81, v16;
	v15 =	vsel vm15, $0x1D82, v15;
	[tilespmem:v10+s30+$0x0] =	vst.idx.msk $0xffff, v0  }
0x13e: {  	v5 =	vsel vm12, $0x2980, v5;
	v9 =	vsel vm14, $0x2181, v9;
	v16 =	vsel vm15, $0x1F82, v16;
	[tilespmem:v11+s30+$0x0] =	vst.idx.msk $0xffff, v0  }
0x13f: {  	v4 =	vsel vm12, $0x2B80, v4;
	v8 =	vsel vm14, $0x2381, v8;
	v9 =	vsel vm15, $0x2182, v9;
	[tilespmem:v12+s30+$0x0] =	vst.idx.msk $0xffff, v0  }
0x140: {  	v1 =	vsel vm1, $0x3101, v1;
	v7 =	vsel vm14, $0x2581, v7;
	v8 =	vsel vm15, $0x2382, v8;
	[tilespmem:v13+s30+$0x0] =	vst.idx.msk $0xffff, v0  }
0x141: {  	v3 =	vsel vm12, $0x2D80, v3;
	v6 =	vsel vm14, $0x2781, v6;
	v7 =	vsel vm15, $0x2582, v7;
	[tilespmem:v14+s30+$0x0] =	vst.idx.msk $0xffff, v0  }
0x142: {  	v2 =	vsel vm12, $0x2F80, v2;
	v5 =	vsel vm14, $0x2981, v5;
	v6 =	vsel vm15, $0x2782, v6;
	[tilespmem:v15+s30+$0x0] =	vst.idx.msk $0xffff, v0  }
0x143: {  	v4 =	vsel vm14, $0x2B81, v4;
	v1 =	vsel vm2, $0x3102, v1;
	v5 =	vsel vm15, $0x2982, v5;
	[tilespmem:v16+s30+$0x0] =	vst.idx.msk $0xffff, v0  }
0x144: {  	v3 =	vsel vm14, $0x2D81, v3;
	v4 =	vsel vm15, $0x2B82, v4;
	v1 =	vsel vm3, $0x3103, v1;
	[tilespmem:v9+s30+$0x0] =	vst.idx.msk $0xffff, v0  }
0x145: {  	v2 =	vsel vm14, $0x2F81, v2;
	v3 =	vsel vm15, $0x2D82, v3;
	v1 =	vsel vm12, $0x3180, v1;
	[tilespmem:v8+s30+$0x0] =	vst.idx.msk $0xffff, v0  }
0x146: {  	v2 =	vsel vm15, $0x2F82, v2;
	v1 =	vsel vm14, $0x3181, v1;
	[tilespmem:v7+s30+$0x0] =	vst.idx.msk $0xffff, v0  }
0x147: {  	v1 =	vsel vm15, $0x3182, v1;
	[tilespmem:v6+s30+$0x0] =	vst.idx.msk $0xffff, v0  }
0x148: {  	[tilespmem:v5+s30+$0x0] =	vst.idx.msk $0xffff, v0  }
0x149: {  	[tilespmem:v4+s30+$0x0] =	vst.idx.msk $0xffff, v0  }
0x14a: {  	[tilespmem:v3+s30+$0x0] =	vst.idx.msk $0xffff, v0  }
0x14b: {  	[tilespmem:v2+s30+$0x0] =	vst.idx.msk $0xffff, v0  }
0x14c: {  	s31 =	sand.u32 $0xFF0, s6;
	[tilespmem:v1+s30+$0x0] =	vst.idx.msk $0xffff, v0  }
0x14d: {  	v0 =	vld [tilespmem:s31+$0xA00]  }
0x14e: {  	v1 =	vld [tilespmem:s6+$0x0]  }
0x14f: {  	v2 =	vld [tilespmem:s31+$0x1400]  }
0x150: {  	v3 =	vld [tilespmem:s31+$0x1E00]  }
0x151: {  	v4 =	vld [tilespmem:s31+$0x2800]  }
0x152: {  	v5 =	vld [tilespmem:s31+$0x3200]  }
0x153: {  	v0 =	vmax.f32 v1, v0;
	v1 =	vld [tilespmem:s31+$0x3C00]  }
0x154: {  	v0 =	vmax.f32 v0, v2;
	v2 =	vld [tilespmem:s31+$0x4600]  }
0x155: {  	v0 =	vmax.f32 v0, v3;
	v3 =	vld [tilespmem:s31+$0x5000]  }
0x156: {  	v60 =	vld [tilespmem:s31+$0x5A00];
	v0 =	vmax.f32 v0, v4  }
0x157: {  	v61 =	vld [tilespmem:s31+$0x6400];
	v0 =	vmax.f32 v0, v5  }
0x158: {  	v0 =	vmax.f32 v0, v1;
	v1 =	vld [tilespmem:s31+$0x6E00]  }
0x159: {  	v0 =	vmax.f32 v0, v2;
	v2 =	vld [tilespmem:s31+$0x7800]  }
0x15a: {  	v0 =	vmax.f32 v0, v3;
	v3 =	vld [tilespmem:s31+$0x8200]  }
0x15b: {  	v62 =	vld [tilespmem:s31+$0x8C00];
	v0 =	vmax.f32 v0, v60  }
0x15c: {  	v63 =	vld [tilespmem:s31+$0x9600];
	v0 =	vmax.f32 v0, v61  }
0x15d: {  	v0 =	vmax.f32 v0, v1  }
0x15e: {  	v0 =	vmax.f32 v0, v2  }
0x15f: {  	v0 =	vmax.f32 v0, v3  }
0x160: {  	v0 =	vmax.f32 v0, v62  }
0x161: {  	s5 =	simm.s32 $0x11800;
	s7 =	simm.s32 $0x10;
	v0 =	vmax.f32 v0, v63  }
0x162: {  	s6 =	sand.u32 $0xFF0, s7;
	[tilespmem:s5+$0x0] =	vst v0  }
0x163: {  	s8 =	simm.s32 $0x20;
	v0 =	vld [tilespmem:s6+$0xA00]  }
.LBB2_4:
0x164: {  	p0 =	sne.s32 s8, $0x9F0;
	v1 =	vld [tilespmem:s7+$0x0]  }
0x165: {  	v2 =	vld [tilespmem:s6+$0x1400]  }
0x166: {  	v3 =	vld [tilespmem:s6+$0x1E00]  }
0x167: {  	v4 =	vld [tilespmem:s6+$0x2800]  }
0x168: {  	v5 =	vld [tilespmem:s6+$0x3200]  }
0x169: {  	v0 =	vmax.f32 v1, v0;
	v1 =	vld [tilespmem:s6+$0x3C00]  }
0x16a: {  	v0 =	vmax.f32 v0, v2;
	v2 =	vld [tilespmem:s6+$0x4600]  }
0x16b: {  	v0 =	vmax.f32 v0, v3;
	v3 =	vld [tilespmem:s6+$0x5000]  }
0x16c: {  	v0 =	vmax.f32 v0, v4;
	v4 =	vld [tilespmem:s6+$0x5A00]  }
0x16d: {  	v0 =	vmax.f32 v0, v5;
	v5 =	vld [tilespmem:s6+$0x6400]  }
0x16e: {  	v0 =	vmax.f32 v0, v1;
	v1 =	vld [tilespmem:s6+$0x6E00]  }
0x16f: {  	v0 =	vmax.f32 v0, v2;
	v2 =	vld [tilespmem:s6+$0x7800]  }
0x170: {  	v0 =	vmax.f32 v0, v3;
	v3 =	vld [tilespmem:s6+$0x8200]  }
0x171: {  	v0 =	vmax.f32 v0, v4;
	v4 =	vld [tilespmem:s6+$0x8C00]  }
0x172: {  	v0 =	vmax.f32 v0, v5;
	v5 =	vld [tilespmem:s6+$0x9600]  }
0x173: {  	v0 =	vmax.f32 v0, v1  }
0x174: {  	v0 =	vmax.f32 v0, v2  }
.Ltmp1:
0x175: {  	v0 =	vmax.f32 v0, v3;
	(pc) =	sbr.rel @p0 .LBB2_4-.Ltmp1, $4  }
0x176: {  	v0 =	vmax.f32 v0, v4  }
0x177: {  	s5 =	sadd.s32 $0x10, s5;
	v0 =	vmax.f32 v0, v5  }
0x178: {  	s6 =	sand.u32 $0xFF0, s8;
	[tilespmem:s5+$0x0] =	vst v0  }
0x179: {  	s7 =	sadd.s32 $0x10, s7;
	s8 =	sadd.s32 $0x10, s8;
	v0 =	vld [tilespmem:s6+$0xA00]  }
0x17a: {  	v1 =	vld [tilespmem:s7+$0x0]  }
0x17b: {  	v2 =	vld [tilespmem:s6+$0x1400]  }
0x17c: {  	v3 =	vld [tilespmem:s6+$0x1E00]  }
0x17d: {  	v4 =	vld [tilespmem:s6+$0x2800]  }
0x17e: {  	v5 =	vld [tilespmem:s6+$0x3200]  }
0x17f: {  	v14 =	vld [tilespmem:s6+$0x3C00];
	v0 =	vmax.f32 v1, v0  }
0x180: {  	v15 =	vld [tilespmem:s6+$0x4600];
	v0 =	vmax.f32 v0, v2  }
0x181: {  	v16 =	vld [tilespmem:s6+$0x5000];
	v0 =	vmax.f32 v0, v3  }
0x182: {  	v17 =	vld [tilespmem:s6+$0x5A00];
	v0 =	vmax.f32 v0, v4  }
0x183: {  	v18 =	vld [tilespmem:s6+$0x6400];
	v0 =	vmax.f32 v0, v5  }
0x184: {  	v19 =	vld [tilespmem:s6+$0x6E00];
	v0 =	vmax.f32 v0, v14  }
0x185: {  	v20 =	vld [tilespmem:s6+$0x7800];
	v0 =	vmax.f32 v0, v15  }
0x186: {  	v21 =	vld [tilespmem:s6+$0x8200];
	v0 =	vmax.f32 v0, v16  }
0x187: {  	v22 =	vld [tilespmem:s6+$0x8C00];
	v0 =	vmax.f32 v0, v17  }
0x188: {  	v23 =	vld [tilespmem:s6+$0x9600];
	v0 =	vmax.f32 v0, v18  }
0x189: {  	v0 =	vmax.f32 v0, v19  }
0x18a: {  	v0 =	vmax.f32 v0, v20  }
0x18b: {  	v0 =	vmax.f32 v0, v21  }
0x18c: {  	v0 =	vmax.f32 v0, v22  }
0x18d: {  	s5 =	sadd.s32 $0x10, s5;
	v0 =	vmax.f32 v0, v23  }
0x18e: {  	[tilespmem:s5+$0x0] =	vst v0  }
0x18f: {  	v4 =	vld [tilespmem:$0x11800]  }
0x190: {  	v28 =	vld [tilespmem:$0x118A0]  }
0x191: {  	v31 =	vld [tilespmem:$0x11940]  }
0x192: {  	v53 =	vld [tilespmem:$0x119E0]  }
0x193: {  	v47 =	vld [tilespmem:$0x11A80]  }
0x194: {  	v43 =	vld [tilespmem:$0x11B20]  }
0x195: {  	v41 =	vld [tilespmem:$0x11BC0]  }
0x196: {  	v37 =	vld [tilespmem:$0x11C60]  }
0x197: {  	v48 =	vld [tilespmem:$0x11D00]  }
0x198: {  	v54 =	vld [tilespmem:$0x11DA0]  }
0x199: {  	v52 =	vld [tilespmem:$0x11E40]  }
0x19a: {  	v59 =	vld [tilespmem:$0x11EE0]  }
0x19b: {  	v60 =	vld [tilespmem:$0x11F80]  }
0x19c: {  	v61 =	vld [tilespmem:$0x12020]  }
0x19d: {  	v62 =	vld [tilespmem:$0x120C0]  }
0x19e: {  	v63 =	vld [tilespmem:$0x12160]  }
0x19f: {  	v19 =	vld [tilespmem:$0x11810]  }
0x1a0: {  	v15 =	vld [tilespmem:$0x118B0]  }
0x1a1: {  	v21 =	vld [tilespmem:$0x11950]  }
0x1a2: {  	v25 =	vld [tilespmem:$0x119F0]  }
0x1a3: {  	v32 =	vld [tilespmem:$0x11A90]  }
0x1a4: {  	v46 =	vld [tilespmem:$0x11B30]  }
0x1a5: {  	v57 =	vld [tilespmem:$0x11BD0]  }
0x1a6: {  	v0 =	vld [tilespmem:$0x11C70]  }
0x1a7: {  	v24 =	vld [tilespmem:$0x11D10]  }
0x1a8: {  	v26 =	vld [tilespmem:$0x11DB0]  }
0x1a9: {  	v27 =	vld [tilespmem:$0x11E50]  }
0x1aa: {  	v29 =	vld [tilespmem:$0x11EF0]  }
0x1ab: {  	v30 =	vld [tilespmem:$0x11F90]  }
0x1ac: {  	v33 =	vld [tilespmem:$0x12030]  }
0x1ad: {  	v34 =	vld [tilespmem:$0x120D0]  }
0x1ae: {  	v35 =	vld [tilespmem:$0x12170]  }
0x1af: {  	v49 =	vld [tilespmem:$0x11820]  }
0x1b0: {  	v44 =	vld [tilespmem:$0x118C0]  }
0x1b1: {  	v3 =	vld [tilespmem:$0x11960]  }
0x1b2: {  	v7 =	vld [tilespmem:$0x11A00]  }
0x1b3: {  	v9 =	vld [tilespmem:$0x11AA0]  }
0x1b4: {  	v13 =	vld [tilespmem:$0x11B40]  }
0x1b5: {  	v20 =	vld [tilespmem:$0x11BE0]  }
0x1b6: {  	v39 =	vld [tilespmem:$0x11D20]  }
0x1b7: {  	v51 =	vld [tilespmem:$0x11DC0]  }
0x1b8: {  	v36 =	vld [tilespmem:$0x11E60]  }
0x1b9: {  	v38 =	vld [tilespmem:$0x11F00]  }
0x1ba: {  	v40 =	vld [tilespmem:$0x11FA0]  }
0x1bb: {  	v42 =	vld [tilespmem:$0x12040]  }
0x1bc: {  	v45 =	vld [tilespmem:$0x120E0]  }
0x1bd: {  	v50 =	vld [tilespmem:$0x12180]  }
0x1be: {  	v5 =	vld [tilespmem:$0x11BF0]  }
0x1bf: {  	v8 =	vld [tilespmem:$0x11C90]  }
0x1c0: {  	v11 =	vld [tilespmem:$0x11D30]  }
0x1c1: {  	v16 =	vld [tilespmem:$0x11DD0]  }
0x1c2: {  	v23 =	vld [tilespmem:$0x11E70]  }
0x1c3: {  	v56 =	vld [tilespmem:$0x12050]  }
0x1c4: {  	v55 =	vld [tilespmem:$0x120F0]  }
0x1c5: {  	v58 =	vld [tilespmem:$0x12190]  }
0x1c6: {  	v6 =	vld [tilespmem:$0x11980]  }
0x1c7: {  	v10 =	vld [tilespmem:$0x11A20]  }
0x1c8: {  	v12 =	vld [tilespmem:$0x11AC0]  }
0x1c9: {  	v14 =	vld [tilespmem:$0x11B60]  }
0x1ca: {  	v17 =	vld [tilespmem:$0x11C00]  }
0x1cb: {  	v18 =	vld [tilespmem:$0x11CA0]  }
0x1cc: {  	v22 =	vld [tilespmem:$0x11D40]  }
0x1cd: {  	v2 =	vld [tilespmem:$0x11860]  }
0x1ce: {  	v1 =	vld [tilespmem:$0x11900]  }
0x1cf: {  	[tilespmem:$0x1FDA0] =	vst v27;
	v27 =	vld [tilespmem:$0x11C80]  }
0x1d0: {  	[tilespmem:$0x1FDE0] =	vst v38;
	v38 =	vld [tilespmem:$0x11830]  }
0x1d1: {  	[tilespmem:$0x1FDC0] =	vst v36;
	v36 =	vld [tilespmem:$0x118D0]  }
0x1d2: {  	[tilespmem:$0x1FE30] =	vst v35;
	v35 =	vld [tilespmem:$0x11970]  }
0x1d3: {  	[tilespmem:$0x1FE10] =	vst v34;
	v34 =	vld [tilespmem:$0x11A10]  }
0x1d4: {  	[tilespmem:$0x1FDF0] =	vst v33;
	v33 =	vld [tilespmem:$0x11AB0]  }
0x1d5: {  	[tilespmem:$0x1FD70] =	vst v0;
	v0 =	vld [tilespmem:$0x11B50]  }
0x1d6: {  	[tilespmem:$0x1FDB0] =	vst v29;
	v29 =	vld [tilespmem:$0x11F10]  }
0x1d7: {  	[tilespmem:$0x1FE20] =	vst v42;
	v42 =	vld [tilespmem:$0x11FB0]  }
0x1d8: {  	[tilespmem:$0x1FE70] =	vst v58;
	v58 =	vld [tilespmem:$0x11840]  }
0x1d9: {  	[tilespmem:$0x1FE60] =	vst v55;
	v55 =	vld [tilespmem:$0x118E0]  }
0x1da: {  	[tilespmem:$0x1FD80] =	vst v24;
	v24 =	vld [tilespmem:$0x11DE0]  }
0x1db: {  	[tilespmem:$0x1FD90] =	vst v26;
	v26 =	vld [tilespmem:$0x11E80]  }
0x1dc: {  	[tilespmem:$0x1FDD0] =	vst v30;
	v30 =	vld [tilespmem:$0x11F20]  }
0x1dd: {  	[tilespmem:$0x1FE00] =	vst v40;
	v40 =	vld [tilespmem:$0x11FC0]  }
0x1de: {  	[tilespmem:$0x1FE40] =	vst v45;
	v45 =	vld [tilespmem:$0x12060]  }
0x1df: {  	[tilespmem:$0x1FE50] =	vst v50;
	v50 =	vld [tilespmem:$0x12100]  }
0x1e0: {  	[tilespmem:$0x1FE80] =	vst v6;
	v6 =	vld [tilespmem:$0x121A0]  }
0x1e1: {  	[tilespmem:$0x1FED0] =	vst v18;
	v18 =	vld [tilespmem:$0x11850]  }
0x1e2: {  	[tilespmem:$0x1FEB0] =	vst v14;
	v14 =	vld [tilespmem:$0x118F0]  }
0x1e3: {  	[tilespmem:$0x1FEF0] =	vst v22;
	v22 =	vld [tilespmem:$0x11990]  }
0x1e4: {  	[tilespmem:$0x1FE90] =	vst v10;
	v10 =	vld [tilespmem:$0x11C10]  }
0x1e5: {  	[tilespmem:$0x1FEA0] =	vst v12;
	v12 =	vld [tilespmem:$0x11CB0]  }
0x1e6: {  	[tilespmem:$0x1FEC0] =	vst v17;
	v17 =	vld [tilespmem:$0x11D50]  }
0x1e7: {  	v4 =	vmax.f32 v4, v28;
	v28 =	vld [tilespmem:$0x11E00]  }
0x1e8: {  	v15 =	vmax.f32 v19, v15;
	v19 =	vld [tilespmem:$0x11D70]  }
0x1e9: {  	v1 =	vmax.f32 v2, v1;
	v2 =	vld [tilespmem:$0x11CE0]  }
0x1ea: {  	v4 =	vmax.f32 v4, v31;
	v31 =	vld [tilespmem:$0x11EA0]  }
0x1eb: {  	v4 =	vmax.f32 v4, v53;
	v53 =	vld [tilespmem:$0x11F40]  }
0x1ec: {  	v4 =	vmax.f32 v4, v47;
	v47 =	vld [tilespmem:$0x11FE0]  }
0x1ed: {  	v4 =	vmax.f32 v4, v43;
	v43 =	vld [tilespmem:$0x12080]  }
0x1ee: {  	[tilespmem:$0x1FF30] =	vst v26;
	v26 =	vld [tilespmem:$0x11A30]  }
0x1ef: {  	[tilespmem:$0x1FF70] =	vst v40;
	v40 =	vld [tilespmem:$0x11AD0]  }
0x1f0: {  	[tilespmem:$0x1FFB0] =	vst v50;
	v50 =	vld [tilespmem:$0x11B70]  }
0x1f1: {  	[tilespmem:$0x1FF10] =	vst v24;
	v24 =	vld [tilespmem:$0x11DF0]  }
0x1f2: {  	[tilespmem:$0x1FF50] =	vst v30;
	v30 =	vld [tilespmem:$0x11E90]  }
0x1f3: {  	[tilespmem:$0x1FF90] =	vst v45;
	v45 =	vld [tilespmem:$0x11F30]  }
0x1f4: {  	[tilespmem:$0x1FFD0] =	vst v6;
	v6 =	vld [tilespmem:$0x11FD0]  }
0x1f5: {  	[tilespmem:$0x1FEE0] =	vst v10;
	v10 =	vld [tilespmem:$0x12070]  }
0x1f6: {  	[tilespmem:$0x1FF00] =	vst v12;
	v12 =	vld [tilespmem:$0x12110]  }
0x1f7: {  	[tilespmem:$0x1FF20] =	vst v17;
	v17 =	vld [tilespmem:$0x121B0]  }
0x1f8: {  	v4 =	vmax.f32 v4, v41;
	v41 =	vld [tilespmem:$0x12120]  }
0x1f9: {  	v14 =	vmax.f32 v18, v14;
	v18 =	vld [tilespmem:$0x11C40]  }
0x1fa: {  	v58 =	vmax.f32 v58, v55;
	v55 =	vld [tilespmem:$0x1FEF0]  }
0x1fb: {  	v4 =	vmax.f32 v4, v37;
	v37 =	vld [tilespmem:$0x121C0]  }
0x1fc: {  	v14 =	vmax.f32 v14, v22;
	v22 =	vld [tilespmem:$0x12000]  }
0x1fd: {  	v4 =	vmax.f32 v4, v48;
	v48 =	vld [tilespmem:$0x11870]  }
0x1fe: {  	v4 =	vmax.f32 v4, v54;
	v54 =	vld [tilespmem:$0x11910]  }
0x1ff: {  	v4 =	vmax.f32 v4, v52;
	v52 =	vld [tilespmem:$0x119B0]  }
0x200: {  	[tilespmem:$0x1FFA0] =	vst v6;
	v6 =	vld [tilespmem:$0x119A0]  }
0x201: {  	[tilespmem:$0x1FFC0] =	vst v10;
	v10 =	vld [tilespmem:$0x11A40]  }
0x202: {  	[tilespmem:$0x1FFE0] =	vst v12;
	v12 =	vld [tilespmem:$0x11AE0]  }
0x203: {  	[tilespmem:$0x1FFF0] =	vst v17;
	v17 =	vld [tilespmem:$0x11B80]  }
0x204: {  	[tilespmem:$0x1FF40] =	vst v24;
	v24 =	vld [tilespmem:$0x11C20]  }
0x205: {  	[tilespmem:$0x1FF60] =	vst v30;
	v30 =	vld [tilespmem:$0x11CC0]  }
0x206: {  	[tilespmem:$0x1FF80] =	vst v45;
	v45 =	vld [tilespmem:$0x11D60]  }
0x207: {  	v4 =	vmax.f32 v4, v59;
	v59 =	vld [tilespmem:$0x11A50]  }
0x208: {  	v14 =	vmax.f32 v14, v26;
	v26 =	vld [tilespmem:$0x12140]  }
0x209: {  	v4 =	vmax.f32 v4, v60;
	v60 =	vld [tilespmem:$0x11AF0]  }
0x20a: {  	v14 =	vmax.f32 v14, v40;
	v40 =	vld [tilespmem:$0x1FF90]  }
0x20b: {  	v4 =	vmax.f32 v4, v61;
	v61 =	vld [tilespmem:$0x11B90]  }
0x20c: {  	v14 =	vmax.f32 v14, v50;
	v50 =	vld [tilespmem:$0x1FED0]  }
0x20d: {  	v4 =	vmax.f32 v4, v62;
	v62 =	vld [tilespmem:$0x11C30]  }
0x20e: {  	v63 =	vmax.f32 v4, v63;
	v4 =	vmax.f32 v15, v21;
	v15 =	vld [tilespmem:$0x11CD0]  }
0x20f: {  	v21 =	vmax.f32 v49, v44;
	v44 =	vld [tilespmem:$0x1FD80]  }
0x210: {  	v4 =	vmax.f32 v4, v25;
	v25 =	vmax.f32 v38, v36;
	v36 =	vld [tilespmem:$0x11E10]  }
0x211: {  	v3 =	vmax.f32 v21, v3;
	v21 =	vld [tilespmem:$0x11F50]  }
0x212: {  	v38 =	vld [tilespmem:$0x1FD70]  }
0x213: {  	v1 =	vmax.f32 v1, v6;
	v6 =	vld [tilespmem:$0x11D80]  }
0x214: {  	v35 =	vmax.f32 v25, v35;
	v25 =	vld [tilespmem:$0x11EB0]  }
0x215: {  	v4 =	vmax.f32 v4, v32;
	v32 =	vld [tilespmem:$0x1FDD0]  }
0x216: {  	v1 =	vmax.f32 v1, v10;
	v10 =	vld [tilespmem:$0x11E20]  }
0x217: {  	v4 =	vmax.f32 v4, v46;
	v46 =	vld [tilespmem:$0x1FD90]  }
0x218: {  	v3 =	vmax.f32 v3, v7;
	v7 =	vmax.f32 v35, v34;
	v34 =	vld [tilespmem:$0x1FDF0]  }
0x219: {  	v35 =	vld [tilespmem:$0x1FE00]  }
0x21a: {  	v3 =	vmax.f32 v3, v9;
	v1 =	vmax.f32 v1, v12;
	v12 =	vld [tilespmem:$0x11EC0]  }
0x21b: {  	v3 =	vmax.f32 v3, v13;
	v13 =	vld [tilespmem:$0x11FF0]  }
0x21c: {  	v4 =	vmax.f32 v4, v57;
	v57 =	vld [tilespmem:$0x1FDA0]  }
0x21d: {  	v7 =	vmax.f32 v7, v33;
	v33 =	vld [tilespmem:$0x1FDE0]  }
0x21e: {  	v1 =	vmax.f32 v1, v17;
	v17 =	vld [tilespmem:$0x11F60]  }
0x21f: {  	v3 =	vmax.f32 v3, v20;
	v20 =	vld [tilespmem:$0x1FDB0]  }
0x220: {  	v0 =	vmax.f32 v7, v0;
	v1 =	vmax.f32 v1, v24;
	v24 =	vld [tilespmem:$0x120A0]  }
0x221: {  	v5 =	vmax.f32 v0, v5;
	v0 =	vld [tilespmem:$0x12090]  }
0x222: {  	v3 =	vmax.f32 v3, v27;
	v27 =	vld [tilespmem:$0x1FDC0]  }
0x223: {  	v4 =	vmax.f32 v4, v38;
	v38 =	vld [tilespmem:$0x1FE10]  }
0x224: {  	v1 =	vmax.f32 v1, v30;
	v30 =	vld [tilespmem:$0x1FF30]  }
0x225: {  	v49 =	vmax.f32 v5, v8;
	v5 =	vld [tilespmem:$0x12130]  }
0x226: {  	v3 =	vmax.f32 v3, v39;
	v39 =	vld [tilespmem:$0x1FE20]  }
0x227: {  	v1 =	vmax.f32 v1, v45;
	v45 =	vld [tilespmem:$0x1FFB0]  }
0x228: {  	v4 =	vmax.f32 v4, v44;
	v7 =	vmax.f32 v49, v11;
	v11 =	vld [tilespmem:$0x11880]  }
0x229: {  	v4 =	vmax.f32 v4, v46;
	v46 =	vld [tilespmem:$0x1FE30]  }
0x22a: {  	v49 =	vld [tilespmem:$0x1FE40]  }
0x22b: {  	v1 =	vmax.f32 v1, v28;
	v28 =	vld [tilespmem:$0x121E0]  }
0x22c: {  	v8 =	vmax.f32 v4, v57;
	v4 =	vld [tilespmem:$0x121D0]  }
0x22d: {  	v7 =	vmax.f32 v7, v16;
	v16 =	vld [tilespmem:$0x11920]  }
0x22e: {  	v57 =	vld [tilespmem:$0x1FE60]  }
0x22f: {  	v8 =	vmax.f32 v8, v20;
	v20 =	vld [tilespmem:$0x119C0]  }
0x230: {  	v1 =	vmax.f32 v1, v31;
	v7 =	vmax.f32 v7, v23;
	v23 =	vld [tilespmem:$0x11A60]  }
0x231: {  	v3 =	vmax.f32 v3, v51;
	v1 =	vmax.f32 v1, v53;
	v53 =	vld [tilespmem:$0x1FFF0]  }
0x232: {  	v3 =	vmax.f32 v3, v27;
	v27 =	vld [tilespmem:$0x11B00]  }
0x233: {  	v7 =	vmax.f32 v7, v29;
	v29 =	vld [tilespmem:$0x11BA0]  }
0x234: {  	v8 =	vmax.f32 v8, v32;
	v32 =	vld [tilespmem:$0x1FF40]  }
0x235: {  	v1 =	vmax.f32 v1, v47;
	v47 =	vld [tilespmem:$0x119D0]  }
0x236: {  	v44 =	vmax.f32 v7, v42;
	v42 =	vld [tilespmem:$0x1FE90]  }
0x237: {  	v3 =	vmax.f32 v3, v33;
	v33 =	vld [tilespmem:$0x1FF50]  }
0x238: {  	v8 =	vmax.f32 v8, v34;
	v34 =	vld [tilespmem:$0x1FF60]  }
0x239: {  	v51 =	vmax.f32 v44, v56;
	v56 =	vld [tilespmem:$0x1FE50]  }
0x23a: {  	v8 =	vmax.f32 v8, v38;
	v38 =	vld [tilespmem:$0x1FE70]  }
0x23b: {  	v44 =	vld [tilespmem:$0x1FEA0]  }
0x23c: {  	v3 =	vmax.f32 v3, v35;
	v35 =	vld [tilespmem:$0x1FF70]  }
0x23d: {  	v3 =	vmax.f32 v3, v39;
	v39 =	vld [tilespmem:$0x1FE80]  }
0x23e: {  	v7 =	vmax.f32 v8, v46;
	v46 =	vld [tilespmem:$0x1FEB0]  }
0x23f: {  	v3 =	vmax.f32 v3, v49;
	v49 =	vld [tilespmem:$0x1FEC0]  }
0x240: {  	v9 =	vmax.f32 v3, v56;
	v3 =	vmax.f32 v51, v57;
	v51 =	vld [tilespmem:$0x1FEE0]  }
0x241: {  	v11 =	vmax.f32 v11, v16;
	v56 =	vld [tilespmem:$0x1FF00]  }
0x242: {  	v11 =	vmax.f32 v11, v20;
	v57 =	vld [tilespmem:$0x1FF10]  }
0x243: {  	v11 =	vmax.f32 v11, v23;
	v8 =	vmax.f32 v58, v39;
	v58 =	vld [tilespmem:$0x1FF20]  }
0x244: {  	v11 =	vmax.f32 v11, v27;
	v3 =	vmax.f32 v3, v38;
	v38 =	vld [tilespmem:$0x1FF80]  }
0x245: {  	v11 =	vmax.f32 v11, v29;
	v39 =	vld [tilespmem:$0x11890]  }
0x246: {  	v54 =	vmax.f32 v48, v54;
	v11 =	vmax.f32 v11, v18;
	v8 =	vmax.f32 v8, v42;
	v42 =	vld [tilespmem:$0x1FFA0]  }
0x247: {  	v1 =	vmax.f32 v1, v43;
	v2 =	vmax.f32 v11, v2;
	v8 =	vmax.f32 v8, v44;
	v44 =	vld [tilespmem:$0x11930]  }
0x248: {  	v1 =	vmax.f32 v1, v41;
	v2 =	vmax.f32 v2, v6;
	v8 =	vmax.f32 v8, v46;
	v46 =	vld [tilespmem:$0x1FFC0]  }
0x249: {  	v2 =	vmax.f32 v2, v10;
	v8 =	vmax.f32 v8, v49;
	v14 =	vmax.f32 v14, v51;
	v49 =	vld [tilespmem:$0x1FFD0]  }
0x24a: {  	v1 =	vmax.f32 v1, v37;
	v51 =	vld [tilespmem:$0x11A70];
	v2 =	vmax.f32 v2, v12;
	v14 =	vmax.f32 v14, v56  }
0x24b: {  	v8 =	vmax.f32 v8, v50;
	v50 =	vld [tilespmem:$0x1FFE0];
	v2 =	vmax.f32 v2, v17;
	v14 =	vmax.f32 v14, v58  }
0x24c: {  	v8 =	vmax.f32 v8, v55;
	v55 =	vld [tilespmem:$0x11B10];
	v2 =	vmax.f32 v2, v22;
	v14 =	vmax.f32 v14, v32  }
0x24d: {  	v56 =	vld [tilespmem:$0x11BB0];
	v8 =	vmax.f32 v8, v57;
	v14 =	vmax.f32 v14, v34;
	v34 =	vmax.f32 v54, v52  }
0x24e: {  	v58 =	vld [tilespmem:$0x11C50];
	v57 =	vmax.f32 v39, v44;
	v8 =	vmax.f32 v8, v30;
	v34 =	vmax.f32 v34, v59  }
0x24f: {  	v20 =	vmax.f32 v57, v47;
	v8 =	vmax.f32 v8, v33;
	v59 =	vmax.f32 v34, v60;
	v60 =	vld [tilespmem:$0x11CF0]  }
0x250: {  	v14 =	vmax.f32 v14, v38;
	v20 =	vmax.f32 v20, v51;
	v31 =	vmax.f32 v59, v61;
	v61 =	vld [tilespmem:$0x11D90]  }
0x251: {  	v33 =	vld [tilespmem:$0x11E30];
	v8 =	vmax.f32 v8, v35;
	v20 =	vmax.f32 v20, v55;
	v31 =	vmax.f32 v31, v62  }
0x252: {  	v14 =	vmax.f32 v14, v42;
	v34 =	vld [tilespmem:$0x11ED0];
	v16 =	vmax.f32 v20, v56;
	v15 =	vmax.f32 v31, v15  }
0x253: {  	v37 =	vld [tilespmem:$0x11F70];
	v8 =	vmax.f32 v8, v40;
	v35 =	vmax.f32 v16, v58;
	v15 =	vmax.f32 v15, v19  }
0x254: {  	(xrf0) =	vmax.scan.msk.f32 $0xffff, v63;
	v39 =	vld [tilespmem:$0x12010];
	v14 =	vmax.f32 v14, v46;
	v15 =	vmax.f32 v15, v36;
	v38 =	vmax.f32 v35, v60  }
0x255: {  	(xrf0) =	vmax.scan.msk.f32 $0xffff, v7;
	v40 =	vld [tilespmem:$0x120B0];
	v8 =	vmax.f32 v8, v45;
	v15 =	vmax.f32 v15, v25;
	v6 =	vmax.f32 v38, v61  }
0x256: {  	v41 =	vld [tilespmem:$0x12150];
	(xrf0) =	vmax.scan.msk.f32 $0xffff, v9;
	v14 =	vmax.f32 v14, v50;
	v15 =	vmax.f32 v15, v21;
	v6 =	vmax.f32 v6, v33  }
0x257: {  	(xrf0) =	vmax.scan.msk.f32 $0xffff, v3;
	v42 =	vld [tilespmem:$0x121F0];
	v8 =	vmax.f32 v8, v49;
	v13 =	vmax.f32 v15, v13;
	v6 =	vmax.f32 v6, v34  }
0x258: {  	v14 =	vmax.f32 v14, v53;
	(xrf0) =	vmax.scan.msk.f32 $0xffff, v8;
	v0 =	vmax.f32 v13, v0;
	v6 =	vmax.f32 v6, v37  }
0x259: {  	v2 =	vmax.f32 v2, v24;
	(xrf0) =	vmax.scan.msk.f32 $0xffff, v14;
	v0 =	vmax.f32 v0, v5;
	v43 =	vmax.f32 v6, v39  }
0x25a: {  	v2 =	vmax.f32 v2, v26;
	v45, _, _ =	vpop (xrf0);
	(xrf0) =	vmax.scan.msk.f32 $0xffff, v1;
	v0 =	vmax.f32 v0, v4;
	v44 =	vmax.f32 v43, v40  }
0x25b: {  	v2 =	vmax.f32 v2, v28;
	v46, _, _ =	vpop (xrf0);
	v5 =	vbroadcast v45, $0xF;
	v4 =	vmax.f32 v44, v41;
	(xrf0) =	vmax.scan.msk.f32 $0xffff, v0  }
0x25c: {  	vm1 =	vmmov $0x1;
	v47, _, _ =	vpop (xrf0);
	v6 =	vbroadcast v46, $0xF;
	v4 =	vmax.f32 v4, v42;
	(xrf0) =	vmax.scan.msk.f32 $0xffff, v2  }
0x25d: {  	v10 =	vbroadcast v47, $0xF;
	v48, _, _ =	vpop (xrf0);
	v5 =	vnsel vm1, $0xFF800000, v5;
	vm1 =	vcmask $0x328;
	(xrf0) =	vmax.scan.msk.f32 $0xffff, v4  }
0x25e: {  	v50 =	vbroadcast v48, $0xF;
	v49, _, _ =	vpop (xrf0);
	v5 =	vsel vm1, v5, v6;
	vm1 =	vcmask $0x728  }
0x25f: {  	v51, _, _ =	vpop (xrf0);
	v52 =	vbroadcast v49, $0xF;
	v5 =	vsel vm1, v5, v10;
	vm1 =	vcmask $0xB28  }
0x260: {  	v53, _, _ =	vpop (xrf0);
	v54 =	vbroadcast v51, $0xF;
	v5 =	vsel vm1, v5, v50;
	vm1 =	vcmask $0xF28  }
0x261: {  	v56 =	vbroadcast v53, $0xF;
	v5 =	vsel vm1, v5, v52;
	vm1 =	vcmask $0x1328;
	v55, _, _ =	vpop (xrf0)  }
0x262: {  	v5 =	vsel vm1, v5, v54;
	vm1 =	vcmask $0x1728;
	v57, _, _ =	vpop (xrf0);
	v58 =	vbroadcast v55, $0xF  }
0x263: {  	v5 =	vsel vm1, v5, v56;
	vm1 =	vcmask $0x1B28;
	v59 =	vbroadcast v57, $0xF;
	v60, _, _ =	vpop (xrf0)  }
0x264: {  	v5 =	vsel vm1, v5, v58;
	vm1 =	vcmask $0x1F28;
	v61 =	vbroadcast v60, $0xF  }
0x265: {  	v5 =	vsel vm1, v5, v59;
	vm1 =	vcmask $0x2328  }
0x266: {  	v5 =	vsel vm1, v5, v61  }
0x267: {  	(xrf0) =	vmax.scan.msk.f32 $0xffff, v5;
	_ =	sdelay $0x5  }
0x268: {  	v62, _, _ =	vpop (xrf0)  }
0x269: {  	(v2sf) =	vpush v62, $0xF;
	_ =	sdelay $0xd  }
0x26a: {  	[tilespmem:$0x12200] =	vst v63  }
0x26b: {  	[tilespmem:$0x12210] =	vst v7;
	s5 =	spop (v2sf)  }
0x26c: {  	[tilespmem:$0x12260] =	vst v1;
	p0 =	slt.f32 s5, $-Inf;
	p1 =	sgt.f32 s5, $-Inf  }
0x26d: {  	[tilespmem:$0x12220] =	vst v9  }
0x26e: {  	[tilespmem:$0x12230] =	vst v3;
	p0 =	por p1, p0  }
0x26f: {  	[tilespmem:$0x12280] =	vst v2;
	p0 =	por !p0, !p0  }
.Ltmp2:
0x270: {  	[tilespmem:$0x12240] =	vst v8;
	(pc) =	sbr.rel @p0 .LBB2_22-.Ltmp2, $4  }
0x271: {  	[tilespmem:$0x12250] =	vst v14  }
0x272: {  	[tilespmem:$0x12270] =	vst v0  }
0x273: {  	[tilespmem:$0x12290] =	vst v4  }
0x274: {  	[tilespmem:$0x12300] =	vst v5  }
.Ltmp3:
0x275: {  	(pc) =	sbr.rel .LBB2_7-.Ltmp3, $4  }
0x276: {  	_ = 	snop  }
0x277: {  	v0 =	vlaneseq.u32;
	v3 =	vimm.s32 $0x1  }
0x278: {  	s6 =	simm.s32 $0x0;
	s7 =	simm.s32 $0x12200;
	s8 =	simm.s32 $0x11800;
	v4 =	vimm.s32 $0x2;
	v5 =	vimm.s32 $0x3;
	v6 =	vimm.f32 $-Inf  }
0x279: {  	s9 =	simm.s32 $0x12680;
	s10 =	simm.s32 $0x1;
	v7 =	vimm.f32 $0.0e+00;
	s11 =	simm.s32 $0x0;
	v1 =	vmul.u32 $0xA0, v0;
	v2 =	vmul.u32 $0xA00, v0  }
.LBB2_9:
0x27a: {  	v30 =	vmov v21;
	vm2 =	vmmov vm0;
	s21 =	simm.s32 $0x124D0  }
.LBB2_20:
0x27b: {  	_ = 	snop  }
0x27c: {  	v30 =	vmax.f32 v30, v11;
	v18 =	vmin.f32 v18, v13;
	v19 =	vmin.f32 v19, v14  }
0x27d: {  	v32 =	vmul.f32 @p0 v33, v32;
	v18 =	vsub.f32 v18, v23;
	v19 =	vsub.f32 v19, v30;
	_ =	sdelay $0x1  }
0x27e: {  	v22 =	vsub.f32 @p0 v22, v32;
	v18 =	vmax.f32 v18, $0.0e+00;
	v19 =	vmax.f32 v19, $0.0e+00  }
0x27f: {  	(erf) = vrcp.f32 @p1 v28;
	v20 =	vadd.f32 v20, v16;
	v18 =	vmul.f32 v19, v18  }
0x280: {  	v22 =	vadd.f32 @p0 $9.999999710e-10, v22  }
0x281: {  	v20 =	vsub.f32 v20, v18  }
0x282: {  	v19 =	vpsel p0, v22, v27  }
0x283: {  	(erf) = vrcp.f32 @p0 v19  }
0x284: {  	vm3 =	vgt.f32 @p3 v31, $5.000000000e-01;
	v22 =	vld @p1 [tilespmem:s25+$0xE0];
	v19 =	vadd.f32 $9.999999710e-10, v20  }
0x285: {  	vm1 =	vmand @p3 vm1, vm3;
	vm3 =	veq.f32 @p2 v29, v17;
	v20 =	vpop @p2 (erf)  }
0x286: {  	v23 =	vmovc @p1 v26;
	vm1 =	vmor @p3 vm2, vm1;
	(erf) = vrcp.f32 v19;
	v20 =	vmul.f32 @p2 v20, v34  }
0x287: {  	v26 =	vmovc @p0 v32;
	v21 =	vpsel p1, v23, v21;
	vm2 =	vmmov @p2 vm3;
	vm3 =	vmmov vm0  }
0x288: {  	s20 =	smov.u32 @p0 s22;
	v23 =	vpsel p0, v26, v24;
	vm3 =	vmmov @p3 vm1;
	v19 =	vpop @p1 (erf);
	v20 =	vpsel p2, v20, v0  }
0x289: {  	v19 =	vmul.f32 @p1 v19, v21;
	v21 =	vpsel p1, v22, v25;
	v22 =	vmovc @p0 v23;
	vm1 =	vgt.f32 @p2 v20, $5.000000000e-01;
	v20 =	vld @p0 [tilespmem:s20+$0xE0]  }
0x28a: {  	vm1 =	vmand @p2 vm2, vm1;
	vm2 =	veq.f32 @p1 v21, v17  }
0x28b: {  	v19 =	vpsel p1, v19, v0;
	v21 =	vpsel p0, v22, v0;
	vm1 =	vmor @p2 vm3, vm1  }
0x28c: {  	v22 =	vpop @p0 (erf);
	vm2 =	vmmov @p1 vm2;
	vm3 =	vmmov vm0;
	vm4 =	vgt.f32 @p1 v19, $5.000000000e-01;
	v19 =	vld [tilespmem:s21+$0xE0]  }
0x28d: {  	v21 =	vmul.f32 @p0 v22, v21;
	vm3 =	vmmov @p2 vm1;
	vm1 =	vmand @p1 vm2, vm4  }
0x28e: {  	vm1 =	vmor @p1 vm3, vm1;
	v20 =	vpsel p0, v20, v0  }
0x28f: {  	vm3 =	vmmov vm0;
	v63 =	vpop (erf);
	vm2 =	veq.f32 @p0 v20, v17;
	v20 =	vpsel p0, v21, v0  }
0x290: {  	v18 =	vmul.f32 v63, v18;
	vm2 =	vmmov @p0 vm2;
	vm4 =	vgt.f32 @p0 v20, $5.000000000e-01  }
0x291: {  	vm3 =	vmmov @p1 vm1;
	vm1 =	vmand @p0 vm2, vm4;
	vm2 =	veq.f32 v19, v17  }
0x292: {  	vm15 =	vgt.f32 v18, $5.000000000e-01;
	vm1 =	vmor @p0 vm3, vm1;
	vm3 =	vmmov vm0  }
0x293: {  	vm3 =	vmmov @p0 vm1;
	vm1 =	vmand vm2, vm15  }
0x294: {  	vm1 =	vmor vm3, vm1  }
0x295: {  	v17 =	vsel vm1, $0x3F800000, v7  }
.LBB2_21:
0x296: {  	v18 =	vmov s19  }
0x297: {  	vm1 =	veq.s32 v18, v0  }
0x298: {  	(xrf0) =	vmax.scan.msk.f32 $0xffff, v17;
	v15 =	vsel vm1, $0xFF800000, v15  }
0x299: {  	(xrf0) =	vmax.scan.msk.f32 $0xffff, v15;
	_ =	sdelay $0x4  }
0x29a: {  	v55, _, _ =	vpop (xrf0)  }
0x29b: {  	v56, _, _ =	vpop (xrf0)  }
0x29c: {  	v57 =	vmov s18;
	v17 =	vbroadcast v56, $0xF  }
0x29d: {  	vm1 =	veq.s32 v57, v0  }
0x29e: {  	v12 =	vsel vm1, v17, v12  }
0x29f: {  	(xrf0) =	vmax.scan.msk.f32 $0xffff, v12;
	_ =	sdelay $0x5  }
0x2a0: {  	v12, _, _ =	vpop (xrf0)  }
0x2a1: {  	v58 =	vmov s16;
	v12 =	vbroadcast v12, $0xF  }
0x2a2: {  	vm1 =	veq.s32 v58, v0  }
0x2a3: {  	v9 =	vsel vm1, v12, v9  }
0x2a4: {  	(xrf0) =	vmax.scan.msk.f32 $0xffff, v9;
	_ =	sdelay $0x5  }
0x2a5: {  	s14 =	sxor.u32 $0x80000000, s14;
	(v2sf) =	vpush v55, $0xF;
	v9, _, _ =	vpop (xrf0)  }
0x2a6: {  	v59 =	vmov s14;
	v9 =	vbroadcast v9, $0xF  }
0x2a7: {  	vm1 =	veq.s32 v59, v0  }
0x2a8: {  	v8 =	vsel vm1, v9, v8  }
0x2a9: {  	(xrf0) =	vmax.scan.msk.f32 $0xffff, v8;
	_ =	sdelay $0x5  }
0x2aa: {  	v60, _, _ =	vpop (xrf0)  }
0x2ab: {  	(v2sf) =	vpush v60, $0xF;
	_ =	sdelay $0x3  }
0x2ac: {  	s31 =	spop (v2sf)  }
0x2ad: {  	p0 =	sgt.f32 s31, $0.0e+00;
	_ =	sdelay $0x1  }
0x2ae: {  	v9 =	vlaneseq.u32 @!p0  }
0x2af: {  	v18 =	vmov @!p0 s11;
	v15 =	vmul.u32 @!p0 $0x70, v9  }
0x2b0: {  	v19 =	vshll.u32 @!p0 v18, $0x7;
	vm1 =	vcmask @!p0 $0x3F14  }
0x2b1: {  	v16 =	vsel @!p0 vm1, s17, v16;
	vm1 =	vcmask @!p0 $0x3F10;
	v15 =	vadd.s32 @!p0 s11, v15  }
0x2b2: {  	v9 =	vor.u32 @!p0 v9, v19;
	v14 =	vsel @!p0 vm1, v16, v14;
	vm1 =	vcmask @!p0 $0x3F0C  }
0x2b3: {  	v13 =	vsel @!p0 vm1, v14, v13;
	vm1 =	vcmask @!p0 $0x3F08  }
0x2b4: {  	v11 =	vsel @!p0 vm1, v13, v11;
	vm1 =	vmmov @!p0 $0x1  }
0x2b5: {  	v13 =	vmov s5;
	s5 =	simm.s32 @!p0 $0x12380;
	v10 =	vsel @!p0 vm1, v10, v11  }
0x2b6: {  	s14 =	simm.s32 @!p0 $0x12700;
	s16 =	scvt.f32.s32 @!p0 s17;
	[tilespmem:v15+s5+$0x0] =	vst.idx.msk @!p0 $0x3f, v10;
	s5 =	spop (v2sf)  }
0x2b7: {  	v62 =	vmov s13;
	s13 =	simm.s32 @!p0 $0x15B00;
	[tilespmem:v9+s14+$0x0] =	vst.idx.msk @!p0 $0xf, v10;
	p1 =	slt.f32 s5, $-Inf;
	p2 =	sgt.f32 s5, $-Inf  }
0x2b8: {  	p3 =	por !p0, !p0;
	[tilespmem:v18+s13+$0x0] =	vst.idx.msk @!p0 $0x1, v13;
	s13 =	simm.s32 $0x1  }
0x2b9: {  	v63 =	vmov s12;
	s12 =	simm.s32 @!p0 $0x15B80;
	v10 =	vmov @!p0 s16;
	s13 =	simm.s32 @!p3 $0x0;
	p6 =	por p2, p1  }
0x2ba: {  	v61 =	vmov s15;
	[tilespmem:v18+s12+$0x0] =	vst.idx.msk @!p0 $0x1, v10;
	s11 =	sadd.s32 s13, s11;
	p0 =	por !p6, !p6  }
0x2bb: {  	p1 =	slt.u32 @!p0 s11, $0x64  }
0x2bc: {  	p0 =	por p0, !p1  }
.Ltmp4:
0x2bd: {  	_ = 	snop;
	(pc) =	sbr.rel @p0 .LBB2_22-.Ltmp4, $4  }
0x2be: {  	[tilespmem:$0x12300] =	vst v8  }
0x2bf: {  	[tilespmem:v61+s6+$0x0] =	vst.idx.msk $0x1, v6  }
0x2c0: {  	[tilespmem:v62+s8+$0x0] =	vst.idx.msk $0x1, v17  }
0x2c1: {  	[tilespmem:v63+s7+$0x0] =	vst.idx.msk $0x1, v12  }
.LBB2_7:
0x2c2: {  	v8 =	vld [tilespmem:$0x12300];
	_ =	sdelay $0x4  }
0x2c3: {  	vm1 =	veq.f32 v8, s5  }
0x2c4: {  	v9 =	vmctz.xlane vm1;
	_ =	sdelay $0x1  }
0x2c5: {  	v9 =	vxor.u32 $0x80000000, v9  }
0x2c6: {  	(xrf0) =	vmax.scan.msk.u32 $0xffff, v9;
	_ =	sdelay $0x5  }
0x2c7: {  	v9, _, _ =	vpop (xrf0)  }
0x2c8: {  	(v2sf) =	vpush v9, $0xF;
	_ =	sdelay $0xe  }
0x2c9: {  	s14 =	spop (v2sf)  }
0x2ca: {  	s12 =	sshll.u32 s14, $0x4  }
0x2cb: {  	v9 =	vor.u32 s12, v0;
	_ =	sdelay $0x4  }
0x2cc: {  	v9 =	vld.idx.msk [tilespmem:v9+s7+$0x0], $0xffff;
	_ =	sdelay $0x4  }
0x2cd: {  	vm1 =	veq.f32 v9, s5  }
0x2ce: {  	v10 =	vmctz.xlane vm1;
	_ =	sdelay $0x1  }
0x2cf: {  	v10 =	vxor.u32 $0x80000000, v10  }
0x2d0: {  	(xrf0) =	vmax.scan.msk.u32 $0xffff, v10;
	_ =	sdelay $0x5  }
0x2d1: {  	v10, _, _ =	vpop (xrf0)  }
0x2d2: {  	(v2sf) =	vpush v10, $0xF;
	_ =	sdelay $0xe  }
0x2d3: {  	s13 =	spop (v2sf)  }
0x2d4: {  	s16 =	sxor.u32 $0x80000000, s13  }
0x2d5: {  	s12 =	sadd.s32 s12, s16  }
0x2d6: {  	v10 =	vadd.s32 s12, v1;
	_ =	sdelay $0x4  }
0x2d7: {  	v12 =	vld.idx.msk [tilespmem:v10+s8+$0x0], $0xffff;
	_ =	sdelay $0x4  }
0x2d8: {  	vm1 =	veq.f32 v12, s5  }
0x2d9: {  	v10 =	vmctz.xlane vm1;
	_ =	sdelay $0x1  }
0x2da: {  	v10 =	vxor.u32 $0x80000000, v10  }
0x2db: {  	(xrf0) =	vmax.scan.msk.u32 $0xffff, v10;
	_ =	sdelay $0x5  }
0x2dc: {  	v10, _, _ =	vpop (xrf0)  }
0x2dd: {  	(v2sf) =	vpush v10, $0xF;
	_ =	sdelay $0xe  }
0x2de: {  	s30 =	spop (v2sf)  }
0x2df: {  	s18 =	sxor.u32 $0x80000000, s30  }
0x2e0: {  	s13 =	smul.u32 $0xA0, s18;
	_ =	sdelay $0x1  }
0x2e1: {  	s13 =	sadd.s32 s12, s13  }
0x2e2: {  	v10 =	vadd.s32 s13, v2;
	_ =	sdelay $0x4  }
0x2e3: {  	v15 =	vld.idx.msk [tilespmem:v10+s6+$0x0], $0xffff;
	_ =	sdelay $0x4  }
0x2e4: {  	vm1 =	veq.f32 v15, s5  }
0x2e5: {  	v10 =	vmctz.xlane vm1;
	_ =	sdelay $0x1  }
0x2e6: {  	v10 =	vxor.u32 $0x80000000, v10  }
0x2e7: {  	(xrf0) =	vmax.scan.msk.u32 $0xffff, v10;
	_ =	sdelay $0x5  }
0x2e8: {  	v10, _, _ =	vpop (xrf0)  }
0x2e9: {  	(v2sf) =	vpush v10, $0xF;
	_ =	sdelay $0xe  }
0x2ea: {  	s15 =	spop (v2sf)  }
0x2eb: {  	s19 =	sxor.u32 $0x80000000, s15  }
0x2ec: {  	s15 =	smul.u32 $0xA00, s19;
	_ =	sdelay $0x1  }
0x2ed: {  	s15 =	sadd.s32 s13, s15  }
0x2ee: {  	s17 =	sshll.u32 s15, $0x5  }
0x2ef: {  	s17 =	sshra.s32 s17, $0x2  }
0x2f0: {  	s17 =	sadd.s32 s17, s3  }
0x2f1: {  	[tilespmem:s9], [sflag:$0x1] =	stream.linear.gather [spmem:s17], $0x10, $0x38;
	[tilespmem:$0x1B608] =	vst v63  }
0x2f2: {  	_ =	swait.ge [sflag:s10], $0x10  }
0x2f3: {  	[sflag:s10] =	ssyncset.done $0x0  }
0x2f4: {  	[sflag:s10] =	ssyncadd.s32 $0xFFFFFFF0  }
0x2f5: {  	v10 =	vld.msk [tilespmem:s9+$0x0], $0xffff  }
0x2f6: {  	v11 =	vld.idx.msk [tilespmem:v3+s9+$0x0], $0xffff  }
0x2f7: {  	v13 =	vld.idx.msk [tilespmem:v4+s9+$0x0], $0xffff  }
0x2f8: {  	s31 =	sadd.s32 $0xF, s11;
	v14 =	vld.idx.msk [tilespmem:v5+s9+$0x0], $0xffff  }
0x2f9: {  	s20 =	sshrl.u32 s31, $0x4  }
0x2fa: {  	p1 =	seq.s32 s20, $0x0  }
.Ltmp5:
0x2fb: {  	_ = 	snop;
	(pc) =	sbr.rel @p1 .LBB2_21-.Ltmp5, $4  }
0x2fc: {  	_ = 	snop  }
0x2fd: {  	v16 =	vsub.f32 v13, v10;
	v17 =	vsub.f32 v14, v11  }
0x2fe: {  	p0 =	slt.s32 s15, $0x5000;
	s17 =	simm.f32 $1.000000000e+00  }
0x2ff: {  	s17 =	simm.s32 @!p0 $0x40000000;
	v16 =	vmul.f32 v17, v16;
	v17 =	vimm.f32 $0.0e+00  }
0x300: {  	s22 =	simm.s32 $0x124D0  }
0x301: {  	v22 =	vld [tilespmem:s22+$0xFFFFFEB0]  }
0x302: {  	p4 =	sne.s32 s20, $0x1;
	v21 =	vld [tilespmem:s22+$0xFFFFFF20]  }
.Ltmp6:
0x303: {  	v18 =	vld [tilespmem:s22+$0xFFFFFF90];
	(pc) =	sbr.rel @!p4 .LBB2_9-.Ltmp6, $3  }
0x304: {  	v19 =	vld [tilespmem:s22+$0x0];
	_ =	sdelay $0x1  }
0x305: {  	s21 =	sadd.s32 $0xFFFFFFFF, s20;
	s20 =	simm.s32 $0x124E0;
	p0 =	por $0x0, $0x0  }
0x306: {  	v17 =	vmov s17;
	p1 =	por $0x0, $0x0;
	p2 =	por $0x0, $0x0;
	p3 =	por $0x0, $0x0;
	v20 =	vld [tilespmem:s22+$0x70];
	v23 =	vmax.f32 v22, v10  }
0x307: {  	v24 =	vld [tilespmem:s20+$0xFFFFFEB0]  }
0x308: {  	v30 =	vld [tilespmem:s20+$0xFFFFFF20];
	p4 =	sne.s32 s21, $0x1  }
.Ltmp7:
0x309: {  	v21 =	vmax.f32 v21, v11;
	v22 =	vmin.f32 v18, v13;
	v18 =	vld [tilespmem:s20+$0xFFFFFF90];
	v19 =	vmin.f32 v19, v14;
	(pc) =	sbr.rel @!p4 .LBB2_11-.Ltmp7, $3  }
0x30a: {  	v25 =	vsub.f32 v22, v23;
	v21 =	vsub.f32 v19, v21;
	v19 =	vld [tilespmem:s20+$0x0];
	_ =	sdelay $0x1  }
0x30b: {  	v32 =	vmax.f32 v25, $0.0e+00  }
0x30c: {  	s23 =	sadd.s32 $0xFFFFFFFF, s21;
	s21 =	simm.s32 $0x124F0;
	p0 =	por $0x1, $0x1;
	v22 =	vadd.f32 v20, v16;
	v20 =	vld [tilespmem:s20+$0x70];
	v33 =	vmax.f32 v21, $0.0e+00;
	v23 =	vmax.f32 v24, v10  }
0x30d: {  	v24 =	vld [tilespmem:s21+$0xFFFFFEB0];
	v21 =	vmul.f32 v33, v32;
	p4 =	sne.s32 s23, $0x1  }
.Ltmp8:
0x30e: {  	v26 =	vmax.f32 v30, v11;
	v27 =	vmin.f32 v18, v13;
	v18 =	vld [tilespmem:s21+$0xFFFFFF90];
	v19 =	vmin.f32 v19, v14;
	(pc) =	sbr.rel @!p4 .LBB2_13-.Ltmp8, $4  }
0x30f: {  	v27 =	vsub.f32 v27, v23;
	v26 =	vsub.f32 v19, v26;
	v19 =	vld [tilespmem:s21+$0x0]  }
0x310: {  	v28 =	vsub.f32 v22, v21  }
0x311: {  	v25 =	vld [tilespmem:s21+$0xFFFFFF20];
	v32 =	vmax.f32 v27, $0.0e+00;
	v22 =	vadd.f32 v20, v16  }
0x312: {  	s24 =	sadd.s32 $0xFFFFFFFF, s23;
	s23 =	simm.s32 $0x12500;
	p1 =	por $0x1, $0x1;
	v28 =	vadd.f32 $9.999999710e-10, v28;
	v20 =	vld [tilespmem:s21+$0x70];
	v33 =	vmax.f32 v26, $0.0e+00;
	v23 =	vmax.f32 v24, v10  }
0x313: {  	v26 =	vld [tilespmem:s23+$0xFFFFFEB0]  }
0x314: {  	v30 =	vld [tilespmem:s23+$0xFFFFFF20];
	p4 =	sne.s32 s24, $0x1  }
.Ltmp9:
0x315: {  	v24 =	vmul.f32 v33, v32;
	v27 =	vmin.f32 v18, v13;
	v18 =	vld [tilespmem:s23+$0xFFFFFF90];
	(pc) =	sbr.rel @!p4 .LBB2_15-.Ltmp9, $4  }
0x316: {  	v29 =	vmin.f32 v19, v14;
	v63 =	vsub.f32 v27, v23;
	v19 =	vld [tilespmem:s23+$0x0];
	v25 =	vmax.f32 v25, v11  }
0x317: {  	v31 =	vsub.f32 v22, v24;
	v29 =	vsub.f32 v29, v25  }
0x318: {  	(erf) = vrcp.f32 v28;
	v32 =	vmax.f32 v63, $0.0e+00;
	v22 =	vadd.f32 v20, v16;
	v25 =	vld [tilespmem:s22+$0xE0]  }
0x319: {  	p2 =	por $0x1, $0x1;
	v27 =	vadd.f32 $9.999999710e-10, v31;
	s22 =	sadd.s32 $0xFFFFFFFF, s24;
	v20 =	vld [tilespmem:s23+$0x70];
	s24 =	simm.s32 $0x12510;
	v23 =	vmax.f32 v26, v10;
	v33 =	vmax.f32 v29, $0.0e+00  }
0x31a: {  	_ =	sdelay $0x2  }
0x31b: {  	v34 =	vld [tilespmem:s24+$0xFFFFFEB0]  }
0x31c: {  	v26 =	vmul.f32 v33, v32;
	v35 =	vld [tilespmem:s24+$0xFFFFFF20];
	p4 =	sne.s32 s22, $0x1;
	(erf) = vrcp.f32 v27  }
.Ltmp10:
0x31d: {  	v28 =	vmin.f32 v18, v13;
	v29 =	vmax.f32 v30, v11;
	v18 =	vld [tilespmem:s24+$0xFFFFFF90];
	(pc) =	sbr.rel @!p4 .LBB2_17-.Ltmp10, $4  }
0x31e: {  	v30 =	vmin.f32 v19, v14;
	v19 =	vld [tilespmem:s24+$0x0];
	v63 =	vsub.f32 v28, v23;
	v31 =	vsub.f32 v22, v26  }
0x31f: {  	vm2 =	vmmov vm0;
	v30 =	vsub.f32 v30, v29;
	vm1 =	veq.f32 v25, v17;
	v23 =	vpop (erf)  }
0x320: {  	v29 =	vld [tilespmem:s20+$0xE0];
	v32 =	vmax.f32 v63, $0.0e+00;
	v28 =	vadd.f32 $9.999999710e-10, v31;
	v31 =	vmul.f32 v23, v21  }
0x321: {  	s22 =	sadd.s32 $0xFFFFFFFF, s22;
	s25 =	simm.s32 $0x12520;
	p3 =	por $0x1, $0x1;
	v22 =	vadd.f32 v20, v16;
	v20 =	vld [tilespmem:s24+$0x70];
	v33 =	vmax.f32 v30, $0.0e+00;
	v23 =	vmax.f32 v34, v10;
	v34 =	vmovc v24  }
.LBB2_18:
0x322: {  	v30 =	vld [tilespmem:s25+$0xFFFFFEB0];
	v32 =	vmul.f32 v33, v32;
	(erf) = vrcp.f32 v28;
	vm3 =	vgt.f32 v31, $5.000000000e-01;
	p4 =	sne.s32 s22, $0x1  }
.Ltmp11:
0x323: {  	v28 =	vmax.f32 v35, v11;
	v35 =	vld [tilespmem:s25+$0xFFFFFF20];
	v31 =	vmin.f32 v18, v13;
	vm1 =	vmand vm1, vm3;
	(pc) =	sbr.rel @p4 .LBB2_18-.Ltmp11, $4  }
0x324: {  	v18 =	vld [tilespmem:s25+$0xFFFFFF90];
	v33 =	vmin.f32 v19, v14;
	v36 =	vsub.f32 v22, v32;
	vm2 =	vmor vm2, vm1  }
0x325: {  	s22 =	sadd.s32 $0xFFFFFFFF, s22;
	v37 =	vsub.f32 v31, v23;
	v19 =	vld [tilespmem:s25+$0x0];
	v33 =	vsub.f32 v33, v28;
	vm1 =	veq.f32 v29, v17;
	v23 =	vpop (erf)  }
0x326: {  	v22 =	vadd.f32 v20, v16;
	v28 =	vadd.f32 $9.999999710e-10, v36;
	v29 =	vld [tilespmem:s21+$0xE0];
	v31 =	vmul.f32 v23, v34;
	v34 =	vmovc v26;
	v26 =	vmovc v32;
	s21 =	smov.u32 s23;
	s23 =	smov.u32 s24;
	s24 =	smov.u32 s25  }
0x327: {  	s25 =	sadd.s32 $0x10, s25;
	v32 =	vmax.f32 v37, $0.0e+00;
	v20 =	vld [tilespmem:s24+$0x70];
	v23 =	vmax.f32 v30, v10;
	v33 =	vmax.f32 v33, $0.0e+00  }
.Ltmp12:
0x328: {  	(pc) =	sbr.rel .LBB2_20-.Ltmp12, $2  }
0x329: {  	_ =	sdelay $0x2  }
0x32a: {  	s25 =	smov.u32 s21;
	v30 =	vmov v35;
	s22 =	smov.u32 s23;
	s21 =	smov.u32 s24  }
.LBB2_11:
.Ltmp13:
0x32b: {  	(pc) =	sbr.rel .LBB2_20-.Ltmp13, $2  }
0x32c: {  	_ =	sdelay $0x2  }
0x32d: {  	vm2 =	vmmov vm0;
	s21 =	simm.s32 $0x124E0  }
.LBB2_13:
.Ltmp14:
0x32e: {  	(pc) =	sbr.rel .LBB2_20-.Ltmp14, $2  }
0x32f: {  	_ =	sdelay $0x2  }
0x330: {  	v26 =	vmov v21;
	vm2 =	vmmov vm0;
	s25 =	simm.s32 $0x124D0;
	s22 =	simm.s32 $0x124E0;
	v30 =	vmov v25  }
.LBB2_15:
.Ltmp15:
0x331: {  	(pc) =	sbr.rel .LBB2_20-.Ltmp15, $2  }
0x332: {  	_ =	sdelay $0x2  }
0x333: {  	vm2 =	vmmov vm0;
	s25 =	simm.s32 $0x124E0;
	v34 =	vmovc v21;
	v26 =	vmovc v24;
	s22 =	simm.s32 $0x124F0;
	s21 =	simm.s32 $0x12500;
	v28 =	vmov v27;
	v29 =	vmov v25  }
.LBB2_17:
.Ltmp16:
0x334: {  	(pc) =	sbr.rel .LBB2_20-.Ltmp16, $2  }
0x335: {  	_ =	sdelay $0x2  }
0x336: {  	v30 =	vmov v35;
	vm2 =	vmmov vm0;
	s25 =	simm.s32 $0x124F0;
	v34 =	vmov v24;
	s22 =	simm.s32 $0x12500;
	s21 =	simm.s32 $0x12510  }
.LBB2_22:
0x337: {  	s3 =	simm.s32 $0x0;
	s5 =	simm.s32 $0x12700;
	s29 =	simm.s32 $0x1  }
0x338: {  	[hbm4b:s4+s3] =	stream.linear.scatter [tilespmem:s5], [sflag:$0x1], $0x3200, $0x38;
	[tilespmem:$0x1B608] =	vst v63  }
0x339: {  	_ =	swait.ge [sflag:s29], $0x3200  }
0x33a: {  	[sflag:s29] =	ssyncset.done $0x0  }
0x33b: {  	s30 =	simm.s32 $0x15B00;
	[sflag:s29] =	ssyncadd.s32 $0xFFFFCE00  }
0x33c: {  	[hbm4b:s2+s3] =	stream.linear.scatter [tilespmem:s30], [sflag:$0x1], $0x64, $0x38;
	[tilespmem:$0x1B608] =	vst v63  }
0x33d: {  	_ =	swait.ge [sflag:s29], $0x64  }
0x33e: {  	[sflag:s29] =	ssyncset.done $0x0  }
0x33f: {  	s31 =	simm.s32 $0x15B80;
	[sflag:s29] =	ssyncadd.s32 $0xFFFFFF9C  }
0x340: {  	[hbm4b:s1+s3] =	stream.linear.scatter [tilespmem:s31], [sflag:$0x1], $0x64, $0x38;
	[tilespmem:$0x1B608] =	vst v63  }
0x341: {  	_ =	swait.ge [sflag:s29], $0x64  }
0x342: {  	[sflag:s29] =	ssyncset.done $0x0  }
0x343: {  	[sflag:s29] =	ssyncadd.s32 $0xFFFFFF9C  }
0x344: {  	_ =	sfence.sel $0x180000  }
0x345: {  	[bflag:$0x0] =	sbarrier.arrive $0xFFFF  }
0x346: {  	_ =	strace $0x90000047  }
0x347: {  	s0 =	sadd.s32 $0x100000, s0;
	[bflag:$0x2] =	sbarrier.arrive $0xFFFF  }
0x348: {  	[sflag:s0] =	ssyncadd.tile.s32 $0x1;
	_ =	shalt  }
.Lfunc_end2:
_tile_overlayer_lowered:
.L_overlay_start_2:
0x349: {  	(tag) =	ssettag $0x2  }
0x34a: {  	s0 =	rddreg [dreg:$0x0];
	s2 =	stileid.u32  }
0x34b: {  	s1 =	rddreg [dreg:$0x1];
	p0 =	sne.s32 s2, $0x0  }
0x34c: {  	s3 =	rddreg [dreg:$0x2];
	[bflag:$0x3] =	sbarrier.arrive $0xFFFF;
	s2 =	simm.s32 @!p0 $0x1C01  }
0x34d: {  	[timem:s3], [sflag:s2] =	dma.local @!p0 [hbm:s0], s1  }
0x34e: {  	s0 =	simm.s32 @!p0 $0x1  }
0x34f: {  	_ =	swait.ge @!p0 [sflag:s0], s1  }
0x350: {  	s1 =	ssub.s32 @!p0 $0x0, s1;
	[sflag:s0] =	ssyncset.done @!p0 $0x0  }
0x351: {  	[sflag:s0] =	ssyncadd.s32 @!p0 s1  }
0x352: {  	[bflag:$0x3] =	sbarrier.arrive $0xFFFF  }
0x353: {  	_ =	shalt  }

</sc_bundles>
